<compile_context>
chip_gen: v7x
topology: tpu7x:2x2x1
jax: 0.10.2.dev20260603
libtpu: 0.0.44.dev20260713+nightly
codegen_flags: <defaults>
</compile_context>

<pallas_src>
import functools

import jax
import jax.numpy as jnp
from jax import lax
from jax.experimental import pallas as pl
from jax.experimental.pallas import tpu as pltpu
from jax.experimental.pallas import tpu_sc as plsc

BATCH = 4096
NUM_STAGES = 10
CODE_LEN = 1024
ROW = (NUM_STAGES + 1) * CODE_LEN
CLIP = 20.0
LANES = 16
NCHUNK = CODE_LEN // LANES


def _minsum(x, y):
    return jnp.sign(x) * jnp.sign(y) * jnp.minimum(jnp.abs(x), jnp.abs(y))


def _clip(x):
    return jnp.minimum(jnp.maximum(x, -CLIP), CLIP)


def _make_sc_kernel():
    info = plsc.get_sparse_core_info()
    nc, ns = info.num_cores, info.num_subcores
    nw = nc * ns
    rows_per_w = BATCH // nw

    mesh = plsc.VectorSubcoreMesh(core_axis_name="c", subcore_axis_name="s")

    @functools.partial(
        pl.kernel,
        out_type=jax.ShapeDtypeStruct((BATCH * ROW,), jnp.float32),
        mesh=mesh,
        scratch_types=[
            pltpu.VMEM((CODE_LEN,), jnp.float32),
            pltpu.VMEM((NUM_STAGES * CODE_LEN,), jnp.float32),
            pltpu.VMEM(((NUM_STAGES + 1) * CODE_LEN,), jnp.float32),
            pltpu.VMEM((2 * NUM_STAGES * LANES,), jnp.float32),
        ],
    )
    def sc_kernel(right_hbm, left_hbm, w_hbm, out_hbm, cur, rbuf, obuf, wbuf):
        wid = lax.axis_index("s") * nc + lax.axis_index("c")
        pltpu.sync_copy(w_hbm, wbuf)
        lanes = lax.iota(jnp.int32, 16)

        def row_body(k, carry):
            roff = (wid * rows_per_w + k) * ROW
            pltpu.sync_copy(left_hbm.at[pl.ds(roff + NUM_STAGES * CODE_LEN, CODE_LEN)], cur)
            pltpu.sync_copy(right_hbm.at[pl.ds(roff, NUM_STAGES * CODE_LEN)], rbuf)

            def clip_body(c, carry):
                b = c * LANES
                obuf[pl.ds(NUM_STAGES * CODE_LEN + b, LANES)] = _clip(cur[pl.ds(b, LANES)])
                return carry

            lax.fori_loop(0, NCHUNK, clip_body, 0)

            for i in reversed(range(NUM_STAGES)):
                w0 = wbuf[pl.ds(i * LANES, LANES)]
                w1 = wbuf[pl.ds((NUM_STAGES + i) * LANES, LANES)]
                if i >= 4:
                    sh = i - 4
                    db = 1 << sh

                    def pair_body(t, carry, i=i, sh=sh, db=db, w0=w0, w1=w1):
                        mchunk = ((t >> sh) << (sh + 1)) | (t & (db - 1))
                        mb = mchunk * LANES
                        pb = mb + db * LANES
                        cm = cur[pl.ds(mb, LANES)]
                        cp = cur[pl.ds(pb, LANES)]
                        rm = rbuf[pl.ds(i * CODE_LEN + mb, LANES)]
                        rp = rbuf[pl.ds(i * CODE_LEN + pb, LANES)]
                        nm = w0 * _minsum(cm, cp + rp)
                        npv = w1 * _minsum(cm, rm) + cp
                        cur[pl.ds(mb, LANES)] = nm
                        cur[pl.ds(pb, LANES)] = npv
                        obuf[pl.ds(i * CODE_LEN + mb, LANES)] = _clip(nm)
                        obuf[pl.ds(i * CODE_LEN + pb, LANES)] = _clip(npv)
                        return carry

                    lax.fori_loop(0, NCHUNK // 2, pair_body, 0)
                else:
                    d = 1 << i
                    xidx = lanes ^ d
                    upper = (lanes & d) == 0

                    def chunk_body(c, carry, i=i, xidx=xidx, upper=upper,
                                   w0=w0, w1=w1):
                        b = c * LANES
                        cc = cur[pl.ds(b, LANES)]
                        rc = rbuf[pl.ds(i * CODE_LEN + b, LANES)]
                        cs = cc.at[xidx].get(mode="promise_in_bounds")
                        rs = rc.at[xidx].get(mode="promise_in_bounds")
                        up = w0 * _minsum(cc, cs + rs)
                        lo = w1 * _minsum(cs, rs) + cc
                        nv = jnp.where(upper, up, lo)
                        cur[pl.ds(b, LANES)] = nv
                        obuf[pl.ds(i * CODE_LEN + b, LANES)] = _clip(nv)
                        return carry

                    lax.fori_loop(0, NCHUNK, chunk_body, 0)

            pltpu.sync_copy(obuf, out_hbm.at[pl.ds(roff, ROW)])
            return carry

        lax.fori_loop(0, rows_per_w, row_body, 0)

    return sc_kernel


_SC_KERNEL = None


def kernel(right, left, iter, left_weights):
    global _SC_KERNEL
    if _SC_KERNEL is None:
        _SC_KERNEL = _make_sc_kernel()
    w = left_weights[iter]
    wv = jnp.broadcast_to(
        w.T[:, :, None], (2, NUM_STAGES, LANES)
    ).astype(jnp.float32).reshape(2 * NUM_STAGES * LANES)
    out = _SC_KERNEL(right.reshape(-1), left.reshape(-1), wv)
    return out.reshape(BATCH, NUM_STAGES + 1, CODE_LEN)

# --- scband reference (transcript-rebuilt; emitter-appended) ---
"""Pipeline reference for scband-iterate-left-layer-20289425506634 (READ-ONLY COPY).

The authoritative reference and input builder live on the scoring server;
editing this copy changes nothing except your own understanding.
"""

import jax, jax.numpy as jnp
import numpy as np

CODE_LEN = 1024
NUM_STAGES = int(np.log2(CODE_LEN))
NUM_HIDDEN_LAYERS = 5
CLIPPING_VAL = 20.0
BATCH = 4096


def initialize_connections(code_len):
    # connections[i, j] == 1 iff bit i of index j is 0 (upper branch of the
    # stage-i butterfly in the polar-code factor graph)
    l_stages = int(np.log2(code_len))
    idx = np.arange(code_len)
    conn = np.zeros((l_stages, code_len))
    for i in range(l_stages):
        conn[i] = (((idx >> i) & 1) == 0).astype(float)
    return conn


def get_masks_dicts(code_len, connections, pi=None):
    l_stages = int(np.log2(code_len))
    if not pi:
        pi = list(range(l_stages))
    maskt = connections[pi, :].T.astype(bool)
    idx = np.arange(code_len)
    mask_resized_dict = {}
    negative_mask_resized_dict = {}
    for i in range(l_stages):
        m = maskt[:, i]
        mask_resized_dict[i] = idx[m].reshape(code_len // 2)
        negative_mask_resized_dict[i] = idx[~m].reshape(code_len // 2)
    return mask_resized_dict, negative_mask_resized_dict


_CONN = initialize_connections(CODE_LEN)
MASK_DICT, NEG_MASK_DICT = get_masks_dicts(CODE_LEN, _CONN)


def min_sum(x, y):
    return jnp.sign(x) * jnp.sign(y) * jnp.minimum(jnp.abs(x), jnp.abs(y))


def setup_inputs(seed: int = 0) -> dict:
    key = jax.random.key(seed)
    k1, k2 = jax.random.split(key)
    right = jax.random.normal(k1, (BATCH, NUM_STAGES + 1, CODE_LEN), dtype=jnp.float32)
    left = jax.random.normal(k2, (BATCH, NUM_STAGES + 1, CODE_LEN), dtype=jnp.float32)
    left_weights = jnp.ones((NUM_HIDDEN_LAYERS, NUM_STAGES, 2), dtype=jnp.float32)
    return {"right": right, "left": left, "iter": 0, "left_weights": left_weights}


def reference(right, left, iter, left_weights):
    for i in reversed(range(NUM_STAGES)):
        mask = MASK_DICT[i]
        neg = NEG_MASK_DICT[i]
        left_prev0 = left[:, i + 1, neg]
        left_prev1 = left[:, i + 1, mask]
        right_prev0 = right[:, i, neg]
        right_prev1 = right[:, i, mask]
        new_mask_vals = left_weights[iter, i, 0] * min_sum(left_prev1, left_prev0 + right_prev0)
        new_neg_vals = left_weights[iter, i, 1] * min_sum(left_prev1, right_prev1) + left_prev0
        left = left.at[:, i, mask].set(new_mask_vals)
        left = left.at[:, i, neg].set(new_neg_vals)
    left = jnp.clip(left, -CLIPPING_VAL, CLIPPING_VAL)
    return left

if __name__ == "__main__":
    import jax
    _d = setup_inputs()
    print(jax.jit(kernel)(*tuple(_d.values())))

</pallas_src>

<mosaic_0001>
#map = affine_map<(d0, d1) -> (0)>
module attributes {stable_mosaic.version = 14 : i64} {
  func.func @sc_kernel(%arg0: i32, %arg1: i32, %arg2: memref<46137344xf32, #tpu.memory_space<hbm>>, %arg3: memref<46137344xf32, #tpu.memory_space<hbm>>, %arg4: memref<320xf32, #tpu.memory_space<hbm>>, %arg5: memref<46137344xf32, #tpu.memory_space<hbm>>, %arg6: memref<1024xf32, #tpu.memory_space<vmem>>, %arg7: memref<10240xf32, #tpu.memory_space<vmem>>, %arg8: memref<11264xf32, #tpu.memory_space<vmem>>, %arg9: memref<320xf32, #tpu.memory_space<vmem>>) attributes {dimension_semantics = [#tpu.dimension_semantics<core_parallel>, #tpu.dimension_semantics<subcore_parallel>], iteration_bounds = array<i64: 2, 16>, scalar_prefetch = 0 : i64, scratch_operands = 4 : i64, tpu.core_type = #tpu.core_type<sc_vector_subcore>, window_params = [{transform_indices = #map}, {transform_indices = #map}, {transform_indices = #map}, {transform_indices = #map}]} {
    %mul3A = arith.constant 2 : i32
    %mul3A_0 = arith.muli %arg1, %mul3A : i32
    %add3A = arith.addi %mul3A_0, %arg0 : i32
    "tpu.region"() ({
      %run_scoped3A = tpu.sem_alloc : memref<!tpu.dma_semaphore, #tpu.memory_space<semaphore_mem>>
      tpu.enqueue_dma source(%arg4 : memref<320xf32, #tpu.memory_space<hbm>>) target(%arg9 : memref<320xf32, #tpu.memory_space<vmem>>) target_semaphore(%run_scoped3A : memref<!tpu.dma_semaphore, #tpu.memory_space<semaphore_mem>>)
      tpu.wait_dma2 semaphore(%run_scoped3A : memref<!tpu.dma_semaphore, #tpu.memory_space<semaphore_mem>>) src(%arg4 : memref<320xf32, #tpu.memory_space<hbm>>) dst(%arg9 : memref<320xf32, #tpu.memory_space<vmem>>)
      tpu.yield
    }) : () -> ()
    %iota3A = tpu.iota {dimensions = array<i32: 0>} : vector<16xi32>
    %scan3A = arith.constant 0 : i32
    %scan3A_1 = arith.constant 0 : i32
    %scan3A_2 = arith.constant 128 : i32
    %scan3A_3 = arith.addi %scan3A_1, %scan3A_2 : i32
    %scan3A_4 = arith.constant 1 : i32
    scf.for %scan3A_6 = %scan3A_1 to %scan3A_3 step %scan3A_4  : i32 {
      %mul3A_7 = arith.constant 128 : i32
      %mul3A_8 = arith.muli %add3A, %mul3A_7 : i32
      %add3A_9 = arith.addi %mul3A_8, %scan3A_6 : i32
      %mul3A_10 = arith.constant 11264 : i32
      %mul3A_11 = arith.muli %add3A_9, %mul3A_10 : i32
      %add3A_12 = arith.constant 10240 : i32
      %add3A_13 = arith.addi %mul3A_11, %add3A_12 : i32
      "tpu.region"() ({
        %run_scoped3A = tpu.sem_alloc : memref<!tpu.dma_semaphore, #tpu.memory_space<semaphore_mem>>
        %dma_start3A = tpu.memref_slice %arg3[%add3A_13] : memref<46137344xf32, #tpu.memory_space<hbm>> -> memref<1024xf32, #tpu.memory_space<hbm>>
        %dma_start3A_172 = tpu.memref_slice %arg3[%add3A_13] : memref<46137344xf32, #tpu.memory_space<hbm>> -> memref<1024xf32, #tpu.memory_space<hbm>>
        tpu.enqueue_dma source(%dma_start3A_172 : memref<1024xf32, #tpu.memory_space<hbm>>) target(%arg6 : memref<1024xf32, #tpu.memory_space<vmem>>) target_semaphore(%run_scoped3A : memref<!tpu.dma_semaphore, #tpu.memory_space<semaphore_mem>>)
        %dma_wait3A = tpu.memref_slice %arg3[%add3A_13] : memref<46137344xf32, #tpu.memory_space<hbm>> -> memref<1024xf32, #tpu.memory_space<hbm>>
        %dma_wait3A_173 = tpu.memref_slice %arg3[%add3A_13] : memref<46137344xf32, #tpu.memory_space<hbm>> -> memref<1024xf32, #tpu.memory_space<hbm>>
        tpu.wait_dma2 semaphore(%run_scoped3A : memref<!tpu.dma_semaphore, #tpu.memory_space<semaphore_mem>>) src(%dma_wait3A_173 : memref<1024xf32, #tpu.memory_space<hbm>>) dst(%arg6 : memref<1024xf32, #tpu.memory_space<vmem>>)
        tpu.yield
      }) : () -> ()
      "tpu.region"() ({
        %run_scoped3A = tpu.sem_alloc : memref<!tpu.dma_semaphore, #tpu.memory_space<semaphore_mem>>
        %dma_start3A = tpu.memref_slice %arg2[%mul3A_11] : memref<46137344xf32, #tpu.memory_space<hbm>> -> memref<10240xf32, #tpu.memory_space<hbm>>
        %dma_start3A_172 = tpu.memref_slice %arg2[%mul3A_11] : memref<46137344xf32, #tpu.memory_space<hbm>> -> memref<10240xf32, #tpu.memory_space<hbm>>
        tpu.enqueue_dma source(%dma_start3A_172 : memref<10240xf32, #tpu.memory_space<hbm>>) target(%arg7 : memref<10240xf32, #tpu.memory_space<vmem>>) target_semaphore(%run_scoped3A : memref<!tpu.dma_semaphore, #tpu.memory_space<semaphore_mem>>)
        %dma_wait3A = tpu.memref_slice %arg2[%mul3A_11] : memref<46137344xf32, #tpu.memory_space<hbm>> -> memref<10240xf32, #tpu.memory_space<hbm>>
        %dma_wait3A_173 = tpu.memref_slice %arg2[%mul3A_11] : memref<46137344xf32, #tpu.memory_space<hbm>> -> memref<10240xf32, #tpu.memory_space<hbm>>
        tpu.wait_dma2 semaphore(%run_scoped3A : memref<!tpu.dma_semaphore, #tpu.memory_space<semaphore_mem>>) src(%dma_wait3A_173 : memref<10240xf32, #tpu.memory_space<hbm>>) dst(%arg7 : memref<10240xf32, #tpu.memory_space<vmem>>)
        tpu.yield
      }) : () -> ()
      %scan3A_14 = arith.constant 0 : i32
      %scan3A_15 = arith.constant 0 : i32
      %scan3A_16 = arith.constant 64 : i32
      %scan3A_17 = arith.addi %scan3A_15, %scan3A_16 : i32
      %scan3A_18 = arith.constant 1 : i32
      scf.for %scan3A_172 = %scan3A_15 to %scan3A_17 step %scan3A_18  : i32 {
        %mul3A_173 = arith.constant 16 : i32
        %mul3A_174 = arith.muli %scan3A_172, %mul3A_173 : i32
        %get3A_175 = arith.index_cast %mul3A_174 : i32 to index
        %get3A_176 = tpu.vector_load %arg6[%get3A_175] {strides = array<i32>} : memref<1024xf32, #tpu.memory_space<vmem>>, vector<16xf32>,
        %get3A_177 = vector.shape_cast %get3A_176 : vector<16xf32> to vector<16xf32>
        %max3A = arith.constant -2.000000e+01 : f32
        %max3A_178 = vector.broadcast %max3A : f32 to vector<16xf32>
        %max3A_179 = arith.maximumf %get3A_177, %max3A_178 : vector<16xf32>
        %min3A = arith.constant 2.000000e+01 : f32
        %min3A_180 = vector.broadcast %min3A : f32 to vector<16xf32>
        %min3A_181 = arith.minimumf %max3A_179, %min3A_180 : vector<16xf32>
        %add3A_182 = arith.constant 10240 : i32
        %add3A_183 = arith.addi %add3A_182, %mul3A_174 : i32
        %swap3A = arith.index_cast %add3A_183 : i32 to index
        %swap3A_184 = tpu.vector_load %arg8[%swap3A] {strides = array<i32>} : memref<11264xf32, #tpu.memory_space<vmem>>, vector<16xf32>,
        %swap3A_185 = vector.shape_cast %swap3A_184 : vector<16xf32> to vector<16xf32>
        %swap3A_186 = vector.shape_cast %min3A_181 : vector<16xf32> to vector<16xf32>
        tpu.vector_store %arg8[%swap3A], %swap3A_186 {strides = array<i32>} : memref<11264xf32, #tpu.memory_space<vmem>>, vector<16xf32>,
      }
      %scan3A_19 = arith.constant 64 : i32
      %get3A = arith.constant 144 : index
      %get3A_20 = tpu.vector_load %arg9[%get3A] {strides = array<i32>} : memref<320xf32, #tpu.memory_space<vmem>>, vector<16xf32>,
      %get3A_21 = vector.shape_cast %get3A_20 : vector<16xf32> to vector<16xf32>
      %get3A_22 = arith.constant 304 : index
      %get3A_23 = tpu.vector_load %arg9[%get3A_22] {strides = array<i32>} : memref<320xf32, #tpu.memory_space<vmem>>, vector<16xf32>,
      %get3A_24 = vector.shape_cast %get3A_23 : vector<16xf32> to vector<16xf32>
      %scan3A_25 = arith.constant 0 : i32
      %scan3A_26 = arith.constant 0 : i32
      %scan3A_27 = arith.constant 32 : i32
      %scan3A_28 = arith.addi %scan3A_26, %scan3A_27 : i32
      %scan3A_29 = arith.constant 1 : i32
      scf.for %scan3A_172 = %scan3A_26 to %scan3A_28 step %scan3A_29  : i32 {
        %shift_right_arithmetic3A = arith.constant 5 : i32
        %shift_right_arithmetic3A_173 = arith.shrsi %scan3A_172, %shift_right_arithmetic3A : i32
        %shift_left3A = arith.constant 6 : i32
        %shift_left3A_174 = arith.shli %shift_right_arithmetic3A_173, %shift_left3A : i32
        %and3A_175 = arith.constant 31 : i32
        %and3A_176 = arith.andi %scan3A_172, %and3A_175 : i32
        %or3A = arith.ori %shift_left3A_174, %and3A_176 : i32
        %mul3A_177 = arith.constant 16 : i32
        %mul3A_178 = arith.muli %or3A, %mul3A_177 : i32
        %add3A_179 = arith.constant 512 : i32
        %add3A_180 = arith.addi %mul3A_178, %add3A_179 : i32
        %get3A_181 = arith.index_cast %mul3A_178 : i32 to index
        %get3A_182 = tpu.vector_load %arg6[%get3A_181] {strides = array<i32>} : memref<1024xf32, #tpu.memory_space<vmem>>, vector<16xf32>,
        %get3A_183 = vector.shape_cast %get3A_182 : vector<16xf32> to vector<16xf32>
        %get3A_184 = arith.index_cast %add3A_180 : i32 to index
        %get3A_185 = tpu.vector_load %arg6[%get3A_184] {strides = array<i32>} : memref<1024xf32, #tpu.memory_space<vmem>>, vector<16xf32>,
        %get3A_186 = vector.shape_cast %get3A_185 : vector<16xf32> to vector<16xf32>
        %add3A_187 = arith.constant 9216 : i32
        %add3A_188 = arith.addi %add3A_187, %mul3A_178 : i32
        %get3A_189 = arith.index_cast %add3A_188 : i32 to index
        %get3A_190 = tpu.vector_load %arg7[%get3A_189] {strides = array<i32>} : memref<10240xf32, #tpu.memory_space<vmem>>, vector<16xf32>,
        %get3A_191 = vector.shape_cast %get3A_190 : vector<16xf32> to vector<16xf32>
        %add3A_192 = arith.constant 9216 : i32
        %add3A_193 = arith.addi %add3A_192, %add3A_180 : i32
        %get3A_194 = arith.index_cast %add3A_193 : i32 to index
        %get3A_195 = tpu.vector_load %arg7[%get3A_194] {strides = array<i32>} : memref<10240xf32, #tpu.memory_space<vmem>>, vector<16xf32>,
        %get3A_196 = vector.shape_cast %get3A_195 : vector<16xf32> to vector<16xf32>
        %add3A_197 = arith.addf %get3A_186, %get3A_196 : vector<16xf32>
        %sign3A = tpu.bitcast %get3A_183 : vector<16xf32> -> vector<16xi32>
        %sign3A_198 = arith.constant -2147483648 : i32
        %sign3A_199 = vector.broadcast %sign3A_198 : i32 to vector<16xi32>
        %sign3A_200 = arith.andi %sign3A, %sign3A_199 : vector<16xi32>
        %sign3A_201 = arith.constant 1065353216 : i32
        %sign3A_202 = vector.broadcast %sign3A_201 : i32 to vector<16xi32>
        %sign3A_203 = arith.ori %sign3A_202, %sign3A_200 : vector<16xi32>
        %sign3A_204 = tpu.bitcast %sign3A_203 : vector<16xi32> -> vector<16xf32>
        %sign3A_205 = math.absf %get3A_183 : vector<16xf32>
        %sign3A_206 = arith.constant 0.000000e+00 : f32
        %sign3A_207 = vector.broadcast %sign3A_206 : f32 to vector<16xf32>
        %sign3A_208 = arith.cmpf ogt, %sign3A_205, %sign3A_207 : vector<16xf32>
        %sign3A_209 = arith.select %sign3A_208, %sign3A_204, %get3A_183 : vector<16xi1>, vector<16xf32>
        %sign3A_210 = tpu.bitcast %add3A_197 : vector<16xf32> -> vector<16xi32>
        %sign3A_211 = arith.constant -2147483648 : i32
        %sign3A_212 = vector.broadcast %sign3A_211 : i32 to vector<16xi32>
        %sign3A_213 = arith.andi %sign3A_210, %sign3A_212 : vector<16xi32>
        %sign3A_214 = arith.constant 1065353216 : i32
        %sign3A_215 = vector.broadcast %sign3A_214 : i32 to vector<16xi32>
        %sign3A_216 = arith.ori %sign3A_215, %sign3A_213 : vector<16xi32>
        %sign3A_217 = tpu.bitcast %sign3A_216 : vector<16xi32> -> vector<16xf32>
        %sign3A_218 = math.absf %add3A_197 : vector<16xf32>
        %sign3A_219 = arith.constant 0.000000e+00 : f32
        %sign3A_220 = vector.broadcast %sign3A_219 : f32 to vector<16xf32>
        %sign3A_221 = arith.cmpf ogt, %sign3A_218, %sign3A_220 : vector<16xf32>
        %sign3A_222 = arith.select %sign3A_221, %sign3A_217, %add3A_197 : vector<16xi1>, vector<16xf32>
        %mul3A_223 = arith.mulf %sign3A_209, %sign3A_222 : vector<16xf32>
        %abs3A = math.absf %get3A_183 : vector<16xf32>
        %abs3A_224 = math.absf %add3A_197 : vector<16xf32>
        %min3A = arith.minimumf %abs3A, %abs3A_224 : vector<16xf32>
        %mul3A_225 = arith.mulf %mul3A_223, %min3A : vector<16xf32>
        %mul3A_226 = arith.mulf %get3A_21, %mul3A_225 : vector<16xf32>
        %sign3A_227 = tpu.bitcast %get3A_183 : vector<16xf32> -> vector<16xi32>
        %sign3A_228 = arith.constant -2147483648 : i32
        %sign3A_229 = vector.broadcast %sign3A_228 : i32 to vector<16xi32>
        %sign3A_230 = arith.andi %sign3A_227, %sign3A_229 : vector<16xi32>
        %sign3A_231 = arith.constant 1065353216 : i32
        %sign3A_232 = vector.broadcast %sign3A_231 : i32 to vector<16xi32>
        %sign3A_233 = arith.ori %sign3A_232, %sign3A_230 : vector<16xi32>
        %sign3A_234 = tpu.bitcast %sign3A_233 : vector<16xi32> -> vector<16xf32>
        %sign3A_235 = math.absf %get3A_183 : vector<16xf32>
        %sign3A_236 = arith.constant 0.000000e+00 : f32
        %sign3A_237 = vector.broadcast %sign3A_236 : f32 to vector<16xf32>
        %sign3A_238 = arith.cmpf ogt, %sign3A_235, %sign3A_237 : vector<16xf32>
        %sign3A_239 = arith.select %sign3A_238, %sign3A_234, %get3A_183 : vector<16xi1>, vector<16xf32>
        %sign3A_240 = tpu.bitcast %get3A_191 : vector<16xf32> -> vector<16xi32>
        %sign3A_241 = arith.constant -2147483648 : i32
        %sign3A_242 = vector.broadcast %sign3A_241 : i32 to vector<16xi32>
        %sign3A_243 = arith.andi %sign3A_240, %sign3A_242 : vector<16xi32>
        %sign3A_244 = arith.constant 1065353216 : i32
        %sign3A_245 = vector.broadcast %sign3A_244 : i32 to vector<16xi32>
        %sign3A_246 = arith.ori %sign3A_245, %sign3A_243 : vector<16xi32>
        %sign3A_247 = tpu.bitcast %sign3A_246 : vector<16xi32> -> vector<16xf32>
        %sign3A_248 = math.absf %get3A_191 : vector<16xf32>
        %sign3A_249 = arith.constant 0.000000e+00 : f32
        %sign3A_250 = vector.broadcast %sign3A_249 : f32 to vector<16xf32>
        %sign3A_251 = arith.cmpf ogt, %sign3A_248, %sign3A_250 : vector<16xf32>
        %sign3A_252 = arith.select %sign3A_251, %sign3A_247, %get3A_191 : vector<16xi1>, vector<16xf32>
        %mul3A_253 = arith.mulf %sign3A_239, %sign3A_252 : vector<16xf32>
        %abs3A_254 = math.absf %get3A_183 : vector<16xf32>
        %abs3A_255 = math.absf %get3A_191 : vector<16xf32>
        %min3A_256 = arith.minimumf %abs3A_254, %abs3A_255 : vector<16xf32>
        %mul3A_257 = arith.mulf %mul3A_253, %min3A_256 : vector<16xf32>
        %mul3A_258 = arith.mulf %get3A_24, %mul3A_257 : vector<16xf32>
        %add3A_259 = arith.addf %mul3A_258, %get3A_186 : vector<16xf32>
        %swap3A = arith.index_cast %mul3A_178 : i32 to index
        %swap3A_260 = tpu.vector_load %arg6[%swap3A] {strides = array<i32>} : memref<1024xf32, #tpu.memory_space<vmem>>, vector<16xf32>,
        %swap3A_261 = vector.shape_cast %swap3A_260 : vector<16xf32> to vector<16xf32>
        %swap3A_262 = vector.shape_cast %mul3A_226 : vector<16xf32> to vector<16xf32>
        tpu.vector_store %arg6[%swap3A], %swap3A_262 {strides = array<i32>} : memref<1024xf32, #tpu.memory_space<vmem>>, vector<16xf32>,
        %swap3A_263 = arith.index_cast %add3A_180 : i32 to index
        %swap3A_264 = tpu.vector_load %arg6[%swap3A_263] {strides = array<i32>} : memref<1024xf32, #tpu.memory_space<vmem>>, vector<16xf32>,
        %swap3A_265 = vector.shape_cast %swap3A_264 : vector<16xf32> to vector<16xf32>
        %swap3A_266 = vector.shape_cast %add3A_259 : vector<16xf32> to vector<16xf32>
        tpu.vector_store %arg6[%swap3A_263], %swap3A_266 {strides = array<i32>} : memref<1024xf32, #tpu.memory_space<vmem>>, vector<16xf32>,
        %max3A = arith.constant -2.000000e+01 : f32
        %max3A_267 = vector.broadcast %max3A : f32 to vector<16xf32>
        %max3A_268 = arith.maximumf %mul3A_226, %max3A_267 : vector<16xf32>
        %min3A_269 = arith.constant 2.000000e+01 : f32
        %min3A_270 = vector.broadcast %min3A_269 : f32 to vector<16xf32>
        %min3A_271 = arith.minimumf %max3A_268, %min3A_270 : vector<16xf32>
        %add3A_272 = arith.constant 9216 : i32
        %add3A_273 = arith.addi %add3A_272, %mul3A_178 : i32
        %swap3A_274 = arith.index_cast %add3A_273 : i32 to index
        %swap3A_275 = tpu.vector_load %arg8[%swap3A_274] {strides = array<i32>} : memref<11264xf32, #tpu.memory_space<vmem>>, vector<16xf32>,
        %swap3A_276 = vector.shape_cast %swap3A_275 : vector<16xf32> to vector<16xf32>
        %swap3A_277 = vector.shape_cast %min3A_271 : vector<16xf32> to vector<16xf32>
        tpu.vector_store %arg8[%swap3A_274], %swap3A_277 {strides = array<i32>} : memref<11264xf32, #tpu.memory_space<vmem>>, vector<16xf32>,
        %max3A_278 = arith.constant -2.000000e+01 : f32
        %max3A_279 = vector.broadcast %max3A_278 : f32 to vector<16xf32>
        %max3A_280 = arith.maximumf %add3A_259, %max3A_279 : vector<16xf32>
        %min3A_281 = arith.constant 2.000000e+01 : f32
        %min3A_282 = vector.broadcast %min3A_281 : f32 to vector<16xf32>
        %min3A_283 = arith.minimumf %max3A_280, %min3A_282 : vector<16xf32>
        %add3A_284 = arith.constant 9216 : i32
        %add3A_285 = arith.addi %add3A_284, %add3A_180 : i32
        %swap3A_286 = arith.index_cast %add3A_285 : i32 to index
        %swap3A_287 = tpu.vector_load %arg8[%swap3A_286] {strides = array<i32>} : memref<11264xf32, #tpu.memory_space<vmem>>, vector<16xf32>,
        %swap3A_288 = vector.shape_cast %swap3A_287 : vector<16xf32> to vector<16xf32>
        %swap3A_289 = vector.shape_cast %min3A_283 : vector<16xf32> to vector<16xf32>
        tpu.vector_store %arg8[%swap3A_286], %swap3A_289 {strides = array<i32>} : memref<11264xf32, #tpu.memory_space<vmem>>, vector<16xf32>,
      }
      %scan3A_30 = arith.constant 32 : i32
      %get3A_31 = arith.constant 128 : index
      %get3A_32 = tpu.vector_load %arg9[%get3A_31] {strides = array<i32>} : memref<320xf32, #tpu.memory_space<vmem>>, vector<16xf32>,
      %get3A_33 = vector.shape_cast %get3A_32 : vector<16xf32> to vector<16xf32>
      %get3A_34 = arith.constant 288 : index
      %get3A_35 = tpu.vector_load %arg9[%get3A_34] {strides = array<i32>} : memref<320xf32, #tpu.memory_space<vmem>>, vector<16xf32>,
      %get3A_36 = vector.shape_cast %get3A_35 : vector<16xf32> to vector<16xf32>
      %scan3A_37 = arith.constant 0 : i32
      %scan3A_38 = arith.constant 0 : i32
      %scan3A_39 = arith.constant 32 : i32
      %scan3A_40 = arith.addi %scan3A_38, %scan3A_39 : i32
      %scan3A_41 = arith.constant 1 : i32
      scf.for %scan3A_172 = %scan3A_38 to %scan3A_40 step %scan3A_41  : i32 {
        %shift_right_arithmetic3A = arith.constant 4 : i32
        %shift_right_arithmetic3A_173 = arith.shrsi %scan3A_172, %shift_right_arithmetic3A : i32
        %shift_left3A = arith.constant 5 : i32
        %shift_left3A_174 = arith.shli %shift_right_arithmetic3A_173, %shift_left3A : i32
        %and3A_175 = arith.constant 15 : i32
        %and3A_176 = arith.andi %scan3A_172, %and3A_175 : i32
        %or3A = arith.ori %shift_left3A_174, %and3A_176 : i32
        %mul3A_177 = arith.constant 16 : i32
        %mul3A_178 = arith.muli %or3A, %mul3A_177 : i32
        %add3A_179 = arith.constant 256 : i32
        %add3A_180 = arith.addi %mul3A_178, %add3A_179 : i32
        %get3A_181 = arith.index_cast %mul3A_178 : i32 to index
        %get3A_182 = tpu.vector_load %arg6[%get3A_181] {strides = array<i32>} : memref<1024xf32, #tpu.memory_space<vmem>>, vector<16xf32>,
        %get3A_183 = vector.shape_cast %get3A_182 : vector<16xf32> to vector<16xf32>
        %get3A_184 = arith.index_cast %add3A_180 : i32 to index
        %get3A_185 = tpu.vector_load %arg6[%get3A_184] {strides = array<i32>} : memref<1024xf32, #tpu.memory_space<vmem>>, vector<16xf32>,
        %get3A_186 = vector.shape_cast %get3A_185 : vector<16xf32> to vector<16xf32>
        %add3A_187 = arith.constant 8192 : i32
        %add3A_188 = arith.addi %add3A_187, %mul3A_178 : i32
        %get3A_189 = arith.index_cast %add3A_188 : i32 to index
        %get3A_190 = tpu.vector_load %arg7[%get3A_189] {strides = array<i32>} : memref<10240xf32, #tpu.memory_space<vmem>>, vector<16xf32>,
        %get3A_191 = vector.shape_cast %get3A_190 : vector<16xf32> to vector<16xf32>
        %add3A_192 = arith.constant 8192 : i32
        %add3A_193 = arith.addi %add3A_192, %add3A_180 : i32
        %get3A_194 = arith.index_cast %add3A_193 : i32 to index
        %get3A_195 = tpu.vector_load %arg7[%get3A_194] {strides = array<i32>} : memref<10240xf32, #tpu.memory_space<vmem>>, vector<16xf32>,
        %get3A_196 = vector.shape_cast %get3A_195 : vector<16xf32> to vector<16xf32>
        %add3A_197 = arith.addf %get3A_186, %get3A_196 : vector<16xf32>
        %sign3A = tpu.bitcast %get3A_183 : vector<16xf32> -> vector<16xi32>
        %sign3A_198 = arith.constant -2147483648 : i32
        %sign3A_199 = vector.broadcast %sign3A_198 : i32 to vector<16xi32>
        %sign3A_200 = arith.andi %sign3A, %sign3A_199 : vector<16xi32>
        %sign3A_201 = arith.constant 1065353216 : i32
        %sign3A_202 = vector.broadcast %sign3A_201 : i32 to vector<16xi32>
        %sign3A_203 = arith.ori %sign3A_202, %sign3A_200 : vector<16xi32>
        %sign3A_204 = tpu.bitcast %sign3A_203 : vector<16xi32> -> vector<16xf32>
        %sign3A_205 = math.absf %get3A_183 : vector<16xf32>
        %sign3A_206 = arith.constant 0.000000e+00 : f32
        %sign3A_207 = vector.broadcast %sign3A_206 : f32 to vector<16xf32>
        %sign3A_208 = arith.cmpf ogt, %sign3A_205, %sign3A_207 : vector<16xf32>
        %sign3A_209 = arith.select %sign3A_208, %sign3A_204, %get3A_183 : vector<16xi1>, vector<16xf32>
        %sign3A_210 = tpu.bitcast %add3A_197 : vector<16xf32> -> vector<16xi32>
        %sign3A_211 = arith.constant -2147483648 : i32
        %sign3A_212 = vector.broadcast %sign3A_211 : i32 to vector<16xi32>
        %sign3A_213 = arith.andi %sign3A_210, %sign3A_212 : vector<16xi32>
        %sign3A_214 = arith.constant 1065353216 : i32
        %sign3A_215 = vector.broadcast %sign3A_214 : i32 to vector<16xi32>
        %sign3A_216 = arith.ori %sign3A_215, %sign3A_213 : vector<16xi32>
        %sign3A_217 = tpu.bitcast %sign3A_216 : vector<16xi32> -> vector<16xf32>
        %sign3A_218 = math.absf %add3A_197 : vector<16xf32>
        %sign3A_219 = arith.constant 0.000000e+00 : f32
        %sign3A_220 = vector.broadcast %sign3A_219 : f32 to vector<16xf32>
        %sign3A_221 = arith.cmpf ogt, %sign3A_218, %sign3A_220 : vector<16xf32>
        %sign3A_222 = arith.select %sign3A_221, %sign3A_217, %add3A_197 : vector<16xi1>, vector<16xf32>
        %mul3A_223 = arith.mulf %sign3A_209, %sign3A_222 : vector<16xf32>
        %abs3A = math.absf %get3A_183 : vector<16xf32>
        %abs3A_224 = math.absf %add3A_197 : vector<16xf32>
        %min3A = arith.minimumf %abs3A, %abs3A_224 : vector<16xf32>
        %mul3A_225 = arith.mulf %mul3A_223, %min3A : vector<16xf32>
        %mul3A_226 = arith.mulf %get3A_33, %mul3A_225 : vector<16xf32>
        %sign3A_227 = tpu.bitcast %get3A_183 : vector<16xf32> -> vector<16xi32>
        %sign3A_228 = arith.constant -2147483648 : i32
        %sign3A_229 = vector.broadcast %sign3A_228 : i32 to vector<16xi32>
        %sign3A_230 = arith.andi %sign3A_227, %sign3A_229 : vector<16xi32>
        %sign3A_231 = arith.constant 1065353216 : i32
        %sign3A_232 = vector.broadcast %sign3A_231 : i32 to vector<16xi32>
        %sign3A_233 = arith.ori %sign3A_232, %sign3A_230 : vector<16xi32>
        %sign3A_234 = tpu.bitcast %sign3A_233 : vector<16xi32> -> vector<16xf32>
        %sign3A_235 = math.absf %get3A_183 : vector<16xf32>
        %sign3A_236 = arith.constant 0.000000e+00 : f32
        %sign3A_237 = vector.broadcast %sign3A_236 : f32 to vector<16xf32>
        %sign3A_238 = arith.cmpf ogt, %sign3A_235, %sign3A_237 : vector<16xf32>
        %sign3A_239 = arith.select %sign3A_238, %sign3A_234, %get3A_183 : vector<16xi1>, vector<16xf32>
        %sign3A_240 = tpu.bitcast %get3A_191 : vector<16xf32> -> vector<16xi32>
        %sign3A_241 = arith.constant -2147483648 : i32
        %sign3A_242 = vector.broadcast %sign3A_241 : i32 to vector<16xi32>
        %sign3A_243 = arith.andi %sign3A_240, %sign3A_242 : vector<16xi32>
        %sign3A_244 = arith.constant 1065353216 : i32
        %sign3A_245 = vector.broadcast %sign3A_244 : i32 to vector<16xi32>
        %sign3A_246 = arith.ori %sign3A_245, %sign3A_243 : vector<16xi32>
        %sign3A_247 = tpu.bitcast %sign3A_246 : vector<16xi32> -> vector<16xf32>
        %sign3A_248 = math.absf %get3A_191 : vector<16xf32>
        %sign3A_249 = arith.constant 0.000000e+00 : f32
        %sign3A_250 = vector.broadcast %sign3A_249 : f32 to vector<16xf32>
        %sign3A_251 = arith.cmpf ogt, %sign3A_248, %sign3A_250 : vector<16xf32>
        %sign3A_252 = arith.select %sign3A_251, %sign3A_247, %get3A_191 : vector<16xi1>, vector<16xf32>
        %mul3A_253 = arith.mulf %sign3A_239, %sign3A_252 : vector<16xf32>
        %abs3A_254 = math.absf %get3A_183 : vector<16xf32>
        %abs3A_255 = math.absf %get3A_191 : vector<16xf32>
        %min3A_256 = arith.minimumf %abs3A_254, %abs3A_255 : vector<16xf32>
        %mul3A_257 = arith.mulf %mul3A_253, %min3A_256 : vector<16xf32>
        %mul3A_258 = arith.mulf %get3A_36, %mul3A_257 : vector<16xf32>
        %add3A_259 = arith.addf %mul3A_258, %get3A_186 : vector<16xf32>
        %swap3A = arith.index_cast %mul3A_178 : i32 to index
        %swap3A_260 = tpu.vector_load %arg6[%swap3A] {strides = array<i32>} : memref<1024xf32, #tpu.memory_space<vmem>>, vector<16xf32>,
        %swap3A_261 = vector.shape_cast %swap3A_260 : vector<16xf32> to vector<16xf32>
        %swap3A_262 = vector.shape_cast %mul3A_226 : vector<16xf32> to vector<16xf32>
        tpu.vector_store %arg6[%swap3A], %swap3A_262 {strides = array<i32>} : memref<1024xf32, #tpu.memory_space<vmem>>, vector<16xf32>,
        %swap3A_263 = arith.index_cast %add3A_180 : i32 to index
        %swap3A_264 = tpu.vector_load %arg6[%swap3A_263] {strides = array<i32>} : memref<1024xf32, #tpu.memory_space<vmem>>, vector<16xf32>,
        %swap3A_265 = vector.shape_cast %swap3A_264 : vector<16xf32> to vector<16xf32>
        %swap3A_266 = vector.shape_cast %add3A_259 : vector<16xf32> to vector<16xf32>
        tpu.vector_store %arg6[%swap3A_263], %swap3A_266 {strides = array<i32>} : memref<1024xf32, #tpu.memory_space<vmem>>, vector<16xf32>,
        %max3A = arith.constant -2.000000e+01 : f32
        %max3A_267 = vector.broadcast %max3A : f32 to vector<16xf32>
        %max3A_268 = arith.maximumf %mul3A_226, %max3A_267 : vector<16xf32>
        %min3A_269 = arith.constant 2.000000e+01 : f32
        %min3A_270 = vector.broadcast %min3A_269 : f32 to vector<16xf32>
        %min3A_271 = arith.minimumf %max3A_268, %min3A_270 : vector<16xf32>
        %add3A_272 = arith.constant 8192 : i32
        %add3A_273 = arith.addi %add3A_272, %mul3A_178 : i32
        %swap3A_274 = arith.index_cast %add3A_273 : i32 to index
        %swap3A_275 = tpu.vector_load %arg8[%swap3A_274] {strides = array<i32>} : memref<11264xf32, #tpu.memory_space<vmem>>, vector<16xf32>,
        %swap3A_276 = vector.shape_cast %swap3A_275 : vector<16xf32> to vector<16xf32>
        %swap3A_277 = vector.shape_cast %min3A_271 : vector<16xf32> to vector<16xf32>
        tpu.vector_store %arg8[%swap3A_274], %swap3A_277 {strides = array<i32>} : memref<11264xf32, #tpu.memory_space<vmem>>, vector<16xf32>,
        %max3A_278 = arith.constant -2.000000e+01 : f32
        %max3A_279 = vector.broadcast %max3A_278 : f32 to vector<16xf32>
        %max3A_280 = arith.maximumf %add3A_259, %max3A_279 : vector<16xf32>
        %min3A_281 = arith.constant 2.000000e+01 : f32
        %min3A_282 = vector.broadcast %min3A_281 : f32 to vector<16xf32>
        %min3A_283 = arith.minimumf %max3A_280, %min3A_282 : vector<16xf32>
        %add3A_284 = arith.constant 8192 : i32
        %add3A_285 = arith.addi %add3A_284, %add3A_180 : i32
        %swap3A_286 = arith.index_cast %add3A_285 : i32 to index
        %swap3A_287 = tpu.vector_load %arg8[%swap3A_286] {strides = array<i32>} : memref<11264xf32, #tpu.memory_space<vmem>>, vector<16xf32>,
        %swap3A_288 = vector.shape_cast %swap3A_287 : vector<16xf32> to vector<16xf32>
        %swap3A_289 = vector.shape_cast %min3A_283 : vector<16xf32> to vector<16xf32>
        tpu.vector_store %arg8[%swap3A_286], %swap3A_289 {strides = array<i32>} : memref<11264xf32, #tpu.memory_space<vmem>>, vector<16xf32>,
      }
      %scan3A_42 = arith.constant 32 : i32
      %get3A_43 = arith.constant 112 : index
      %get3A_44 = tpu.vector_load %arg9[%get3A_43] {strides = array<i32>} : memref<320xf32, #tpu.memory_space<vmem>>, vector<16xf32>,
      %get3A_45 = vector.shape_cast %get3A_44 : vector<16xf32> to vector<16xf32>
      %get3A_46 = arith.constant 272 : index
      %get3A_47 = tpu.vector_load %arg9[%get3A_46] {strides = array<i32>} : memref<320xf32, #tpu.memory_space<vmem>>, vector<16xf32>,
      %get3A_48 = vector.shape_cast %get3A_47 : vector<16xf32> to vector<16xf32>
      %scan3A_49 = arith.constant 0 : i32
      %scan3A_50 = arith.constant 0 : i32
      %scan3A_51 = arith.constant 32 : i32
      %scan3A_52 = arith.addi %scan3A_50, %scan3A_51 : i32
      %scan3A_53 = arith.constant 1 : i32
      scf.for %scan3A_172 = %scan3A_50 to %scan3A_52 step %scan3A_53  : i32 {
        %shift_right_arithmetic3A = arith.constant 3 : i32
        %shift_right_arithmetic3A_173 = arith.shrsi %scan3A_172, %shift_right_arithmetic3A : i32
        %shift_left3A = arith.constant 4 : i32
        %shift_left3A_174 = arith.shli %shift_right_arithmetic3A_173, %shift_left3A : i32
        %and3A_175 = arith.constant 7 : i32
        %and3A_176 = arith.andi %scan3A_172, %and3A_175 : i32
        %or3A = arith.ori %shift_left3A_174, %and3A_176 : i32
        %mul3A_177 = arith.constant 16 : i32
        %mul3A_178 = arith.muli %or3A, %mul3A_177 : i32
        %add3A_179 = arith.constant 128 : i32
        %add3A_180 = arith.addi %mul3A_178, %add3A_179 : i32
        %get3A_181 = arith.index_cast %mul3A_178 : i32 to index
        %get3A_182 = tpu.vector_load %arg6[%get3A_181] {strides = array<i32>} : memref<1024xf32, #tpu.memory_space<vmem>>, vector<16xf32>,
        %get3A_183 = vector.shape_cast %get3A_182 : vector<16xf32> to vector<16xf32>
        %get3A_184 = arith.index_cast %add3A_180 : i32 to index
        %get3A_185 = tpu.vector_load %arg6[%get3A_184] {strides = array<i32>} : memref<1024xf32, #tpu.memory_space<vmem>>, vector<16xf32>,
        %get3A_186 = vector.shape_cast %get3A_185 : vector<16xf32> to vector<16xf32>
        %add3A_187 = arith.constant 7168 : i32
        %add3A_188 = arith.addi %add3A_187, %mul3A_178 : i32
        %get3A_189 = arith.index_cast %add3A_188 : i32 to index
        %get3A_190 = tpu.vector_load %arg7[%get3A_189] {strides = array<i32>} : memref<10240xf32, #tpu.memory_space<vmem>>, vector<16xf32>,
        %get3A_191 = vector.shape_cast %get3A_190 : vector<16xf32> to vector<16xf32>
        %add3A_192 = arith.constant 7168 : i32
        %add3A_193 = arith.addi %add3A_192, %add3A_180 : i32
        %get3A_194 = arith.index_cast %add3A_193 : i32 to index
        %get3A_195 = tpu.vector_load %arg7[%get3A_194] {strides = array<i32>} : memref<10240xf32, #tpu.memory_space<vmem>>, vector<16xf32>,
        %get3A_196 = vector.shape_cast %get3A_195 : vector<16xf32> to vector<16xf32>
        %add3A_197 = arith.addf %get3A_186, %get3A_196 : vector<16xf32>
        %sign3A = tpu.bitcast %get3A_183 : vector<16xf32> -> vector<16xi32>
        %sign3A_198 = arith.constant -2147483648 : i32
        %sign3A_199 = vector.broadcast %sign3A_198 : i32 to vector<16xi32>
        %sign3A_200 = arith.andi %sign3A, %sign3A_199 : vector<16xi32>
        %sign3A_201 = arith.constant 1065353216 : i32
        %sign3A_202 = vector.broadcast %sign3A_201 : i32 to vector<16xi32>
        %sign3A_203 = arith.ori %sign3A_202, %sign3A_200 : vector<16xi32>
        %sign3A_204 = tpu.bitcast %sign3A_203 : vector<16xi32> -> vector<16xf32>
        %sign3A_205 = math.absf %get3A_183 : vector<16xf32>
        %sign3A_206 = arith.constant 0.000000e+00 : f32
        %sign3A_207 = vector.broadcast %sign3A_206 : f32 to vector<16xf32>
        %sign3A_208 = arith.cmpf ogt, %sign3A_205, %sign3A_207 : vector<16xf32>
        %sign3A_209 = arith.select %sign3A_208, %sign3A_204, %get3A_183 : vector<16xi1>, vector<16xf32>
        %sign3A_210 = tpu.bitcast %add3A_197 : vector<16xf32> -> vector<16xi32>
        %sign3A_211 = arith.constant -2147483648 : i32
        %sign3A_212 = vector.broadcast %sign3A_211 : i32 to vector<16xi32>
        %sign3A_213 = arith.andi %sign3A_210, %sign3A_212 : vector<16xi32>
        %sign3A_214 = arith.constant 1065353216 : i32
        %sign3A_215 = vector.broadcast %sign3A_214 : i32 to vector<16xi32>
        %sign3A_216 = arith.ori %sign3A_215, %sign3A_213 : vector<16xi32>
        %sign3A_217 = tpu.bitcast %sign3A_216 : vector<16xi32> -> vector<16xf32>
        %sign3A_218 = math.absf %add3A_197 : vector<16xf32>
        %sign3A_219 = arith.constant 0.000000e+00 : f32
        %sign3A_220 = vector.broadcast %sign3A_219 : f32 to vector<16xf32>
        %sign3A_221 = arith.cmpf ogt, %sign3A_218, %sign3A_220 : vector<16xf32>
        %sign3A_222 = arith.select %sign3A_221, %sign3A_217, %add3A_197 : vector<16xi1>, vector<16xf32>
        %mul3A_223 = arith.mulf %sign3A_209, %sign3A_222 : vector<16xf32>
        %abs3A = math.absf %get3A_183 : vector<16xf32>
        %abs3A_224 = math.absf %add3A_197 : vector<16xf32>
        %min3A = arith.minimumf %abs3A, %abs3A_224 : vector<16xf32>
        %mul3A_225 = arith.mulf %mul3A_223, %min3A : vector<16xf32>
        %mul3A_226 = arith.mulf %get3A_45, %mul3A_225 : vector<16xf32>
        %sign3A_227 = tpu.bitcast %get3A_183 : vector<16xf32> -> vector<16xi32>
        %sign3A_228 = arith.constant -2147483648 : i32
        %sign3A_229 = vector.broadcast %sign3A_228 : i32 to vector<16xi32>
        %sign3A_230 = arith.andi %sign3A_227, %sign3A_229 : vector<16xi32>
        %sign3A_231 = arith.constant 1065353216 : i32
        %sign3A_232 = vector.broadcast %sign3A_231 : i32 to vector<16xi32>
        %sign3A_233 = arith.ori %sign3A_232, %sign3A_230 : vector<16xi32>
        %sign3A_234 = tpu.bitcast %sign3A_233 : vector<16xi32> -> vector<16xf32>
        %sign3A_235 = math.absf %get3A_183 : vector<16xf32>
        %sign3A_236 = arith.constant 0.000000e+00 : f32
        %sign3A_237 = vector.broadcast %sign3A_236 : f32 to vector<16xf32>
        %sign3A_238 = arith.cmpf ogt, %sign3A_235, %sign3A_237 : vector<16xf32>
        %sign3A_239 = arith.select %sign3A_238, %sign3A_234, %get3A_183 : vector<16xi1>, vector<16xf32>
        %sign3A_240 = tpu.bitcast %get3A_191 : vector<16xf32> -> vector<16xi32>
        %sign3A_241 = arith.constant -2147483648 : i32
        %sign3A_242 = vector.broadcast %sign3A_241 : i32 to vector<16xi32>
        %sign3A_243 = arith.andi %sign3A_240, %sign3A_242 : vector<16xi32>
        %sign3A_244 = arith.constant 1065353216 : i32
        %sign3A_245 = vector.broadcast %sign3A_244 : i32 to vector<16xi32>
        %sign3A_246 = arith.ori %sign3A_245, %sign3A_243 : vector<16xi32>
        %sign3A_247 = tpu.bitcast %sign3A_246 : vector<16xi32> -> vector<16xf32>
        %sign3A_248 = math.absf %get3A_191 : vector<16xf32>
        %sign3A_249 = arith.constant 0.000000e+00 : f32
        %sign3A_250 = vector.broadcast %sign3A_249 : f32 to vector<16xf32>
        %sign3A_251 = arith.cmpf ogt, %sign3A_248, %sign3A_250 : vector<16xf32>
        %sign3A_252 = arith.select %sign3A_251, %sign3A_247, %get3A_191 : vector<16xi1>, vector<16xf32>
        %mul3A_253 = arith.mulf %sign3A_239, %sign3A_252 : vector<16xf32>
        %abs3A_254 = math.absf %get3A_183 : vector<16xf32>
        %abs3A_255 = math.absf %get3A_191 : vector<16xf32>
        %min3A_256 = arith.minimumf %abs3A_254, %abs3A_255 : vector<16xf32>
        %mul3A_257 = arith.mulf %mul3A_253, %min3A_256 : vector<16xf32>
        %mul3A_258 = arith.mulf %get3A_48, %mul3A_257 : vector<16xf32>
        %add3A_259 = arith.addf %mul3A_258, %get3A_186 : vector<16xf32>
        %swap3A = arith.index_cast %mul3A_178 : i32 to index
        %swap3A_260 = tpu.vector_load %arg6[%swap3A] {strides = array<i32>} : memref<1024xf32, #tpu.memory_space<vmem>>, vector<16xf32>,
        %swap3A_261 = vector.shape_cast %swap3A_260 : vector<16xf32> to vector<16xf32>
        %swap3A_262 = vector.shape_cast %mul3A_226 : vector<16xf32> to vector<16xf32>
        tpu.vector_store %arg6[%swap3A], %swap3A_262 {strides = array<i32>} : memref<1024xf32, #tpu.memory_space<vmem>>, vector<16xf32>,
        %swap3A_263 = arith.index_cast %add3A_180 : i32 to index
        %swap3A_264 = tpu.vector_load %arg6[%swap3A_263] {strides = array<i32>} : memref<1024xf32, #tpu.memory_space<vmem>>, vector<16xf32>,
        %swap3A_265 = vector.shape_cast %swap3A_264 : vector<16xf32> to vector<16xf32>
        %swap3A_266 = vector.shape_cast %add3A_259 : vector<16xf32> to vector<16xf32>
        tpu.vector_store %arg6[%swap3A_263], %swap3A_266 {strides = array<i32>} : memref<1024xf32, #tpu.memory_space<vmem>>, vector<16xf32>,
        %max3A = arith.constant -2.000000e+01 : f32
        %max3A_267 = vector.broadcast %max3A : f32 to vector<16xf32>
        %max3A_268 = arith.maximumf %mul3A_226, %max3A_267 : vector<16xf32>
        %min3A_269 = arith.constant 2.000000e+01 : f32
        %min3A_270 = vector.broadcast %min3A_269 : f32 to vector<16xf32>
        %min3A_271 = arith.minimumf %max3A_268, %min3A_270 : vector<16xf32>
        %add3A_272 = arith.constant 7168 : i32
        %add3A_273 = arith.addi %add3A_272, %mul3A_178 : i32
        %swap3A_274 = arith.index_cast %add3A_273 : i32 to index
        %swap3A_275 = tpu.vector_load %arg8[%swap3A_274] {strides = array<i32>} : memref<11264xf32, #tpu.memory_space<vmem>>, vector<16xf32>,
        %swap3A_276 = vector.shape_cast %swap3A_275 : vector<16xf32> to vector<16xf32>
        %swap3A_277 = vector.shape_cast %min3A_271 : vector<16xf32> to vector<16xf32>
        tpu.vector_store %arg8[%swap3A_274], %swap3A_277 {strides = array<i32>} : memref<11264xf32, #tpu.memory_space<vmem>>, vector<16xf32>,
        %max3A_278 = arith.constant -2.000000e+01 : f32
        %max3A_279 = vector.broadcast %max3A_278 : f32 to vector<16xf32>
        %max3A_280 = arith.maximumf %add3A_259, %max3A_279 : vector<16xf32>
        %min3A_281 = arith.constant 2.000000e+01 : f32
        %min3A_282 = vector.broadcast %min3A_281 : f32 to vector<16xf32>
        %min3A_283 = arith.minimumf %max3A_280, %min3A_282 : vector<16xf32>
        %add3A_284 = arith.constant 7168 : i32
        %add3A_285 = arith.addi %add3A_284, %add3A_180 : i32
        %swap3A_286 = arith.index_cast %add3A_285 : i32 to index
        %swap3A_287 = tpu.vector_load %arg8[%swap3A_286] {strides = array<i32>} : memref<11264xf32, #tpu.memory_space<vmem>>, vector<16xf32>,
        %swap3A_288 = vector.shape_cast %swap3A_287 : vector<16xf32> to vector<16xf32>
        %swap3A_289 = vector.shape_cast %min3A_283 : vector<16xf32> to vector<16xf32>
        tpu.vector_store %arg8[%swap3A_286], %swap3A_289 {strides = array<i32>} : memref<11264xf32, #tpu.memory_space<vmem>>, vector<16xf32>,
      }
      %scan3A_54 = arith.constant 32 : i32
      %get3A_55 = arith.constant 96 : index
      %get3A_56 = tpu.vector_load %arg9[%get3A_55] {strides = array<i32>} : memref<320xf32, #tpu.memory_space<vmem>>, vector<16xf32>,
      %get3A_57 = vector.shape_cast %get3A_56 : vector<16xf32> to vector<16xf32>
      %get3A_58 = arith.constant 256 : index
      %get3A_59 = tpu.vector_load %arg9[%get3A_58] {strides = array<i32>} : memref<320xf32, #tpu.memory_space<vmem>>, vector<16xf32>,
      %get3A_60 = vector.shape_cast %get3A_59 : vector<16xf32> to vector<16xf32>
      %scan3A_61 = arith.constant 0 : i32
      %scan3A_62 = arith.constant 0 : i32
      %scan3A_63 = arith.constant 32 : i32
      %scan3A_64 = arith.addi %scan3A_62, %scan3A_63 : i32
      %scan3A_65 = arith.constant 1 : i32
      scf.for %scan3A_172 = %scan3A_62 to %scan3A_64 step %scan3A_65  : i32 {
        %shift_right_arithmetic3A = arith.constant 2 : i32
        %shift_right_arithmetic3A_173 = arith.shrsi %scan3A_172, %shift_right_arithmetic3A : i32
        %shift_left3A = arith.constant 3 : i32
        %shift_left3A_174 = arith.shli %shift_right_arithmetic3A_173, %shift_left3A : i32
        %and3A_175 = arith.constant 3 : i32
        %and3A_176 = arith.andi %scan3A_172, %and3A_175 : i32
        %or3A = arith.ori %shift_left3A_174, %and3A_176 : i32
        %mul3A_177 = arith.constant 16 : i32
        %mul3A_178 = arith.muli %or3A, %mul3A_177 : i32
        %add3A_179 = arith.constant 64 : i32
        %add3A_180 = arith.addi %mul3A_178, %add3A_179 : i32
        %get3A_181 = arith.index_cast %mul3A_178 : i32 to index
        %get3A_182 = tpu.vector_load %arg6[%get3A_181] {strides = array<i32>} : memref<1024xf32, #tpu.memory_space<vmem>>, vector<16xf32>,
        %get3A_183 = vector.shape_cast %get3A_182 : vector<16xf32> to vector<16xf32>
        %get3A_184 = arith.index_cast %add3A_180 : i32 to index
        %get3A_185 = tpu.vector_load %arg6[%get3A_184] {strides = array<i32>} : memref<1024xf32, #tpu.memory_space<vmem>>, vector<16xf32>,
        %get3A_186 = vector.shape_cast %get3A_185 : vector<16xf32> to vector<16xf32>
        %add3A_187 = arith.constant 6144 : i32
        %add3A_188 = arith.addi %add3A_187, %mul3A_178 : i32
        %get3A_189 = arith.index_cast %add3A_188 : i32 to index
        %get3A_190 = tpu.vector_load %arg7[%get3A_189] {strides = array<i32>} : memref<10240xf32, #tpu.memory_space<vmem>>, vector<16xf32>,
        %get3A_191 = vector.shape_cast %get3A_190 : vector<16xf32> to vector<16xf32>
        %add3A_192 = arith.constant 6144 : i32
        %add3A_193 = arith.addi %add3A_192, %add3A_180 : i32
        %get3A_194 = arith.index_cast %add3A_193 : i32 to index
        %get3A_195 = tpu.vector_load %arg7[%get3A_194] {strides = array<i32>} : memref<10240xf32, #tpu.memory_space<vmem>>, vector<16xf32>,
        %get3A_196 = vector.shape_cast %get3A_195 : vector<16xf32> to vector<16xf32>
        %add3A_197 = arith.addf %get3A_186, %get3A_196 : vector<16xf32>
        %sign3A = tpu.bitcast %get3A_183 : vector<16xf32> -> vector<16xi32>
        %sign3A_198 = arith.constant -2147483648 : i32
        %sign3A_199 = vector.broadcast %sign3A_198 : i32 to vector<16xi32>
        %sign3A_200 = arith.andi %sign3A, %sign3A_199 : vector<16xi32>
        %sign3A_201 = arith.constant 1065353216 : i32
        %sign3A_202 = vector.broadcast %sign3A_201 : i32 to vector<16xi32>
        %sign3A_203 = arith.ori %sign3A_202, %sign3A_200 : vector<16xi32>
        %sign3A_204 = tpu.bitcast %sign3A_203 : vector<16xi32> -> vector<16xf32>
        %sign3A_205 = math.absf %get3A_183 : vector<16xf32>
        %sign3A_206 = arith.constant 0.000000e+00 : f32
        %sign3A_207 = vector.broadcast %sign3A_206 : f32 to vector<16xf32>
        %sign3A_208 = arith.cmpf ogt, %sign3A_205, %sign3A_207 : vector<16xf32>
        %sign3A_209 = arith.select %sign3A_208, %sign3A_204, %get3A_183 : vector<16xi1>, vector<16xf32>
        %sign3A_210 = tpu.bitcast %add3A_197 : vector<16xf32> -> vector<16xi32>
        %sign3A_211 = arith.constant -2147483648 : i32
        %sign3A_212 = vector.broadcast %sign3A_211 : i32 to vector<16xi32>
        %sign3A_213 = arith.andi %sign3A_210, %sign3A_212 : vector<16xi32>
        %sign3A_214 = arith.constant 1065353216 : i32
        %sign3A_215 = vector.broadcast %sign3A_214 : i32 to vector<16xi32>
        %sign3A_216 = arith.ori %sign3A_215, %sign3A_213 : vector<16xi32>
        %sign3A_217 = tpu.bitcast %sign3A_216 : vector<16xi32> -> vector<16xf32>
        %sign3A_218 = math.absf %add3A_197 : vector<16xf32>
        %sign3A_219 = arith.constant 0.000000e+00 : f32
        %sign3A_220 = vector.broadcast %sign3A_219 : f32 to vector<16xf32>
        %sign3A_221 = arith.cmpf ogt, %sign3A_218, %sign3A_220 : vector<16xf32>
        %sign3A_222 = arith.select %sign3A_221, %sign3A_217, %add3A_197 : vector<16xi1>, vector<16xf32>
        %mul3A_223 = arith.mulf %sign3A_209, %sign3A_222 : vector<16xf32>
        %abs3A = math.absf %get3A_183 : vector<16xf32>
        %abs3A_224 = math.absf %add3A_197 : vector<16xf32>
        %min3A = arith.minimumf %abs3A, %abs3A_224 : vector<16xf32>
        %mul3A_225 = arith.mulf %mul3A_223, %min3A : vector<16xf32>
        %mul3A_226 = arith.mulf %get3A_57, %mul3A_225 : vector<16xf32>
        %sign3A_227 = tpu.bitcast %get3A_183 : vector<16xf32> -> vector<16xi32>
        %sign3A_228 = arith.constant -2147483648 : i32
        %sign3A_229 = vector.broadcast %sign3A_228 : i32 to vector<16xi32>
        %sign3A_230 = arith.andi %sign3A_227, %sign3A_229 : vector<16xi32>
        %sign3A_231 = arith.constant 1065353216 : i32
        %sign3A_232 = vector.broadcast %sign3A_231 : i32 to vector<16xi32>
        %sign3A_233 = arith.ori %sign3A_232, %sign3A_230 : vector<16xi32>
        %sign3A_234 = tpu.bitcast %sign3A_233 : vector<16xi32> -> vector<16xf32>
        %sign3A_235 = math.absf %get3A_183 : vector<16xf32>
        %sign3A_236 = arith.constant 0.000000e+00 : f32
        %sign3A_237 = vector.broadcast %sign3A_236 : f32 to vector<16xf32>
        %sign3A_238 = arith.cmpf ogt, %sign3A_235, %sign3A_237 : vector<16xf32>
        %sign3A_239 = arith.select %sign3A_238, %sign3A_234, %get3A_183 : vector<16xi1>, vector<16xf32>
        %sign3A_240 = tpu.bitcast %get3A_191 : vector<16xf32> -> vector<16xi32>
        %sign3A_241 = arith.constant -2147483648 : i32
        %sign3A_242 = vector.broadcast %sign3A_241 : i32 to vector<16xi32>
        %sign3A_243 = arith.andi %sign3A_240, %sign3A_242 : vector<16xi32>
        %sign3A_244 = arith.constant 1065353216 : i32
        %sign3A_245 = vector.broadcast %sign3A_244 : i32 to vector<16xi32>
        %sign3A_246 = arith.ori %sign3A_245, %sign3A_243 : vector<16xi32>
        %sign3A_247 = tpu.bitcast %sign3A_246 : vector<16xi32> -> vector<16xf32>
        %sign3A_248 = math.absf %get3A_191 : vector<16xf32>
        %sign3A_249 = arith.constant 0.000000e+00 : f32
        %sign3A_250 = vector.broadcast %sign3A_249 : f32 to vector<16xf32>
        %sign3A_251 = arith.cmpf ogt, %sign3A_248, %sign3A_250 : vector<16xf32>
        %sign3A_252 = arith.select %sign3A_251, %sign3A_247, %get3A_191 : vector<16xi1>, vector<16xf32>
        %mul3A_253 = arith.mulf %sign3A_239, %sign3A_252 : vector<16xf32>
        %abs3A_254 = math.absf %get3A_183 : vector<16xf32>
        %abs3A_255 = math.absf %get3A_191 : vector<16xf32>
        %min3A_256 = arith.minimumf %abs3A_254, %abs3A_255 : vector<16xf32>
        %mul3A_257 = arith.mulf %mul3A_253, %min3A_256 : vector<16xf32>
        %mul3A_258 = arith.mulf %get3A_60, %mul3A_257 : vector<16xf32>
        %add3A_259 = arith.addf %mul3A_258, %get3A_186 : vector<16xf32>
        %swap3A = arith.index_cast %mul3A_178 : i32 to index
        %swap3A_260 = tpu.vector_load %arg6[%swap3A] {strides = array<i32>} : memref<1024xf32, #tpu.memory_space<vmem>>, vector<16xf32>,
        %swap3A_261 = vector.shape_cast %swap3A_260 : vector<16xf32> to vector<16xf32>
        %swap3A_262 = vector.shape_cast %mul3A_226 : vector<16xf32> to vector<16xf32>
        tpu.vector_store %arg6[%swap3A], %swap3A_262 {strides = array<i32>} : memref<1024xf32, #tpu.memory_space<vmem>>, vector<16xf32>,
        %swap3A_263 = arith.index_cast %add3A_180 : i32 to index
        %swap3A_264 = tpu.vector_load %arg6[%swap3A_263] {strides = array<i32>} : memref<1024xf32, #tpu.memory_space<vmem>>, vector<16xf32>,
        %swap3A_265 = vector.shape_cast %swap3A_264 : vector<16xf32> to vector<16xf32>
        %swap3A_266 = vector.shape_cast %add3A_259 : vector<16xf32> to vector<16xf32>
        tpu.vector_store %arg6[%swap3A_263], %swap3A_266 {strides = array<i32>} : memref<1024xf32, #tpu.memory_space<vmem>>, vector<16xf32>,
        %max3A = arith.constant -2.000000e+01 : f32
        %max3A_267 = vector.broadcast %max3A : f32 to vector<16xf32>
        %max3A_268 = arith.maximumf %mul3A_226, %max3A_267 : vector<16xf32>
        %min3A_269 = arith.constant 2.000000e+01 : f32
        %min3A_270 = vector.broadcast %min3A_269 : f32 to vector<16xf32>
        %min3A_271 = arith.minimumf %max3A_268, %min3A_270 : vector<16xf32>
        %add3A_272 = arith.constant 6144 : i32
        %add3A_273 = arith.addi %add3A_272, %mul3A_178 : i32
        %swap3A_274 = arith.index_cast %add3A_273 : i32 to index
        %swap3A_275 = tpu.vector_load %arg8[%swap3A_274] {strides = array<i32>} : memref<11264xf32, #tpu.memory_space<vmem>>, vector<16xf32>,
        %swap3A_276 = vector.shape_cast %swap3A_275 : vector<16xf32> to vector<16xf32>
        %swap3A_277 = vector.shape_cast %min3A_271 : vector<16xf32> to vector<16xf32>
        tpu.vector_store %arg8[%swap3A_274], %swap3A_277 {strides = array<i32>} : memref<11264xf32, #tpu.memory_space<vmem>>, vector<16xf32>,
        %max3A_278 = arith.constant -2.000000e+01 : f32
        %max3A_279 = vector.broadcast %max3A_278 : f32 to vector<16xf32>
        %max3A_280 = arith.maximumf %add3A_259, %max3A_279 : vector<16xf32>
        %min3A_281 = arith.constant 2.000000e+01 : f32
        %min3A_282 = vector.broadcast %min3A_281 : f32 to vector<16xf32>
        %min3A_283 = arith.minimumf %max3A_280, %min3A_282 : vector<16xf32>
        %add3A_284 = arith.constant 6144 : i32
        %add3A_285 = arith.addi %add3A_284, %add3A_180 : i32
        %swap3A_286 = arith.index_cast %add3A_285 : i32 to index
        %swap3A_287 = tpu.vector_load %arg8[%swap3A_286] {strides = array<i32>} : memref<11264xf32, #tpu.memory_space<vmem>>, vector<16xf32>,
        %swap3A_288 = vector.shape_cast %swap3A_287 : vector<16xf32> to vector<16xf32>
        %swap3A_289 = vector.shape_cast %min3A_283 : vector<16xf32> to vector<16xf32>
        tpu.vector_store %arg8[%swap3A_286], %swap3A_289 {strides = array<i32>} : memref<11264xf32, #tpu.memory_space<vmem>>, vector<16xf32>,
      }
      %scan3A_66 = arith.constant 32 : i32
      %get3A_67 = arith.constant 80 : index
      %get3A_68 = tpu.vector_load %arg9[%get3A_67] {strides = array<i32>} : memref<320xf32, #tpu.memory_space<vmem>>, vector<16xf32>,
      %get3A_69 = vector.shape_cast %get3A_68 : vector<16xf32> to vector<16xf32>
      %get3A_70 = arith.constant 240 : index
      %get3A_71 = tpu.vector_load %arg9[%get3A_70] {strides = array<i32>} : memref<320xf32, #tpu.memory_space<vmem>>, vector<16xf32>,
      %get3A_72 = vector.shape_cast %get3A_71 : vector<16xf32> to vector<16xf32>
      %scan3A_73 = arith.constant 0 : i32
      %scan3A_74 = arith.constant 0 : i32
      %scan3A_75 = arith.constant 32 : i32
      %scan3A_76 = arith.addi %scan3A_74, %scan3A_75 : i32
      %scan3A_77 = arith.constant 1 : i32
      scf.for %scan3A_172 = %scan3A_74 to %scan3A_76 step %scan3A_77  : i32 {
        %shift_right_arithmetic3A = arith.constant 1 : i32
        %shift_right_arithmetic3A_173 = arith.shrsi %scan3A_172, %shift_right_arithmetic3A : i32
        %shift_left3A = arith.constant 2 : i32
        %shift_left3A_174 = arith.shli %shift_right_arithmetic3A_173, %shift_left3A : i32
        %and3A_175 = arith.constant 1 : i32
        %and3A_176 = arith.andi %scan3A_172, %and3A_175 : i32
        %or3A = arith.ori %shift_left3A_174, %and3A_176 : i32
        %mul3A_177 = arith.constant 16 : i32
        %mul3A_178 = arith.muli %or3A, %mul3A_177 : i32
        %add3A_179 = arith.constant 32 : i32
        %add3A_180 = arith.addi %mul3A_178, %add3A_179 : i32
        %get3A_181 = arith.index_cast %mul3A_178 : i32 to index
        %get3A_182 = tpu.vector_load %arg6[%get3A_181] {strides = array<i32>} : memref<1024xf32, #tpu.memory_space<vmem>>, vector<16xf32>,
        %get3A_183 = vector.shape_cast %get3A_182 : vector<16xf32> to vector<16xf32>
        %get3A_184 = arith.index_cast %add3A_180 : i32 to index
        %get3A_185 = tpu.vector_load %arg6[%get3A_184] {strides = array<i32>} : memref<1024xf32, #tpu.memory_space<vmem>>, vector<16xf32>,
        %get3A_186 = vector.shape_cast %get3A_185 : vector<16xf32> to vector<16xf32>
        %add3A_187 = arith.constant 5120 : i32
        %add3A_188 = arith.addi %add3A_187, %mul3A_178 : i32
        %get3A_189 = arith.index_cast %add3A_188 : i32 to index
        %get3A_190 = tpu.vector_load %arg7[%get3A_189] {strides = array<i32>} : memref<10240xf32, #tpu.memory_space<vmem>>, vector<16xf32>,
        %get3A_191 = vector.shape_cast %get3A_190 : vector<16xf32> to vector<16xf32>
        %add3A_192 = arith.constant 5120 : i32
        %add3A_193 = arith.addi %add3A_192, %add3A_180 : i32
        %get3A_194 = arith.index_cast %add3A_193 : i32 to index
        %get3A_195 = tpu.vector_load %arg7[%get3A_194] {strides = array<i32>} : memref<10240xf32, #tpu.memory_space<vmem>>, vector<16xf32>,
        %get3A_196 = vector.shape_cast %get3A_195 : vector<16xf32> to vector<16xf32>
        %add3A_197 = arith.addf %get3A_186, %get3A_196 : vector<16xf32>
        %sign3A = tpu.bitcast %get3A_183 : vector<16xf32> -> vector<16xi32>
        %sign3A_198 = arith.constant -2147483648 : i32
        %sign3A_199 = vector.broadcast %sign3A_198 : i32 to vector<16xi32>
        %sign3A_200 = arith.andi %sign3A, %sign3A_199 : vector<16xi32>
        %sign3A_201 = arith.constant 1065353216 : i32
        %sign3A_202 = vector.broadcast %sign3A_201 : i32 to vector<16xi32>
        %sign3A_203 = arith.ori %sign3A_202, %sign3A_200 : vector<16xi32>
        %sign3A_204 = tpu.bitcast %sign3A_203 : vector<16xi32> -> vector<16xf32>
        %sign3A_205 = math.absf %get3A_183 : vector<16xf32>
        %sign3A_206 = arith.constant 0.000000e+00 : f32
        %sign3A_207 = vector.broadcast %sign3A_206 : f32 to vector<16xf32>
        %sign3A_208 = arith.cmpf ogt, %sign3A_205, %sign3A_207 : vector<16xf32>
        %sign3A_209 = arith.select %sign3A_208, %sign3A_204, %get3A_183 : vector<16xi1>, vector<16xf32>
        %sign3A_210 = tpu.bitcast %add3A_197 : vector<16xf32> -> vector<16xi32>
        %sign3A_211 = arith.constant -2147483648 : i32
        %sign3A_212 = vector.broadcast %sign3A_211 : i32 to vector<16xi32>
        %sign3A_213 = arith.andi %sign3A_210, %sign3A_212 : vector<16xi32>
        %sign3A_214 = arith.constant 1065353216 : i32
        %sign3A_215 = vector.broadcast %sign3A_214 : i32 to vector<16xi32>
        %sign3A_216 = arith.ori %sign3A_215, %sign3A_213 : vector<16xi32>
        %sign3A_217 = tpu.bitcast %sign3A_216 : vector<16xi32> -> vector<16xf32>
        %sign3A_218 = math.absf %add3A_197 : vector<16xf32>
        %sign3A_219 = arith.constant 0.000000e+00 : f32
        %sign3A_220 = vector.broadcast %sign3A_219 : f32 to vector<16xf32>
        %sign3A_221 = arith.cmpf ogt, %sign3A_218, %sign3A_220 : vector<16xf32>
        %sign3A_222 = arith.select %sign3A_221, %sign3A_217, %add3A_197 : vector<16xi1>, vector<16xf32>
        %mul3A_223 = arith.mulf %sign3A_209, %sign3A_222 : vector<16xf32>
        %abs3A = math.absf %get3A_183 : vector<16xf32>
        %abs3A_224 = math.absf %add3A_197 : vector<16xf32>
        %min3A = arith.minimumf %abs3A, %abs3A_224 : vector<16xf32>
        %mul3A_225 = arith.mulf %mul3A_223, %min3A : vector<16xf32>
        %mul3A_226 = arith.mulf %get3A_69, %mul3A_225 : vector<16xf32>
        %sign3A_227 = tpu.bitcast %get3A_183 : vector<16xf32> -> vector<16xi32>
        %sign3A_228 = arith.constant -2147483648 : i32
        %sign3A_229 = vector.broadcast %sign3A_228 : i32 to vector<16xi32>
        %sign3A_230 = arith.andi %sign3A_227, %sign3A_229 : vector<16xi32>
        %sign3A_231 = arith.constant 1065353216 : i32
        %sign3A_232 = vector.broadcast %sign3A_231 : i32 to vector<16xi32>
        %sign3A_233 = arith.ori %sign3A_232, %sign3A_230 : vector<16xi32>
        %sign3A_234 = tpu.bitcast %sign3A_233 : vector<16xi32> -> vector<16xf32>
        %sign3A_235 = math.absf %get3A_183 : vector<16xf32>
        %sign3A_236 = arith.constant 0.000000e+00 : f32
        %sign3A_237 = vector.broadcast %sign3A_236 : f32 to vector<16xf32>
        %sign3A_238 = arith.cmpf ogt, %sign3A_235, %sign3A_237 : vector<16xf32>
        %sign3A_239 = arith.select %sign3A_238, %sign3A_234, %get3A_183 : vector<16xi1>, vector<16xf32>
        %sign3A_240 = tpu.bitcast %get3A_191 : vector<16xf32> -> vector<16xi32>
        %sign3A_241 = arith.constant -2147483648 : i32
        %sign3A_242 = vector.broadcast %sign3A_241 : i32 to vector<16xi32>
        %sign3A_243 = arith.andi %sign3A_240, %sign3A_242 : vector<16xi32>
        %sign3A_244 = arith.constant 1065353216 : i32
        %sign3A_245 = vector.broadcast %sign3A_244 : i32 to vector<16xi32>
        %sign3A_246 = arith.ori %sign3A_245, %sign3A_243 : vector<16xi32>
        %sign3A_247 = tpu.bitcast %sign3A_246 : vector<16xi32> -> vector<16xf32>
        %sign3A_248 = math.absf %get3A_191 : vector<16xf32>
        %sign3A_249 = arith.constant 0.000000e+00 : f32
        %sign3A_250 = vector.broadcast %sign3A_249 : f32 to vector<16xf32>
        %sign3A_251 = arith.cmpf ogt, %sign3A_248, %sign3A_250 : vector<16xf32>
        %sign3A_252 = arith.select %sign3A_251, %sign3A_247, %get3A_191 : vector<16xi1>, vector<16xf32>
        %mul3A_253 = arith.mulf %sign3A_239, %sign3A_252 : vector<16xf32>
        %abs3A_254 = math.absf %get3A_183 : vector<16xf32>
        %abs3A_255 = math.absf %get3A_191 : vector<16xf32>
        %min3A_256 = arith.minimumf %abs3A_254, %abs3A_255 : vector<16xf32>
        %mul3A_257 = arith.mulf %mul3A_253, %min3A_256 : vector<16xf32>
        %mul3A_258 = arith.mulf %get3A_72, %mul3A_257 : vector<16xf32>
        %add3A_259 = arith.addf %mul3A_258, %get3A_186 : vector<16xf32>
        %swap3A = arith.index_cast %mul3A_178 : i32 to index
        %swap3A_260 = tpu.vector_load %arg6[%swap3A] {strides = array<i32>} : memref<1024xf32, #tpu.memory_space<vmem>>, vector<16xf32>,
        %swap3A_261 = vector.shape_cast %swap3A_260 : vector<16xf32> to vector<16xf32>
        %swap3A_262 = vector.shape_cast %mul3A_226 : vector<16xf32> to vector<16xf32>
        tpu.vector_store %arg6[%swap3A], %swap3A_262 {strides = array<i32>} : memref<1024xf32, #tpu.memory_space<vmem>>, vector<16xf32>,
        %swap3A_263 = arith.index_cast %add3A_180 : i32 to index
        %swap3A_264 = tpu.vector_load %arg6[%swap3A_263] {strides = array<i32>} : memref<1024xf32, #tpu.memory_space<vmem>>, vector<16xf32>,
        %swap3A_265 = vector.shape_cast %swap3A_264 : vector<16xf32> to vector<16xf32>
        %swap3A_266 = vector.shape_cast %add3A_259 : vector<16xf32> to vector<16xf32>
        tpu.vector_store %arg6[%swap3A_263], %swap3A_266 {strides = array<i32>} : memref<1024xf32, #tpu.memory_space<vmem>>, vector<16xf32>,
        %max3A = arith.constant -2.000000e+01 : f32
        %max3A_267 = vector.broadcast %max3A : f32 to vector<16xf32>
        %max3A_268 = arith.maximumf %mul3A_226, %max3A_267 : vector<16xf32>
        %min3A_269 = arith.constant 2.000000e+01 : f32
        %min3A_270 = vector.broadcast %min3A_269 : f32 to vector<16xf32>
        %min3A_271 = arith.minimumf %max3A_268, %min3A_270 : vector<16xf32>
        %add3A_272 = arith.constant 5120 : i32
        %add3A_273 = arith.addi %add3A_272, %mul3A_178 : i32
        %swap3A_274 = arith.index_cast %add3A_273 : i32 to index
        %swap3A_275 = tpu.vector_load %arg8[%swap3A_274] {strides = array<i32>} : memref<11264xf32, #tpu.memory_space<vmem>>, vector<16xf32>,
        %swap3A_276 = vector.shape_cast %swap3A_275 : vector<16xf32> to vector<16xf32>
        %swap3A_277 = vector.shape_cast %min3A_271 : vector<16xf32> to vector<16xf32>
        tpu.vector_store %arg8[%swap3A_274], %swap3A_277 {strides = array<i32>} : memref<11264xf32, #tpu.memory_space<vmem>>, vector<16xf32>,
        %max3A_278 = arith.constant -2.000000e+01 : f32
        %max3A_279 = vector.broadcast %max3A_278 : f32 to vector<16xf32>
        %max3A_280 = arith.maximumf %add3A_259, %max3A_279 : vector<16xf32>
        %min3A_281 = arith.constant 2.000000e+01 : f32
        %min3A_282 = vector.broadcast %min3A_281 : f32 to vector<16xf32>
        %min3A_283 = arith.minimumf %max3A_280, %min3A_282 : vector<16xf32>
        %add3A_284 = arith.constant 5120 : i32
        %add3A_285 = arith.addi %add3A_284, %add3A_180 : i32
        %swap3A_286 = arith.index_cast %add3A_285 : i32 to index
        %swap3A_287 = tpu.vector_load %arg8[%swap3A_286] {strides = array<i32>} : memref<11264xf32, #tpu.memory_space<vmem>>, vector<16xf32>,
        %swap3A_288 = vector.shape_cast %swap3A_287 : vector<16xf32> to vector<16xf32>
        %swap3A_289 = vector.shape_cast %min3A_283 : vector<16xf32> to vector<16xf32>
        tpu.vector_store %arg8[%swap3A_286], %swap3A_289 {strides = array<i32>} : memref<11264xf32, #tpu.memory_space<vmem>>, vector<16xf32>,
      }
      %scan3A_78 = arith.constant 32 : i32
      %get3A_79 = arith.constant 64 : index
      %get3A_80 = tpu.vector_load %arg9[%get3A_79] {strides = array<i32>} : memref<320xf32, #tpu.memory_space<vmem>>, vector<16xf32>,
      %get3A_81 = vector.shape_cast %get3A_80 : vector<16xf32> to vector<16xf32>
      %get3A_82 = arith.constant 224 : index
      %get3A_83 = tpu.vector_load %arg9[%get3A_82] {strides = array<i32>} : memref<320xf32, #tpu.memory_space<vmem>>, vector<16xf32>,
      %get3A_84 = vector.shape_cast %get3A_83 : vector<16xf32> to vector<16xf32>
      %scan3A_85 = arith.constant 0 : i32
      %scan3A_86 = arith.constant 0 : i32
      %scan3A_87 = arith.constant 32 : i32
      %scan3A_88 = arith.addi %scan3A_86, %scan3A_87 : i32
      %scan3A_89 = arith.constant 1 : i32
      scf.for %scan3A_172 = %scan3A_86 to %scan3A_88 step %scan3A_89  : i32 {
        %shift_right_arithmetic3A = arith.constant 0 : i32
        %shift_right_arithmetic3A_173 = arith.shrsi %scan3A_172, %shift_right_arithmetic3A : i32
        %shift_left3A = arith.constant 1 : i32
        %shift_left3A_174 = arith.shli %shift_right_arithmetic3A_173, %shift_left3A : i32
        %and3A_175 = arith.constant 0 : i32
        %and3A_176 = arith.andi %scan3A_172, %and3A_175 : i32
        %or3A = arith.ori %shift_left3A_174, %and3A_176 : i32
        %mul3A_177 = arith.constant 16 : i32
        %mul3A_178 = arith.muli %or3A, %mul3A_177 : i32
        %add3A_179 = arith.constant 16 : i32
        %add3A_180 = arith.addi %mul3A_178, %add3A_179 : i32
        %get3A_181 = arith.index_cast %mul3A_178 : i32 to index
        %get3A_182 = tpu.vector_load %arg6[%get3A_181] {strides = array<i32>} : memref<1024xf32, #tpu.memory_space<vmem>>, vector<16xf32>,
        %get3A_183 = vector.shape_cast %get3A_182 : vector<16xf32> to vector<16xf32>
        %get3A_184 = arith.index_cast %add3A_180 : i32 to index
        %get3A_185 = tpu.vector_load %arg6[%get3A_184] {strides = array<i32>} : memref<1024xf32, #tpu.memory_space<vmem>>, vector<16xf32>,
        %get3A_186 = vector.shape_cast %get3A_185 : vector<16xf32> to vector<16xf32>
        %add3A_187 = arith.constant 4096 : i32
        %add3A_188 = arith.addi %add3A_187, %mul3A_178 : i32
        %get3A_189 = arith.index_cast %add3A_188 : i32 to index
        %get3A_190 = tpu.vector_load %arg7[%get3A_189] {strides = array<i32>} : memref<10240xf32, #tpu.memory_space<vmem>>, vector<16xf32>,
        %get3A_191 = vector.shape_cast %get3A_190 : vector<16xf32> to vector<16xf32>
        %add3A_192 = arith.constant 4096 : i32
        %add3A_193 = arith.addi %add3A_192, %add3A_180 : i32
        %get3A_194 = arith.index_cast %add3A_193 : i32 to index
        %get3A_195 = tpu.vector_load %arg7[%get3A_194] {strides = array<i32>} : memref<10240xf32, #tpu.memory_space<vmem>>, vector<16xf32>,
        %get3A_196 = vector.shape_cast %get3A_195 : vector<16xf32> to vector<16xf32>
        %add3A_197 = arith.addf %get3A_186, %get3A_196 : vector<16xf32>
        %sign3A = tpu.bitcast %get3A_183 : vector<16xf32> -> vector<16xi32>
        %sign3A_198 = arith.constant -2147483648 : i32
        %sign3A_199 = vector.broadcast %sign3A_198 : i32 to vector<16xi32>
        %sign3A_200 = arith.andi %sign3A, %sign3A_199 : vector<16xi32>
        %sign3A_201 = arith.constant 1065353216 : i32
        %sign3A_202 = vector.broadcast %sign3A_201 : i32 to vector<16xi32>
        %sign3A_203 = arith.ori %sign3A_202, %sign3A_200 : vector<16xi32>
        %sign3A_204 = tpu.bitcast %sign3A_203 : vector<16xi32> -> vector<16xf32>
        %sign3A_205 = math.absf %get3A_183 : vector<16xf32>
        %sign3A_206 = arith.constant 0.000000e+00 : f32
        %sign3A_207 = vector.broadcast %sign3A_206 : f32 to vector<16xf32>
        %sign3A_208 = arith.cmpf ogt, %sign3A_205, %sign3A_207 : vector<16xf32>
        %sign3A_209 = arith.select %sign3A_208, %sign3A_204, %get3A_183 : vector<16xi1>, vector<16xf32>
        %sign3A_210 = tpu.bitcast %add3A_197 : vector<16xf32> -> vector<16xi32>
        %sign3A_211 = arith.constant -2147483648 : i32
        %sign3A_212 = vector.broadcast %sign3A_211 : i32 to vector<16xi32>
        %sign3A_213 = arith.andi %sign3A_210, %sign3A_212 : vector<16xi32>
        %sign3A_214 = arith.constant 1065353216 : i32
        %sign3A_215 = vector.broadcast %sign3A_214 : i32 to vector<16xi32>
        %sign3A_216 = arith.ori %sign3A_215, %sign3A_213 : vector<16xi32>
        %sign3A_217 = tpu.bitcast %sign3A_216 : vector<16xi32> -> vector<16xf32>
        %sign3A_218 = math.absf %add3A_197 : vector<16xf32>
        %sign3A_219 = arith.constant 0.000000e+00 : f32
        %sign3A_220 = vector.broadcast %sign3A_219 : f32 to vector<16xf32>
        %sign3A_221 = arith.cmpf ogt, %sign3A_218, %sign3A_220 : vector<16xf32>
        %sign3A_222 = arith.select %sign3A_221, %sign3A_217, %add3A_197 : vector<16xi1>, vector<16xf32>
        %mul3A_223 = arith.mulf %sign3A_209, %sign3A_222 : vector<16xf32>
        %abs3A = math.absf %get3A_183 : vector<16xf32>
        %abs3A_224 = math.absf %add3A_197 : vector<16xf32>
        %min3A = arith.minimumf %abs3A, %abs3A_224 : vector<16xf32>
        %mul3A_225 = arith.mulf %mul3A_223, %min3A : vector<16xf32>
        %mul3A_226 = arith.mulf %get3A_81, %mul3A_225 : vector<16xf32>
        %sign3A_227 = tpu.bitcast %get3A_183 : vector<16xf32> -> vector<16xi32>
        %sign3A_228 = arith.constant -2147483648 : i32
        %sign3A_229 = vector.broadcast %sign3A_228 : i32 to vector<16xi32>
        %sign3A_230 = arith.andi %sign3A_227, %sign3A_229 : vector<16xi32>
        %sign3A_231 = arith.constant 1065353216 : i32
        %sign3A_232 = vector.broadcast %sign3A_231 : i32 to vector<16xi32>
        %sign3A_233 = arith.ori %sign3A_232, %sign3A_230 : vector<16xi32>
        %sign3A_234 = tpu.bitcast %sign3A_233 : vector<16xi32> -> vector<16xf32>
        %sign3A_235 = math.absf %get3A_183 : vector<16xf32>
        %sign3A_236 = arith.constant 0.000000e+00 : f32
        %sign3A_237 = vector.broadcast %sign3A_236 : f32 to vector<16xf32>
        %sign3A_238 = arith.cmpf ogt, %sign3A_235, %sign3A_237 : vector<16xf32>
        %sign3A_239 = arith.select %sign3A_238, %sign3A_234, %get3A_183 : vector<16xi1>, vector<16xf32>
        %sign3A_240 = tpu.bitcast %get3A_191 : vector<16xf32> -> vector<16xi32>
        %sign3A_241 = arith.constant -2147483648 : i32
        %sign3A_242 = vector.broadcast %sign3A_241 : i32 to vector<16xi32>
        %sign3A_243 = arith.andi %sign3A_240, %sign3A_242 : vector<16xi32>
        %sign3A_244 = arith.constant 1065353216 : i32
        %sign3A_245 = vector.broadcast %sign3A_244 : i32 to vector<16xi32>
        %sign3A_246 = arith.ori %sign3A_245, %sign3A_243 : vector<16xi32>
        %sign3A_247 = tpu.bitcast %sign3A_246 : vector<16xi32> -> vector<16xf32>
        %sign3A_248 = math.absf %get3A_191 : vector<16xf32>
        %sign3A_249 = arith.constant 0.000000e+00 : f32
        %sign3A_250 = vector.broadcast %sign3A_249 : f32 to vector<16xf32>
        %sign3A_251 = arith.cmpf ogt, %sign3A_248, %sign3A_250 : vector<16xf32>
        %sign3A_252 = arith.select %sign3A_251, %sign3A_247, %get3A_191 : vector<16xi1>, vector<16xf32>
        %mul3A_253 = arith.mulf %sign3A_239, %sign3A_252 : vector<16xf32>
        %abs3A_254 = math.absf %get3A_183 : vector<16xf32>
        %abs3A_255 = math.absf %get3A_191 : vector<16xf32>
        %min3A_256 = arith.minimumf %abs3A_254, %abs3A_255 : vector<16xf32>
        %mul3A_257 = arith.mulf %mul3A_253, %min3A_256 : vector<16xf32>
        %mul3A_258 = arith.mulf %get3A_84, %mul3A_257 : vector<16xf32>
        %add3A_259 = arith.addf %mul3A_258, %get3A_186 : vector<16xf32>
        %swap3A = arith.index_cast %mul3A_178 : i32 to index
        %swap3A_260 = tpu.vector_load %arg6[%swap3A] {strides = array<i32>} : memref<1024xf32, #tpu.memory_space<vmem>>, vector<16xf32>,
        %swap3A_261 = vector.shape_cast %swap3A_260 : vector<16xf32> to vector<16xf32>
        %swap3A_262 = vector.shape_cast %mul3A_226 : vector<16xf32> to vector<16xf32>
        tpu.vector_store %arg6[%swap3A], %swap3A_262 {strides = array<i32>} : memref<1024xf32, #tpu.memory_space<vmem>>, vector<16xf32>,
        %swap3A_263 = arith.index_cast %add3A_180 : i32 to index
        %swap3A_264 = tpu.vector_load %arg6[%swap3A_263] {strides = array<i32>} : memref<1024xf32, #tpu.memory_space<vmem>>, vector<16xf32>,
        %swap3A_265 = vector.shape_cast %swap3A_264 : vector<16xf32> to vector<16xf32>
        %swap3A_266 = vector.shape_cast %add3A_259 : vector<16xf32> to vector<16xf32>
        tpu.vector_store %arg6[%swap3A_263], %swap3A_266 {strides = array<i32>} : memref<1024xf32, #tpu.memory_space<vmem>>, vector<16xf32>,
        %max3A = arith.constant -2.000000e+01 : f32
        %max3A_267 = vector.broadcast %max3A : f32 to vector<16xf32>
        %max3A_268 = arith.maximumf %mul3A_226, %max3A_267 : vector<16xf32>
        %min3A_269 = arith.constant 2.000000e+01 : f32
        %min3A_270 = vector.broadcast %min3A_269 : f32 to vector<16xf32>
        %min3A_271 = arith.minimumf %max3A_268, %min3A_270 : vector<16xf32>
        %add3A_272 = arith.constant 4096 : i32
        %add3A_273 = arith.addi %add3A_272, %mul3A_178 : i32
        %swap3A_274 = arith.index_cast %add3A_273 : i32 to index
        %swap3A_275 = tpu.vector_load %arg8[%swap3A_274] {strides = array<i32>} : memref<11264xf32, #tpu.memory_space<vmem>>, vector<16xf32>,
        %swap3A_276 = vector.shape_cast %swap3A_275 : vector<16xf32> to vector<16xf32>
        %swap3A_277 = vector.shape_cast %min3A_271 : vector<16xf32> to vector<16xf32>
        tpu.vector_store %arg8[%swap3A_274], %swap3A_277 {strides = array<i32>} : memref<11264xf32, #tpu.memory_space<vmem>>, vector<16xf32>,
        %max3A_278 = arith.constant -2.000000e+01 : f32
        %max3A_279 = vector.broadcast %max3A_278 : f32 to vector<16xf32>
        %max3A_280 = arith.maximumf %add3A_259, %max3A_279 : vector<16xf32>
        %min3A_281 = arith.constant 2.000000e+01 : f32
        %min3A_282 = vector.broadcast %min3A_281 : f32 to vector<16xf32>
        %min3A_283 = arith.minimumf %max3A_280, %min3A_282 : vector<16xf32>
        %add3A_284 = arith.constant 4096 : i32
        %add3A_285 = arith.addi %add3A_284, %add3A_180 : i32
        %swap3A_286 = arith.index_cast %add3A_285 : i32 to index
        %swap3A_287 = tpu.vector_load %arg8[%swap3A_286] {strides = array<i32>} : memref<11264xf32, #tpu.memory_space<vmem>>, vector<16xf32>,
        %swap3A_288 = vector.shape_cast %swap3A_287 : vector<16xf32> to vector<16xf32>
        %swap3A_289 = vector.shape_cast %min3A_283 : vector<16xf32> to vector<16xf32>
        tpu.vector_store %arg8[%swap3A_286], %swap3A_289 {strides = array<i32>} : memref<11264xf32, #tpu.memory_space<vmem>>, vector<16xf32>,
      }
      %scan3A_90 = arith.constant 32 : i32
      %get3A_91 = arith.constant 48 : index
      %get3A_92 = tpu.vector_load %arg9[%get3A_91] {strides = array<i32>} : memref<320xf32, #tpu.memory_space<vmem>>, vector<16xf32>,
      %get3A_93 = vector.shape_cast %get3A_92 : vector<16xf32> to vector<16xf32>
      %get3A_94 = arith.constant 208 : index
      %get3A_95 = tpu.vector_load %arg9[%get3A_94] {strides = array<i32>} : memref<320xf32, #tpu.memory_space<vmem>>, vector<16xf32>,
      %get3A_96 = vector.shape_cast %get3A_95 : vector<16xf32> to vector<16xf32>
      %xor3A = arith.constant 8 : i32
      %xor3A_97 = vector.broadcast %xor3A : i32 to vector<16xi32>
      %xor3A_98 = arith.xori %iota3A, %xor3A_97 : vector<16xi32>
      %and3A = arith.constant 8 : i32
      %and3A_99 = vector.broadcast %and3A : i32 to vector<16xi32>
      %and3A_100 = arith.andi %iota3A, %and3A_99 : vector<16xi32>
      %eq3A = arith.constant 0 : i32
      %eq3A_101 = vector.broadcast %eq3A : i32 to vector<16xi32>
      %eq3A_102 = arith.cmpi eq, %and3A_100, %eq3A_101 : vector<16xi32>
      %scan3A_103 = arith.constant 0 : i32
      %scan3A_104 = arith.constant 0 : i32
      %scan3A_105 = arith.constant 64 : i32
      %scan3A_106 = arith.addi %scan3A_104, %scan3A_105 : i32
      %scan3A_107 = arith.constant 1 : i32
      scf.for %scan3A_172 = %scan3A_104 to %scan3A_106 step %scan3A_107  : i32 {
        %mul3A_173 = arith.constant 16 : i32
        %mul3A_174 = arith.muli %scan3A_172, %mul3A_173 : i32
        %get3A_175 = arith.index_cast %mul3A_174 : i32 to index
        %get3A_176 = tpu.vector_load %arg6[%get3A_175] {strides = array<i32>} : memref<1024xf32, #tpu.memory_space<vmem>>, vector<16xf32>,
        %get3A_177 = vector.shape_cast %get3A_176 : vector<16xf32> to vector<16xf32>
        %add3A_178 = arith.constant 3072 : i32
        %add3A_179 = arith.addi %add3A_178, %mul3A_174 : i32
        %get3A_180 = arith.index_cast %add3A_179 : i32 to index
        %get3A_181 = tpu.vector_load %arg7[%get3A_180] {strides = array<i32>} : memref<10240xf32, #tpu.memory_space<vmem>>, vector<16xf32>,
        %get3A_182 = vector.shape_cast %get3A_181 : vector<16xf32> to vector<16xf32>
        %lt3A = arith.constant 0 : i32
        %lt3A_183 = vector.broadcast %lt3A : i32 to vector<16xi32>
        %lt3A_184 = arith.cmpi slt, %xor3A_98, %lt3A_183 : vector<16xi32>
        %add3A_185 = arith.constant 16 : i32
        %add3A_186 = vector.broadcast %add3A_185 : i32 to vector<16xi32>
        %add3A_187 = arith.addi %xor3A_98, %add3A_186 : vector<16xi32>
        %select_n3A = arith.select %lt3A_184, %add3A_187, %xor3A_98 : vector<16xi1>, vector<16xi32>
        %broadcast_in_dim3A = vector.shape_cast %select_n3A : vector<16xi32> to vector<16x1xi32>
        %gather3A = vector.shape_cast %broadcast_in_dim3A : vector<16x1xi32> to vector<16xi32>
        %gather3A_188 = tpu.dynamic_gather %get3A_177[%gather3A] in [0] : vector<16xf32>, vector<16xi32> -> vector<16xf32>
        %lt3A_189 = arith.constant 0 : i32
        %lt3A_190 = vector.broadcast %lt3A_189 : i32 to vector<16xi32>
        %lt3A_191 = arith.cmpi slt, %xor3A_98, %lt3A_190 : vector<16xi32>
        %add3A_192 = arith.constant 16 : i32
        %add3A_193 = vector.broadcast %add3A_192 : i32 to vector<16xi32>
        %add3A_194 = arith.addi %xor3A_98, %add3A_193 : vector<16xi32>
        %select_n3A_195 = arith.select %lt3A_191, %add3A_194, %xor3A_98 : vector<16xi1>, vector<16xi32>
        %broadcast_in_dim3A_196 = vector.shape_cast %select_n3A_195 : vector<16xi32> to vector<16x1xi32>
        %gather3A_197 = vector.shape_cast %broadcast_in_dim3A_196 : vector<16x1xi32> to vector<16xi32>
        %gather3A_198 = tpu.dynamic_gather %get3A_182[%gather3A_197] in [0] : vector<16xf32>, vector<16xi32> -> vector<16xf32>
        %add3A_199 = arith.addf %gather3A_188, %gather3A_198 : vector<16xf32>
        %sign3A = tpu.bitcast %get3A_177 : vector<16xf32> -> vector<16xi32>
        %sign3A_200 = arith.constant -2147483648 : i32
        %sign3A_201 = vector.broadcast %sign3A_200 : i32 to vector<16xi32>
        %sign3A_202 = arith.andi %sign3A, %sign3A_201 : vector<16xi32>
        %sign3A_203 = arith.constant 1065353216 : i32
        %sign3A_204 = vector.broadcast %sign3A_203 : i32 to vector<16xi32>
        %sign3A_205 = arith.ori %sign3A_204, %sign3A_202 : vector<16xi32>
        %sign3A_206 = tpu.bitcast %sign3A_205 : vector<16xi32> -> vector<16xf32>
        %sign3A_207 = math.absf %get3A_177 : vector<16xf32>
        %sign3A_208 = arith.constant 0.000000e+00 : f32
        %sign3A_209 = vector.broadcast %sign3A_208 : f32 to vector<16xf32>
        %sign3A_210 = arith.cmpf ogt, %sign3A_207, %sign3A_209 : vector<16xf32>
        %sign3A_211 = arith.select %sign3A_210, %sign3A_206, %get3A_177 : vector<16xi1>, vector<16xf32>
        %sign3A_212 = tpu.bitcast %add3A_199 : vector<16xf32> -> vector<16xi32>
        %sign3A_213 = arith.constant -2147483648 : i32
        %sign3A_214 = vector.broadcast %sign3A_213 : i32 to vector<16xi32>
        %sign3A_215 = arith.andi %sign3A_212, %sign3A_214 : vector<16xi32>
        %sign3A_216 = arith.constant 1065353216 : i32
        %sign3A_217 = vector.broadcast %sign3A_216 : i32 to vector<16xi32>
        %sign3A_218 = arith.ori %sign3A_217, %sign3A_215 : vector<16xi32>
        %sign3A_219 = tpu.bitcast %sign3A_218 : vector<16xi32> -> vector<16xf32>
        %sign3A_220 = math.absf %add3A_199 : vector<16xf32>
        %sign3A_221 = arith.constant 0.000000e+00 : f32
        %sign3A_222 = vector.broadcast %sign3A_221 : f32 to vector<16xf32>
        %sign3A_223 = arith.cmpf ogt, %sign3A_220, %sign3A_222 : vector<16xf32>
        %sign3A_224 = arith.select %sign3A_223, %sign3A_219, %add3A_199 : vector<16xi1>, vector<16xf32>
        %mul3A_225 = arith.mulf %sign3A_211, %sign3A_224 : vector<16xf32>
        %abs3A = math.absf %get3A_177 : vector<16xf32>
        %abs3A_226 = math.absf %add3A_199 : vector<16xf32>
        %min3A = arith.minimumf %abs3A, %abs3A_226 : vector<16xf32>
        %mul3A_227 = arith.mulf %mul3A_225, %min3A : vector<16xf32>
        %mul3A_228 = arith.mulf %get3A_93, %mul3A_227 : vector<16xf32>
        %sign3A_229 = tpu.bitcast %gather3A_188 : vector<16xf32> -> vector<16xi32>
        %sign3A_230 = arith.constant -2147483648 : i32
        %sign3A_231 = vector.broadcast %sign3A_230 : i32 to vector<16xi32>
        %sign3A_232 = arith.andi %sign3A_229, %sign3A_231 : vector<16xi32>
        %sign3A_233 = arith.constant 1065353216 : i32
        %sign3A_234 = vector.broadcast %sign3A_233 : i32 to vector<16xi32>
        %sign3A_235 = arith.ori %sign3A_234, %sign3A_232 : vector<16xi32>
        %sign3A_236 = tpu.bitcast %sign3A_235 : vector<16xi32> -> vector<16xf32>
        %sign3A_237 = math.absf %gather3A_188 : vector<16xf32>
        %sign3A_238 = arith.constant 0.000000e+00 : f32
        %sign3A_239 = vector.broadcast %sign3A_238 : f32 to vector<16xf32>
        %sign3A_240 = arith.cmpf ogt, %sign3A_237, %sign3A_239 : vector<16xf32>
        %sign3A_241 = arith.select %sign3A_240, %sign3A_236, %gather3A_188 : vector<16xi1>, vector<16xf32>
        %sign3A_242 = tpu.bitcast %gather3A_198 : vector<16xf32> -> vector<16xi32>
        %sign3A_243 = arith.constant -2147483648 : i32
        %sign3A_244 = vector.broadcast %sign3A_243 : i32 to vector<16xi32>
        %sign3A_245 = arith.andi %sign3A_242, %sign3A_244 : vector<16xi32>
        %sign3A_246 = arith.constant 1065353216 : i32
        %sign3A_247 = vector.broadcast %sign3A_246 : i32 to vector<16xi32>
        %sign3A_248 = arith.ori %sign3A_247, %sign3A_245 : vector<16xi32>
        %sign3A_249 = tpu.bitcast %sign3A_248 : vector<16xi32> -> vector<16xf32>
        %sign3A_250 = math.absf %gather3A_198 : vector<16xf32>
        %sign3A_251 = arith.constant 0.000000e+00 : f32
        %sign3A_252 = vector.broadcast %sign3A_251 : f32 to vector<16xf32>
        %sign3A_253 = arith.cmpf ogt, %sign3A_250, %sign3A_252 : vector<16xf32>
        %sign3A_254 = arith.select %sign3A_253, %sign3A_249, %gather3A_198 : vector<16xi1>, vector<16xf32>
        %mul3A_255 = arith.mulf %sign3A_241, %sign3A_254 : vector<16xf32>
        %abs3A_256 = math.absf %gather3A_188 : vector<16xf32>
        %abs3A_257 = math.absf %gather3A_198 : vector<16xf32>
        %min3A_258 = arith.minimumf %abs3A_256, %abs3A_257 : vector<16xf32>
        %mul3A_259 = arith.mulf %mul3A_255, %min3A_258 : vector<16xf32>
        %mul3A_260 = arith.mulf %get3A_96, %mul3A_259 : vector<16xf32>
        %add3A_261 = arith.addf %mul3A_260, %get3A_177 : vector<16xf32>
        %select_n3A_262 = arith.select %eq3A_102, %mul3A_228, %add3A_261 : vector<16xi1>, vector<16xf32>
        %swap3A = arith.index_cast %mul3A_174 : i32 to index
        %swap3A_263 = tpu.vector_load %arg6[%swap3A] {strides = array<i32>} : memref<1024xf32, #tpu.memory_space<vmem>>, vector<16xf32>,
        %swap3A_264 = vector.shape_cast %swap3A_263 : vector<16xf32> to vector<16xf32>
        %swap3A_265 = vector.shape_cast %select_n3A_262 : vector<16xf32> to vector<16xf32>
        tpu.vector_store %arg6[%swap3A], %swap3A_265 {strides = array<i32>} : memref<1024xf32, #tpu.memory_space<vmem>>, vector<16xf32>,
        %max3A = arith.constant -2.000000e+01 : f32
        %max3A_266 = vector.broadcast %max3A : f32 to vector<16xf32>
        %max3A_267 = arith.maximumf %select_n3A_262, %max3A_266 : vector<16xf32>
        %min3A_268 = arith.constant 2.000000e+01 : f32
        %min3A_269 = vector.broadcast %min3A_268 : f32 to vector<16xf32>
        %min3A_270 = arith.minimumf %max3A_267, %min3A_269 : vector<16xf32>
        %add3A_271 = arith.constant 3072 : i32
        %add3A_272 = arith.addi %add3A_271, %mul3A_174 : i32
        %swap3A_273 = arith.index_cast %add3A_272 : i32 to index
        %swap3A_274 = tpu.vector_load %arg8[%swap3A_273] {strides = array<i32>} : memref<11264xf32, #tpu.memory_space<vmem>>, vector<16xf32>,
        %swap3A_275 = vector.shape_cast %swap3A_274 : vector<16xf32> to vector<16xf32>
        %swap3A_276 = vector.shape_cast %min3A_270 : vector<16xf32> to vector<16xf32>
        tpu.vector_store %arg8[%swap3A_273], %swap3A_276 {strides = array<i32>} : memref<11264xf32, #tpu.memory_space<vmem>>, vector<16xf32>,
      }
      %scan3A_108 = arith.constant 64 : i32
      %get3A_109 = arith.constant 32 : index
      %get3A_110 = tpu.vector_load %arg9[%get3A_109] {strides = array<i32>} : memref<320xf32, #tpu.memory_space<vmem>>, vector<16xf32>,
      %get3A_111 = vector.shape_cast %get3A_110 : vector<16xf32> to vector<16xf32>
      %get3A_112 = arith.constant 192 : index
      %get3A_113 = tpu.vector_load %arg9[%get3A_112] {strides = array<i32>} : memref<320xf32, #tpu.memory_space<vmem>>, vector<16xf32>,
      %get3A_114 = vector.shape_cast %get3A_113 : vector<16xf32> to vector<16xf32>
      %xor3A_115 = arith.constant 4 : i32
      %xor3A_116 = vector.broadcast %xor3A_115 : i32 to vector<16xi32>
      %xor3A_117 = arith.xori %iota3A, %xor3A_116 : vector<16xi32>
      %and3A_118 = arith.constant 4 : i32
      %and3A_119 = vector.broadcast %and3A_118 : i32 to vector<16xi32>
      %and3A_120 = arith.andi %iota3A, %and3A_119 : vector<16xi32>
      %eq3A_121 = arith.constant 0 : i32
      %eq3A_122 = vector.broadcast %eq3A_121 : i32 to vector<16xi32>
      %eq3A_123 = arith.cmpi eq, %and3A_120, %eq3A_122 : vector<16xi32>
      %scan3A_124 = arith.constant 0 : i32
      %scan3A_125 = arith.constant 0 : i32
      %scan3A_126 = arith.constant 64 : i32
      %scan3A_127 = arith.addi %scan3A_125, %scan3A_126 : i32
      %scan3A_128 = arith.constant 1 : i32
      scf.for %scan3A_172 = %scan3A_125 to %scan3A_127 step %scan3A_128  : i32 {
        %mul3A_173 = arith.constant 16 : i32
        %mul3A_174 = arith.muli %scan3A_172, %mul3A_173 : i32
        %get3A_175 = arith.index_cast %mul3A_174 : i32 to index
        %get3A_176 = tpu.vector_load %arg6[%get3A_175] {strides = array<i32>} : memref<1024xf32, #tpu.memory_space<vmem>>, vector<16xf32>,
        %get3A_177 = vector.shape_cast %get3A_176 : vector<16xf32> to vector<16xf32>
        %add3A_178 = arith.constant 2048 : i32
        %add3A_179 = arith.addi %add3A_178, %mul3A_174 : i32
        %get3A_180 = arith.index_cast %add3A_179 : i32 to index
        %get3A_181 = tpu.vector_load %arg7[%get3A_180] {strides = array<i32>} : memref<10240xf32, #tpu.memory_space<vmem>>, vector<16xf32>,
        %get3A_182 = vector.shape_cast %get3A_181 : vector<16xf32> to vector<16xf32>
        %lt3A = arith.constant 0 : i32
        %lt3A_183 = vector.broadcast %lt3A : i32 to vector<16xi32>
        %lt3A_184 = arith.cmpi slt, %xor3A_117, %lt3A_183 : vector<16xi32>
        %add3A_185 = arith.constant 16 : i32
        %add3A_186 = vector.broadcast %add3A_185 : i32 to vector<16xi32>
        %add3A_187 = arith.addi %xor3A_117, %add3A_186 : vector<16xi32>
        %select_n3A = arith.select %lt3A_184, %add3A_187, %xor3A_117 : vector<16xi1>, vector<16xi32>
        %broadcast_in_dim3A = vector.shape_cast %select_n3A : vector<16xi32> to vector<16x1xi32>
        %gather3A = vector.shape_cast %broadcast_in_dim3A : vector<16x1xi32> to vector<16xi32>
        %gather3A_188 = tpu.dynamic_gather %get3A_177[%gather3A] in [0] : vector<16xf32>, vector<16xi32> -> vector<16xf32>
        %lt3A_189 = arith.constant 0 : i32
        %lt3A_190 = vector.broadcast %lt3A_189 : i32 to vector<16xi32>
        %lt3A_191 = arith.cmpi slt, %xor3A_117, %lt3A_190 : vector<16xi32>
        %add3A_192 = arith.constant 16 : i32
        %add3A_193 = vector.broadcast %add3A_192 : i32 to vector<16xi32>
        %add3A_194 = arith.addi %xor3A_117, %add3A_193 : vector<16xi32>
        %select_n3A_195 = arith.select %lt3A_191, %add3A_194, %xor3A_117 : vector<16xi1>, vector<16xi32>
        %broadcast_in_dim3A_196 = vector.shape_cast %select_n3A_195 : vector<16xi32> to vector<16x1xi32>
        %gather3A_197 = vector.shape_cast %broadcast_in_dim3A_196 : vector<16x1xi32> to vector<16xi32>
        %gather3A_198 = tpu.dynamic_gather %get3A_182[%gather3A_197] in [0] : vector<16xf32>, vector<16xi32> -> vector<16xf32>
        %add3A_199 = arith.addf %gather3A_188, %gather3A_198 : vector<16xf32>
        %sign3A = tpu.bitcast %get3A_177 : vector<16xf32> -> vector<16xi32>
        %sign3A_200 = arith.constant -2147483648 : i32
        %sign3A_201 = vector.broadcast %sign3A_200 : i32 to vector<16xi32>
        %sign3A_202 = arith.andi %sign3A, %sign3A_201 : vector<16xi32>
        %sign3A_203 = arith.constant 1065353216 : i32
        %sign3A_204 = vector.broadcast %sign3A_203 : i32 to vector<16xi32>
        %sign3A_205 = arith.ori %sign3A_204, %sign3A_202 : vector<16xi32>
        %sign3A_206 = tpu.bitcast %sign3A_205 : vector<16xi32> -> vector<16xf32>
        %sign3A_207 = math.absf %get3A_177 : vector<16xf32>
        %sign3A_208 = arith.constant 0.000000e+00 : f32
        %sign3A_209 = vector.broadcast %sign3A_208 : f32 to vector<16xf32>
        %sign3A_210 = arith.cmpf ogt, %sign3A_207, %sign3A_209 : vector<16xf32>
        %sign3A_211 = arith.select %sign3A_210, %sign3A_206, %get3A_177 : vector<16xi1>, vector<16xf32>
        %sign3A_212 = tpu.bitcast %add3A_199 : vector<16xf32> -> vector<16xi32>
        %sign3A_213 = arith.constant -2147483648 : i32
        %sign3A_214 = vector.broadcast %sign3A_213 : i32 to vector<16xi32>
        %sign3A_215 = arith.andi %sign3A_212, %sign3A_214 : vector<16xi32>
        %sign3A_216 = arith.constant 1065353216 : i32
        %sign3A_217 = vector.broadcast %sign3A_216 : i32 to vector<16xi32>
        %sign3A_218 = arith.ori %sign3A_217, %sign3A_215 : vector<16xi32>
        %sign3A_219 = tpu.bitcast %sign3A_218 : vector<16xi32> -> vector<16xf32>
        %sign3A_220 = math.absf %add3A_199 : vector<16xf32>
        %sign3A_221 = arith.constant 0.000000e+00 : f32
        %sign3A_222 = vector.broadcast %sign3A_221 : f32 to vector<16xf32>
        %sign3A_223 = arith.cmpf ogt, %sign3A_220, %sign3A_222 : vector<16xf32>
        %sign3A_224 = arith.select %sign3A_223, %sign3A_219, %add3A_199 : vector<16xi1>, vector<16xf32>
        %mul3A_225 = arith.mulf %sign3A_211, %sign3A_224 : vector<16xf32>
        %abs3A = math.absf %get3A_177 : vector<16xf32>
        %abs3A_226 = math.absf %add3A_199 : vector<16xf32>
        %min3A = arith.minimumf %abs3A, %abs3A_226 : vector<16xf32>
        %mul3A_227 = arith.mulf %mul3A_225, %min3A : vector<16xf32>
        %mul3A_228 = arith.mulf %get3A_111, %mul3A_227 : vector<16xf32>
        %sign3A_229 = tpu.bitcast %gather3A_188 : vector<16xf32> -> vector<16xi32>
        %sign3A_230 = arith.constant -2147483648 : i32
        %sign3A_231 = vector.broadcast %sign3A_230 : i32 to vector<16xi32>
        %sign3A_232 = arith.andi %sign3A_229, %sign3A_231 : vector<16xi32>
        %sign3A_233 = arith.constant 1065353216 : i32
        %sign3A_234 = vector.broadcast %sign3A_233 : i32 to vector<16xi32>
        %sign3A_235 = arith.ori %sign3A_234, %sign3A_232 : vector<16xi32>
        %sign3A_236 = tpu.bitcast %sign3A_235 : vector<16xi32> -> vector<16xf32>
        %sign3A_237 = math.absf %gather3A_188 : vector<16xf32>
        %sign3A_238 = arith.constant 0.000000e+00 : f32
        %sign3A_239 = vector.broadcast %sign3A_238 : f32 to vector<16xf32>
        %sign3A_240 = arith.cmpf ogt, %sign3A_237, %sign3A_239 : vector<16xf32>
        %sign3A_241 = arith.select %sign3A_240, %sign3A_236, %gather3A_188 : vector<16xi1>, vector<16xf32>
        %sign3A_242 = tpu.bitcast %gather3A_198 : vector<16xf32> -> vector<16xi32>
        %sign3A_243 = arith.constant -2147483648 : i32
        %sign3A_244 = vector.broadcast %sign3A_243 : i32 to vector<16xi32>
        %sign3A_245 = arith.andi %sign3A_242, %sign3A_244 : vector<16xi32>
        %sign3A_246 = arith.constant 1065353216 : i32
        %sign3A_247 = vector.broadcast %sign3A_246 : i32 to vector<16xi32>
        %sign3A_248 = arith.ori %sign3A_247, %sign3A_245 : vector<16xi32>
        %sign3A_249 = tpu.bitcast %sign3A_248 : vector<16xi32> -> vector<16xf32>
        %sign3A_250 = math.absf %gather3A_198 : vector<16xf32>
        %sign3A_251 = arith.constant 0.000000e+00 : f32
        %sign3A_252 = vector.broadcast %sign3A_251 : f32 to vector<16xf32>
        %sign3A_253 = arith.cmpf ogt, %sign3A_250, %sign3A_252 : vector<16xf32>
        %sign3A_254 = arith.select %sign3A_253, %sign3A_249, %gather3A_198 : vector<16xi1>, vector<16xf32>
        %mul3A_255 = arith.mulf %sign3A_241, %sign3A_254 : vector<16xf32>
        %abs3A_256 = math.absf %gather3A_188 : vector<16xf32>
        %abs3A_257 = math.absf %gather3A_198 : vector<16xf32>
        %min3A_258 = arith.minimumf %abs3A_256, %abs3A_257 : vector<16xf32>
        %mul3A_259 = arith.mulf %mul3A_255, %min3A_258 : vector<16xf32>
        %mul3A_260 = arith.mulf %get3A_114, %mul3A_259 : vector<16xf32>
        %add3A_261 = arith.addf %mul3A_260, %get3A_177 : vector<16xf32>
        %select_n3A_262 = arith.select %eq3A_123, %mul3A_228, %add3A_261 : vector<16xi1>, vector<16xf32>
        %swap3A = arith.index_cast %mul3A_174 : i32 to index
        %swap3A_263 = tpu.vector_load %arg6[%swap3A] {strides = array<i32>} : memref<1024xf32, #tpu.memory_space<vmem>>, vector<16xf32>,
        %swap3A_264 = vector.shape_cast %swap3A_263 : vector<16xf32> to vector<16xf32>
        %swap3A_265 = vector.shape_cast %select_n3A_262 : vector<16xf32> to vector<16xf32>
        tpu.vector_store %arg6[%swap3A], %swap3A_265 {strides = array<i32>} : memref<1024xf32, #tpu.memory_space<vmem>>, vector<16xf32>,
        %max3A = arith.constant -2.000000e+01 : f32
        %max3A_266 = vector.broadcast %max3A : f32 to vector<16xf32>
        %max3A_267 = arith.maximumf %select_n3A_262, %max3A_266 : vector<16xf32>
        %min3A_268 = arith.constant 2.000000e+01 : f32
        %min3A_269 = vector.broadcast %min3A_268 : f32 to vector<16xf32>
        %min3A_270 = arith.minimumf %max3A_267, %min3A_269 : vector<16xf32>
        %add3A_271 = arith.constant 2048 : i32
        %add3A_272 = arith.addi %add3A_271, %mul3A_174 : i32
        %swap3A_273 = arith.index_cast %add3A_272 : i32 to index
        %swap3A_274 = tpu.vector_load %arg8[%swap3A_273] {strides = array<i32>} : memref<11264xf32, #tpu.memory_space<vmem>>, vector<16xf32>,
        %swap3A_275 = vector.shape_cast %swap3A_274 : vector<16xf32> to vector<16xf32>
        %swap3A_276 = vector.shape_cast %min3A_270 : vector<16xf32> to vector<16xf32>
        tpu.vector_store %arg8[%swap3A_273], %swap3A_276 {strides = array<i32>} : memref<11264xf32, #tpu.memory_space<vmem>>, vector<16xf32>,
      }
      %scan3A_129 = arith.constant 64 : i32
      %get3A_130 = arith.constant 16 : index
      %get3A_131 = tpu.vector_load %arg9[%get3A_130] {strides = array<i32>} : memref<320xf32, #tpu.memory_space<vmem>>, vector<16xf32>,
      %get3A_132 = vector.shape_cast %get3A_131 : vector<16xf32> to vector<16xf32>
      %get3A_133 = arith.constant 176 : index
      %get3A_134 = tpu.vector_load %arg9[%get3A_133] {strides = array<i32>} : memref<320xf32, #tpu.memory_space<vmem>>, vector<16xf32>,
      %get3A_135 = vector.shape_cast %get3A_134 : vector<16xf32> to vector<16xf32>
      %xor3A_136 = arith.constant 2 : i32
      %xor3A_137 = vector.broadcast %xor3A_136 : i32 to vector<16xi32>
      %xor3A_138 = arith.xori %iota3A, %xor3A_137 : vector<16xi32>
      %and3A_139 = arith.constant 2 : i32
      %and3A_140 = vector.broadcast %and3A_139 : i32 to vector<16xi32>
      %and3A_141 = arith.andi %iota3A, %and3A_140 : vector<16xi32>
      %eq3A_142 = arith.constant 0 : i32
      %eq3A_143 = vector.broadcast %eq3A_142 : i32 to vector<16xi32>
      %eq3A_144 = arith.cmpi eq, %and3A_141, %eq3A_143 : vector<16xi32>
      %scan3A_145 = arith.constant 0 : i32
      %scan3A_146 = arith.constant 0 : i32
      %scan3A_147 = arith.constant 64 : i32
      %scan3A_148 = arith.addi %scan3A_146, %scan3A_147 : i32
      %scan3A_149 = arith.constant 1 : i32
      scf.for %scan3A_172 = %scan3A_146 to %scan3A_148 step %scan3A_149  : i32 {
        %mul3A_173 = arith.constant 16 : i32
        %mul3A_174 = arith.muli %scan3A_172, %mul3A_173 : i32
        %get3A_175 = arith.index_cast %mul3A_174 : i32 to index
        %get3A_176 = tpu.vector_load %arg6[%get3A_175] {strides = array<i32>} : memref<1024xf32, #tpu.memory_space<vmem>>, vector<16xf32>,
        %get3A_177 = vector.shape_cast %get3A_176 : vector<16xf32> to vector<16xf32>
        %add3A_178 = arith.constant 1024 : i32
        %add3A_179 = arith.addi %add3A_178, %mul3A_174 : i32
        %get3A_180 = arith.index_cast %add3A_179 : i32 to index
        %get3A_181 = tpu.vector_load %arg7[%get3A_180] {strides = array<i32>} : memref<10240xf32, #tpu.memory_space<vmem>>, vector<16xf32>,
        %get3A_182 = vector.shape_cast %get3A_181 : vector<16xf32> to vector<16xf32>
        %lt3A = arith.constant 0 : i32
        %lt3A_183 = vector.broadcast %lt3A : i32 to vector<16xi32>
        %lt3A_184 = arith.cmpi slt, %xor3A_138, %lt3A_183 : vector<16xi32>
        %add3A_185 = arith.constant 16 : i32
        %add3A_186 = vector.broadcast %add3A_185 : i32 to vector<16xi32>
        %add3A_187 = arith.addi %xor3A_138, %add3A_186 : vector<16xi32>
        %select_n3A = arith.select %lt3A_184, %add3A_187, %xor3A_138 : vector<16xi1>, vector<16xi32>
        %broadcast_in_dim3A = vector.shape_cast %select_n3A : vector<16xi32> to vector<16x1xi32>
        %gather3A = vector.shape_cast %broadcast_in_dim3A : vector<16x1xi32> to vector<16xi32>
        %gather3A_188 = tpu.dynamic_gather %get3A_177[%gather3A] in [0] : vector<16xf32>, vector<16xi32> -> vector<16xf32>
        %lt3A_189 = arith.constant 0 : i32
        %lt3A_190 = vector.broadcast %lt3A_189 : i32 to vector<16xi32>
        %lt3A_191 = arith.cmpi slt, %xor3A_138, %lt3A_190 : vector<16xi32>
        %add3A_192 = arith.constant 16 : i32
        %add3A_193 = vector.broadcast %add3A_192 : i32 to vector<16xi32>
        %add3A_194 = arith.addi %xor3A_138, %add3A_193 : vector<16xi32>
        %select_n3A_195 = arith.select %lt3A_191, %add3A_194, %xor3A_138 : vector<16xi1>, vector<16xi32>
        %broadcast_in_dim3A_196 = vector.shape_cast %select_n3A_195 : vector<16xi32> to vector<16x1xi32>
        %gather3A_197 = vector.shape_cast %broadcast_in_dim3A_196 : vector<16x1xi32> to vector<16xi32>
        %gather3A_198 = tpu.dynamic_gather %get3A_182[%gather3A_197] in [0] : vector<16xf32>, vector<16xi32> -> vector<16xf32>
        %add3A_199 = arith.addf %gather3A_188, %gather3A_198 : vector<16xf32>
        %sign3A = tpu.bitcast %get3A_177 : vector<16xf32> -> vector<16xi32>
        %sign3A_200 = arith.constant -2147483648 : i32
        %sign3A_201 = vector.broadcast %sign3A_200 : i32 to vector<16xi32>
        %sign3A_202 = arith.andi %sign3A, %sign3A_201 : vector<16xi32>
        %sign3A_203 = arith.constant 1065353216 : i32
        %sign3A_204 = vector.broadcast %sign3A_203 : i32 to vector<16xi32>
        %sign3A_205 = arith.ori %sign3A_204, %sign3A_202 : vector<16xi32>
        %sign3A_206 = tpu.bitcast %sign3A_205 : vector<16xi32> -> vector<16xf32>
        %sign3A_207 = math.absf %get3A_177 : vector<16xf32>
        %sign3A_208 = arith.constant 0.000000e+00 : f32
        %sign3A_209 = vector.broadcast %sign3A_208 : f32 to vector<16xf32>
        %sign3A_210 = arith.cmpf ogt, %sign3A_207, %sign3A_209 : vector<16xf32>
        %sign3A_211 = arith.select %sign3A_210, %sign3A_206, %get3A_177 : vector<16xi1>, vector<16xf32>
        %sign3A_212 = tpu.bitcast %add3A_199 : vector<16xf32> -> vector<16xi32>
        %sign3A_213 = arith.constant -2147483648 : i32
        %sign3A_214 = vector.broadcast %sign3A_213 : i32 to vector<16xi32>
        %sign3A_215 = arith.andi %sign3A_212, %sign3A_214 : vector<16xi32>
        %sign3A_216 = arith.constant 1065353216 : i32
        %sign3A_217 = vector.broadcast %sign3A_216 : i32 to vector<16xi32>
        %sign3A_218 = arith.ori %sign3A_217, %sign3A_215 : vector<16xi32>
        %sign3A_219 = tpu.bitcast %sign3A_218 : vector<16xi32> -> vector<16xf32>
        %sign3A_220 = math.absf %add3A_199 : vector<16xf32>
        %sign3A_221 = arith.constant 0.000000e+00 : f32
        %sign3A_222 = vector.broadcast %sign3A_221 : f32 to vector<16xf32>
        %sign3A_223 = arith.cmpf ogt, %sign3A_220, %sign3A_222 : vector<16xf32>
        %sign3A_224 = arith.select %sign3A_223, %sign3A_219, %add3A_199 : vector<16xi1>, vector<16xf32>
        %mul3A_225 = arith.mulf %sign3A_211, %sign3A_224 : vector<16xf32>
        %abs3A = math.absf %get3A_177 : vector<16xf32>
        %abs3A_226 = math.absf %add3A_199 : vector<16xf32>
        %min3A = arith.minimumf %abs3A, %abs3A_226 : vector<16xf32>
        %mul3A_227 = arith.mulf %mul3A_225, %min3A : vector<16xf32>
        %mul3A_228 = arith.mulf %get3A_132, %mul3A_227 : vector<16xf32>
        %sign3A_229 = tpu.bitcast %gather3A_188 : vector<16xf32> -> vector<16xi32>
        %sign3A_230 = arith.constant -2147483648 : i32
        %sign3A_231 = vector.broadcast %sign3A_230 : i32 to vector<16xi32>
        %sign3A_232 = arith.andi %sign3A_229, %sign3A_231 : vector<16xi32>
        %sign3A_233 = arith.constant 1065353216 : i32
        %sign3A_234 = vector.broadcast %sign3A_233 : i32 to vector<16xi32>
        %sign3A_235 = arith.ori %sign3A_234, %sign3A_232 : vector<16xi32>
        %sign3A_236 = tpu.bitcast %sign3A_235 : vector<16xi32> -> vector<16xf32>
        %sign3A_237 = math.absf %gather3A_188 : vector<16xf32>
        %sign3A_238 = arith.constant 0.000000e+00 : f32
        %sign3A_239 = vector.broadcast %sign3A_238 : f32 to vector<16xf32>
        %sign3A_240 = arith.cmpf ogt, %sign3A_237, %sign3A_239 : vector<16xf32>
        %sign3A_241 = arith.select %sign3A_240, %sign3A_236, %gather3A_188 : vector<16xi1>, vector<16xf32>
        %sign3A_242 = tpu.bitcast %gather3A_198 : vector<16xf32> -> vector<16xi32>
        %sign3A_243 = arith.constant -2147483648 : i32
        %sign3A_244 = vector.broadcast %sign3A_243 : i32 to vector<16xi32>
        %sign3A_245 = arith.andi %sign3A_242, %sign3A_244 : vector<16xi32>
        %sign3A_246 = arith.constant 1065353216 : i32
        %sign3A_247 = vector.broadcast %sign3A_246 : i32 to vector<16xi32>
        %sign3A_248 = arith.ori %sign3A_247, %sign3A_245 : vector<16xi32>
        %sign3A_249 = tpu.bitcast %sign3A_248 : vector<16xi32> -> vector<16xf32>
        %sign3A_250 = math.absf %gather3A_198 : vector<16xf32>
        %sign3A_251 = arith.constant 0.000000e+00 : f32
        %sign3A_252 = vector.broadcast %sign3A_251 : f32 to vector<16xf32>
        %sign3A_253 = arith.cmpf ogt, %sign3A_250, %sign3A_252 : vector<16xf32>
        %sign3A_254 = arith.select %sign3A_253, %sign3A_249, %gather3A_198 : vector<16xi1>, vector<16xf32>
        %mul3A_255 = arith.mulf %sign3A_241, %sign3A_254 : vector<16xf32>
        %abs3A_256 = math.absf %gather3A_188 : vector<16xf32>
        %abs3A_257 = math.absf %gather3A_198 : vector<16xf32>
        %min3A_258 = arith.minimumf %abs3A_256, %abs3A_257 : vector<16xf32>
        %mul3A_259 = arith.mulf %mul3A_255, %min3A_258 : vector<16xf32>
        %mul3A_260 = arith.mulf %get3A_135, %mul3A_259 : vector<16xf32>
        %add3A_261 = arith.addf %mul3A_260, %get3A_177 : vector<16xf32>
        %select_n3A_262 = arith.select %eq3A_144, %mul3A_228, %add3A_261 : vector<16xi1>, vector<16xf32>
        %swap3A = arith.index_cast %mul3A_174 : i32 to index
        %swap3A_263 = tpu.vector_load %arg6[%swap3A] {strides = array<i32>} : memref<1024xf32, #tpu.memory_space<vmem>>, vector<16xf32>,
        %swap3A_264 = vector.shape_cast %swap3A_263 : vector<16xf32> to vector<16xf32>
        %swap3A_265 = vector.shape_cast %select_n3A_262 : vector<16xf32> to vector<16xf32>
        tpu.vector_store %arg6[%swap3A], %swap3A_265 {strides = array<i32>} : memref<1024xf32, #tpu.memory_space<vmem>>, vector<16xf32>,
        %max3A = arith.constant -2.000000e+01 : f32
        %max3A_266 = vector.broadcast %max3A : f32 to vector<16xf32>
        %max3A_267 = arith.maximumf %select_n3A_262, %max3A_266 : vector<16xf32>
        %min3A_268 = arith.constant 2.000000e+01 : f32
        %min3A_269 = vector.broadcast %min3A_268 : f32 to vector<16xf32>
        %min3A_270 = arith.minimumf %max3A_267, %min3A_269 : vector<16xf32>
        %add3A_271 = arith.constant 1024 : i32
        %add3A_272 = arith.addi %add3A_271, %mul3A_174 : i32
        %swap3A_273 = arith.index_cast %add3A_272 : i32 to index
        %swap3A_274 = tpu.vector_load %arg8[%swap3A_273] {strides = array<i32>} : memref<11264xf32, #tpu.memory_space<vmem>>, vector<16xf32>,
        %swap3A_275 = vector.shape_cast %swap3A_274 : vector<16xf32> to vector<16xf32>
        %swap3A_276 = vector.shape_cast %min3A_270 : vector<16xf32> to vector<16xf32>
        tpu.vector_store %arg8[%swap3A_273], %swap3A_276 {strides = array<i32>} : memref<11264xf32, #tpu.memory_space<vmem>>, vector<16xf32>,
      }
      %scan3A_150 = arith.constant 64 : i32
      %get3A_151 = arith.constant 0 : index
      %get3A_152 = tpu.vector_load %arg9[%get3A_151] {strides = array<i32>} : memref<320xf32, #tpu.memory_space<vmem>>, vector<16xf32>,
      %get3A_153 = vector.shape_cast %get3A_152 : vector<16xf32> to vector<16xf32>
      %get3A_154 = arith.constant 160 : index
      %get3A_155 = tpu.vector_load %arg9[%get3A_154] {strides = array<i32>} : memref<320xf32, #tpu.memory_space<vmem>>, vector<16xf32>,
      %get3A_156 = vector.shape_cast %get3A_155 : vector<16xf32> to vector<16xf32>
      %xor3A_157 = arith.constant 1 : i32
      %xor3A_158 = vector.broadcast %xor3A_157 : i32 to vector<16xi32>
      %xor3A_159 = arith.xori %iota3A, %xor3A_158 : vector<16xi32>
      %and3A_160 = arith.constant 1 : i32
      %and3A_161 = vector.broadcast %and3A_160 : i32 to vector<16xi32>
      %and3A_162 = arith.andi %iota3A, %and3A_161 : vector<16xi32>
      %eq3A_163 = arith.constant 0 : i32
      %eq3A_164 = vector.broadcast %eq3A_163 : i32 to vector<16xi32>
      %eq3A_165 = arith.cmpi eq, %and3A_162, %eq3A_164 : vector<16xi32>
      %scan3A_166 = arith.constant 0 : i32
      %scan3A_167 = arith.constant 0 : i32
      %scan3A_168 = arith.constant 64 : i32
      %scan3A_169 = arith.addi %scan3A_167, %scan3A_168 : i32
      %scan3A_170 = arith.constant 1 : i32
      scf.for %scan3A_172 = %scan3A_167 to %scan3A_169 step %scan3A_170  : i32 {
        %mul3A_173 = arith.constant 16 : i32
        %mul3A_174 = arith.muli %scan3A_172, %mul3A_173 : i32
        %get3A_175 = arith.index_cast %mul3A_174 : i32 to index
        %get3A_176 = tpu.vector_load %arg6[%get3A_175] {strides = array<i32>} : memref<1024xf32, #tpu.memory_space<vmem>>, vector<16xf32>,
        %get3A_177 = vector.shape_cast %get3A_176 : vector<16xf32> to vector<16xf32>
        %add3A_178 = arith.constant 0 : i32
        %add3A_179 = arith.addi %add3A_178, %mul3A_174 : i32
        %get3A_180 = arith.index_cast %add3A_179 : i32 to index
        %get3A_181 = tpu.vector_load %arg7[%get3A_180] {strides = array<i32>} : memref<10240xf32, #tpu.memory_space<vmem>>, vector<16xf32>,
        %get3A_182 = vector.shape_cast %get3A_181 : vector<16xf32> to vector<16xf32>
        %lt3A = arith.constant 0 : i32
        %lt3A_183 = vector.broadcast %lt3A : i32 to vector<16xi32>
        %lt3A_184 = arith.cmpi slt, %xor3A_159, %lt3A_183 : vector<16xi32>
        %add3A_185 = arith.constant 16 : i32
        %add3A_186 = vector.broadcast %add3A_185 : i32 to vector<16xi32>
        %add3A_187 = arith.addi %xor3A_159, %add3A_186 : vector<16xi32>
        %select_n3A = arith.select %lt3A_184, %add3A_187, %xor3A_159 : vector<16xi1>, vector<16xi32>
        %broadcast_in_dim3A = vector.shape_cast %select_n3A : vector<16xi32> to vector<16x1xi32>
        %gather3A = vector.shape_cast %broadcast_in_dim3A : vector<16x1xi32> to vector<16xi32>
        %gather3A_188 = tpu.dynamic_gather %get3A_177[%gather3A] in [0] : vector<16xf32>, vector<16xi32> -> vector<16xf32>
        %lt3A_189 = arith.constant 0 : i32
        %lt3A_190 = vector.broadcast %lt3A_189 : i32 to vector<16xi32>
        %lt3A_191 = arith.cmpi slt, %xor3A_159, %lt3A_190 : vector<16xi32>
        %add3A_192 = arith.constant 16 : i32
        %add3A_193 = vector.broadcast %add3A_192 : i32 to vector<16xi32>
        %add3A_194 = arith.addi %xor3A_159, %add3A_193 : vector<16xi32>
        %select_n3A_195 = arith.select %lt3A_191, %add3A_194, %xor3A_159 : vector<16xi1>, vector<16xi32>
        %broadcast_in_dim3A_196 = vector.shape_cast %select_n3A_195 : vector<16xi32> to vector<16x1xi32>
        %gather3A_197 = vector.shape_cast %broadcast_in_dim3A_196 : vector<16x1xi32> to vector<16xi32>
        %gather3A_198 = tpu.dynamic_gather %get3A_182[%gather3A_197] in [0] : vector<16xf32>, vector<16xi32> -> vector<16xf32>
        %add3A_199 = arith.addf %gather3A_188, %gather3A_198 : vector<16xf32>
        %sign3A = tpu.bitcast %get3A_177 : vector<16xf32> -> vector<16xi32>
        %sign3A_200 = arith.constant -2147483648 : i32
        %sign3A_201 = vector.broadcast %sign3A_200 : i32 to vector<16xi32>
        %sign3A_202 = arith.andi %sign3A, %sign3A_201 : vector<16xi32>
        %sign3A_203 = arith.constant 1065353216 : i32
        %sign3A_204 = vector.broadcast %sign3A_203 : i32 to vector<16xi32>
        %sign3A_205 = arith.ori %sign3A_204, %sign3A_202 : vector<16xi32>
        %sign3A_206 = tpu.bitcast %sign3A_205 : vector<16xi32> -> vector<16xf32>
        %sign3A_207 = math.absf %get3A_177 : vector<16xf32>
        %sign3A_208 = arith.constant 0.000000e+00 : f32
        %sign3A_209 = vector.broadcast %sign3A_208 : f32 to vector<16xf32>
        %sign3A_210 = arith.cmpf ogt, %sign3A_207, %sign3A_209 : vector<16xf32>
        %sign3A_211 = arith.select %sign3A_210, %sign3A_206, %get3A_177 : vector<16xi1>, vector<16xf32>
        %sign3A_212 = tpu.bitcast %add3A_199 : vector<16xf32> -> vector<16xi32>
        %sign3A_213 = arith.constant -2147483648 : i32
        %sign3A_214 = vector.broadcast %sign3A_213 : i32 to vector<16xi32>
        %sign3A_215 = arith.andi %sign3A_212, %sign3A_214 : vector<16xi32>
        %sign3A_216 = arith.constant 1065353216 : i32
        %sign3A_217 = vector.broadcast %sign3A_216 : i32 to vector<16xi32>
        %sign3A_218 = arith.ori %sign3A_217, %sign3A_215 : vector<16xi32>
        %sign3A_219 = tpu.bitcast %sign3A_218 : vector<16xi32> -> vector<16xf32>
        %sign3A_220 = math.absf %add3A_199 : vector<16xf32>
        %sign3A_221 = arith.constant 0.000000e+00 : f32
        %sign3A_222 = vector.broadcast %sign3A_221 : f32 to vector<16xf32>
        %sign3A_223 = arith.cmpf ogt, %sign3A_220, %sign3A_222 : vector<16xf32>
        %sign3A_224 = arith.select %sign3A_223, %sign3A_219, %add3A_199 : vector<16xi1>, vector<16xf32>
        %mul3A_225 = arith.mulf %sign3A_211, %sign3A_224 : vector<16xf32>
        %abs3A = math.absf %get3A_177 : vector<16xf32>
        %abs3A_226 = math.absf %add3A_199 : vector<16xf32>
        %min3A = arith.minimumf %abs3A, %abs3A_226 : vector<16xf32>
        %mul3A_227 = arith.mulf %mul3A_225, %min3A : vector<16xf32>
        %mul3A_228 = arith.mulf %get3A_153, %mul3A_227 : vector<16xf32>
        %sign3A_229 = tpu.bitcast %gather3A_188 : vector<16xf32> -> vector<16xi32>
        %sign3A_230 = arith.constant -2147483648 : i32
        %sign3A_231 = vector.broadcast %sign3A_230 : i32 to vector<16xi32>
        %sign3A_232 = arith.andi %sign3A_229, %sign3A_231 : vector<16xi32>
        %sign3A_233 = arith.constant 1065353216 : i32
        %sign3A_234 = vector.broadcast %sign3A_233 : i32 to vector<16xi32>
        %sign3A_235 = arith.ori %sign3A_234, %sign3A_232 : vector<16xi32>
        %sign3A_236 = tpu.bitcast %sign3A_235 : vector<16xi32> -> vector<16xf32>
        %sign3A_237 = math.absf %gather3A_188 : vector<16xf32>
        %sign3A_238 = arith.constant 0.000000e+00 : f32
        %sign3A_239 = vector.broadcast %sign3A_238 : f32 to vector<16xf32>
        %sign3A_240 = arith.cmpf ogt, %sign3A_237, %sign3A_239 : vector<16xf32>
        %sign3A_241 = arith.select %sign3A_240, %sign3A_236, %gather3A_188 : vector<16xi1>, vector<16xf32>
        %sign3A_242 = tpu.bitcast %gather3A_198 : vector<16xf32> -> vector<16xi32>
        %sign3A_243 = arith.constant -2147483648 : i32
        %sign3A_244 = vector.broadcast %sign3A_243 : i32 to vector<16xi32>
        %sign3A_245 = arith.andi %sign3A_242, %sign3A_244 : vector<16xi32>
        %sign3A_246 = arith.constant 1065353216 : i32
        %sign3A_247 = vector.broadcast %sign3A_246 : i32 to vector<16xi32>
        %sign3A_248 = arith.ori %sign3A_247, %sign3A_245 : vector<16xi32>
        %sign3A_249 = tpu.bitcast %sign3A_248 : vector<16xi32> -> vector<16xf32>
        %sign3A_250 = math.absf %gather3A_198 : vector<16xf32>
        %sign3A_251 = arith.constant 0.000000e+00 : f32
        %sign3A_252 = vector.broadcast %sign3A_251 : f32 to vector<16xf32>
        %sign3A_253 = arith.cmpf ogt, %sign3A_250, %sign3A_252 : vector<16xf32>
        %sign3A_254 = arith.select %sign3A_253, %sign3A_249, %gather3A_198 : vector<16xi1>, vector<16xf32>
        %mul3A_255 = arith.mulf %sign3A_241, %sign3A_254 : vector<16xf32>
        %abs3A_256 = math.absf %gather3A_188 : vector<16xf32>
        %abs3A_257 = math.absf %gather3A_198 : vector<16xf32>
        %min3A_258 = arith.minimumf %abs3A_256, %abs3A_257 : vector<16xf32>
        %mul3A_259 = arith.mulf %mul3A_255, %min3A_258 : vector<16xf32>
        %mul3A_260 = arith.mulf %get3A_156, %mul3A_259 : vector<16xf32>
        %add3A_261 = arith.addf %mul3A_260, %get3A_177 : vector<16xf32>
        %select_n3A_262 = arith.select %eq3A_165, %mul3A_228, %add3A_261 : vector<16xi1>, vector<16xf32>
        %swap3A = arith.index_cast %mul3A_174 : i32 to index
        %swap3A_263 = tpu.vector_load %arg6[%swap3A] {strides = array<i32>} : memref<1024xf32, #tpu.memory_space<vmem>>, vector<16xf32>,
        %swap3A_264 = vector.shape_cast %swap3A_263 : vector<16xf32> to vector<16xf32>
        %swap3A_265 = vector.shape_cast %select_n3A_262 : vector<16xf32> to vector<16xf32>
        tpu.vector_store %arg6[%swap3A], %swap3A_265 {strides = array<i32>} : memref<1024xf32, #tpu.memory_space<vmem>>, vector<16xf32>,
        %max3A = arith.constant -2.000000e+01 : f32
        %max3A_266 = vector.broadcast %max3A : f32 to vector<16xf32>
        %max3A_267 = arith.maximumf %select_n3A_262, %max3A_266 : vector<16xf32>
        %min3A_268 = arith.constant 2.000000e+01 : f32
        %min3A_269 = vector.broadcast %min3A_268 : f32 to vector<16xf32>
        %min3A_270 = arith.minimumf %max3A_267, %min3A_269 : vector<16xf32>
        %add3A_271 = arith.constant 0 : i32
        %add3A_272 = arith.addi %add3A_271, %mul3A_174 : i32
        %swap3A_273 = arith.index_cast %add3A_272 : i32 to index
        %swap3A_274 = tpu.vector_load %arg8[%swap3A_273] {strides = array<i32>} : memref<11264xf32, #tpu.memory_space<vmem>>, vector<16xf32>,
        %swap3A_275 = vector.shape_cast %swap3A_274 : vector<16xf32> to vector<16xf32>
        %swap3A_276 = vector.shape_cast %min3A_270 : vector<16xf32> to vector<16xf32>
        tpu.vector_store %arg8[%swap3A_273], %swap3A_276 {strides = array<i32>} : memref<11264xf32, #tpu.memory_space<vmem>>, vector<16xf32>,
      }
      %scan3A_171 = arith.constant 64 : i32
      "tpu.region"() ({
        %run_scoped3A = tpu.sem_alloc : memref<!tpu.dma_semaphore, #tpu.memory_space<semaphore_mem>>
        %dma_start3A = tpu.memref_slice %arg5[%mul3A_11] : memref<46137344xf32, #tpu.memory_space<hbm>> -> memref<11264xf32, #tpu.memory_space<hbm>>
        %dma_start3A_172 = tpu.memref_slice %arg5[%mul3A_11] : memref<46137344xf32, #tpu.memory_space<hbm>> -> memref<11264xf32, #tpu.memory_space<hbm>>
        tpu.enqueue_dma source(%arg8 : memref<11264xf32, #tpu.memory_space<vmem>>) target(%dma_start3A_172 : memref<11264xf32, #tpu.memory_space<hbm>>) target_semaphore(%run_scoped3A : memref<!tpu.dma_semaphore, #tpu.memory_space<semaphore_mem>>)
        %dma_wait3A = tpu.memref_slice %arg5[%mul3A_11] : memref<46137344xf32, #tpu.memory_space<hbm>> -> memref<11264xf32, #tpu.memory_space<hbm>>
        %dma_wait3A_173 = tpu.memref_slice %arg5[%mul3A_11] : memref<46137344xf32, #tpu.memory_space<hbm>> -> memref<11264xf32, #tpu.memory_space<hbm>>
        tpu.wait_dma2 semaphore(%run_scoped3A : memref<!tpu.dma_semaphore, #tpu.memory_space<semaphore_mem>>) src(%arg8 : memref<11264xf32, #tpu.memory_space<vmem>>) dst(%dma_wait3A_173 : memref<11264xf32, #tpu.memory_space<hbm>>)
        tpu.yield
      }) : () -> ()
    }
    %scan3A_5 = arith.constant 128 : i32
    return
  }
}

</mosaic_0001>

<sc_bundles>
// kernel: kernel.3.cloned.1.call-start
scs
__scs_entry_jumppad:
0x0: {  	(pc) =	sbr.rel $0x88, $3  }
0x1: {  	(tag) =	ssettag $0x0;
	lr =	simm.s32 $0x1  }
0x2: {  	[smem:$0x3F9D] =	sst lr;
	_ =	strace $0xD0000000  }
0x3: {  	_ = 	snop  }
0x4: {  	_ = 	snop  }
0x5: {  	_ = 	snop  }
0x6: {  	_ = 	snop  }
0x7: {  	_ = 	snop  }
__scs_overlays_trampoline_lowered:
0x8: {  	[smem:$0x3FAC] =	sst s0  }
0x9: {  	[smem:$0x3FAD] =	sst s1  }
0xa: {  	[smem:$0x3FAE] =	sst s2  }
0xb: {  	[smem:$0x3FAF] =	sst s3  }
0xc: {  	[smem:$0x3FB0] =	sst s4  }
0xd: {  	[smem:$0x3FB1] =	sst s5  }
0xe: {  	[smem:$0x3FB2] =	sst s6  }
0xf: {  	[smem:$0x3FB3] =	sst s7  }
0x10: {  	[smem:$0x3FB4] =	sst s8  }
0x11: {  	[smem:$0x3FB5] =	sst s9;
	s0 =	simm.s32 @!p0 $0x0  }
0x12: {  	s1 =	sld [smem:$0x3F9B];
	s0 =	simm.s32 @p0 $0x1  }
0x13: {  	[smem:$0x3FB6] =	sst s0;
	s0 =	simm.s32 @!p1 $0x0  }
0x14: {  	s2 =	sld [smem:$0x3F9A];
	s0 =	simm.s32 @p1 $0x1  }
0x15: {  	[smem:$0x3FB7] =	sst s0;
	s0 =	simm.s32 @!p2 $0x0  }
0x16: {  	s3 =	sld [smem:$0x3FDB];
	s0 =	simm.s32 @p2 $0x1  }
0x17: {  	s4 =	simm.s32 $0x1BF5;
	[smem:$0x3FB9] =	sst s0  }
0x18: {  	s0 =	sld [smem:$0x3F9C];
	_ =	swait.ge [sflag:s4], $0x0  }
0x19: {  	s7 =	sld [smem:$0x3F9D]  }
0x1a: {  	s8 =	sadd.s32 $0xFFFFE003, lr  }
0x1b: {  	s9 =	sadd.s32 $0xFFFFFEF7, lr;
	s5 =	simm.s32 $0xFFFFFFFF;
	p2 =	slt.u32 s8, $0xFFFFF086  }
0x1c: {  	p1 =	slt.u32 s9, $0xF7A;
	s5 =	simm.s32 @!p2 $0x0  }
0x1d: {  	s5 =	simm.s32 @p1 $0x1;
	p0 =	seq.s32 s7, s2  }
0x1e: {  	s7 =	smul.u32 @!p0 $0xF7A, s2;
	p2 =	seq.s32 @!p0 s5, $0x0  }
0x1f: {  	s9 =	smul.u32 $0xF7A, s1;
	s8 =	simm.s32 @!p0 $0x1BF5;
	p2 =	por !p2, p0  }
0x20: {  	[sflag:s8] =	ssyncset.s32 @!p0 $0xFFFFF086;
	s6 =	sadd.s32 @!p0 s3, s7;
	s7 =	simm.s32 @!p0 $0x108  }
0x21: {  	s3 =	sadd.s32 s3, s9;
	s6 =	sadd.s32 @!p0 $0x88, s6;
	s7 =	simm.s32 @p2 $0x1082  }
0x22: {  	[simem:s7], [sflag:s8] =	dma.local @!p0 [hbm:s6], $0xF7A  }
0x23: {  	s9 =	sor.u32 $0xD0000000, s2;
	s6 =	simm.s32 $0x108;
	_ =	swait.ge @!p0 [sflag:s8], $0x0  }
0x24: {  	s3 =	sadd.s32 $0x88, s3;
	s6 =	simm.s32 @!p1 $0x1082;
	[sflag:s4] =	ssyncset.s32 $0xFFFFF086  }
0x25: {  	[simem:s6], [sflag:s4] =	dma.local [hbm:s3], $0xF7A  }
0x26: {  	[smem:$0x3F9D] =	sst s1;
	(tag) =	ssettag s2;
	_ =	strace s9  }
0x27: {  	s1 =	sld [smem:$0x3FAD]  }
0x28: {  	s2 =	sld [smem:$0x3FAE]  }
0x29: {  	s4 =	sld [smem:$0x3FB0]  }
0x2a: {  	p0 =	seq.s32 s5, $0x0;
	s5 =	sld [smem:$0x3FB1]  }
0x2b: {  	s6 =	sld [smem:$0x3FB2]  }
0x2c: {  	s7 =	sld [smem:$0x3FB3]  }
0x2d: {  	s3 =	simm.s32 $0x108;
	s8 =	sld [smem:$0x3FB4]  }
0x2e: {  	s3 =	simm.s32 @!p0 $0x1082;
	s9 =	sld [smem:$0x3FB5]  }
0x2f: {  	lr =	sadd.s32 s0, s3;
	s0 =	sld [smem:$0x3FAC]  }
0x30: {  	s3 =	sld [smem:$0x3FAF]  }
0x31: {  	[smem:$0x3FB8] =	sst s10  }
0x32: {  	s10 =	sld [smem:$0x3FB6];
	_ =	sdelay $0x3  }
0x33: {  	p0 =	seq.s32 s10, $0x1;
	s10 =	sld [smem:$0x3FB8];
	_ =	sdelay $0x3  }
0x34: {  	[smem:$0x3FB8] =	sst s10  }
0x35: {  	s10 =	sld [smem:$0x3FB7];
	_ =	sdelay $0x3  }
0x36: {  	p1 =	seq.s32 s10, $0x1;
	s10 =	sld [smem:$0x3FB8];
	_ =	sdelay $0x3  }
0x37: {  	[smem:$0x3FB8] =	sst s10  }
0x38: {  	s10 =	sld [smem:$0x3FB9]  }
0x39: {  	_ = 	snop;
	(pc) =	sbr.ind lr, $3  }
0x3a: {  	_ = 	snop  }
0x3b: {  	_ = 	snop  }
0x3c: {  	p2 =	seq.s32 s10, $0x1;
	s10 =	sld [smem:$0x3FB8]  }
0x3d: {  	_ =	shalt  }
0x3e: {  	_ =	shalt  }
0x3f: {  	_ =	shalt  }
0x40: {  	_ =	shalt  }
0x41: {  	_ =	shalt  }
0x42: {  	_ =	shalt  }
0x43: {  	_ =	shalt  }
0x44: {  	_ =	shalt  }
0x45: {  	_ =	shalt  }
0x46: {  	_ =	shalt  }
0x47: {  	_ =	shalt  }
0x48: {  	_ =	shalt  }
0x49: {  	_ =	shalt  }
0x4a: {  	_ =	shalt  }
0x4b: {  	_ =	shalt  }
0x4c: {  	_ =	shalt  }
0x4d: {  	_ =	shalt  }
0x4e: {  	_ =	shalt  }
0x4f: {  	_ =	shalt  }
0x50: {  	_ =	shalt  }
0x51: {  	_ =	shalt  }
0x52: {  	_ =	shalt  }
0x53: {  	_ =	shalt  }
0x54: {  	_ =	shalt  }
0x55: {  	_ =	shalt  }
0x56: {  	_ =	shalt  }
0x57: {  	_ =	shalt  }
0x58: {  	_ =	shalt  }
0x59: {  	_ =	shalt  }
0x5a: {  	_ =	shalt  }
0x5b: {  	_ =	shalt  }
0x5c: {  	_ =	shalt  }
0x5d: {  	_ =	shalt  }
0x5e: {  	_ =	shalt  }
0x5f: {  	_ =	shalt  }
0x60: {  	_ =	shalt  }
0x61: {  	_ =	shalt  }
0x62: {  	_ =	shalt  }
0x63: {  	_ =	shalt  }
0x64: {  	_ =	shalt  }
0x65: {  	_ =	shalt  }
0x66: {  	_ =	shalt  }
0x67: {  	_ =	shalt  }
0x68: {  	_ =	shalt  }
0x69: {  	_ =	shalt  }
0x6a: {  	_ =	shalt  }
0x6b: {  	_ =	shalt  }
0x6c: {  	_ =	shalt  }
0x6d: {  	_ =	shalt  }
0x6e: {  	_ =	shalt  }
0x6f: {  	_ =	shalt  }
0x70: {  	_ =	shalt  }
0x71: {  	_ =	shalt  }
0x72: {  	_ =	shalt  }
0x73: {  	_ =	shalt  }
0x74: {  	_ =	shalt  }
0x75: {  	_ =	shalt  }
0x76: {  	_ =	shalt  }
0x77: {  	_ =	shalt  }
0x78: {  	_ =	shalt  }
0x79: {  	_ =	shalt  }
0x7a: {  	_ =	shalt  }
0x7b: {  	_ =	shalt  }
0x7c: {  	_ =	shalt  }
0x7d: {  	_ =	shalt  }
0x7e: {  	_ =	shalt  }
0x7f: {  	_ =	shalt  }
0x80: {  	_ =	shalt  }
0x81: {  	_ =	shalt  }
0x82: {  	_ =	shalt  }
0x83: {  	_ =	shalt  }
0x84: {  	_ =	shalt  }
0x85: {  	_ =	shalt  }
0x86: {  	_ =	shalt  }
0x87: {  	_ =	shalt  }
.Lfunc_end0:
.L_simem_size_0:
called_computation.1_lowered:
.L_overlay_start_0:
0x88: {  	s2 =	sld [smem:$0x3FD9]  }
0x89: {  	s3 =	sld [smem:$0x3FFE];
	_ =	sdelay $0x1  }
0x8a: {  	s1 =	srdreg.scid  }
0x8b: {  	s0 =	sand.u32 $0x1, s1  }
0x8c: {  	s17 =	sshll.u32 s0, $0xA;
	s2 =	sadd.s32 s3, s2  }
0x8d: {  	s2 =	sadd.s32 s2, s17  }
0x8e: {  	[smem:$0x3FC4] =	sst s2  }
0x8f: {  	_ = 	snop  }
0x90: {  	s2 =	sld [smem:$0x3FD0];
	(tm) =	ssettm $0x1  }
0x91: {  	s18 =	sld [smem:$0x3FFB];
	_ =	sdelay $0x3  }
0x92: {  	_ =	strace s18  }
0x93: {  	s3 =	sld [smem:$0x3FFC];
	_ =	sdelay $0x3  }
0x94: {  	_ =	strace s3  }
0x95: {  	s3 =	sld [smem:$0x3FFD];
	_ =	sdelay $0x3  }
0x96: {  	_ =	strace s3  }
0x97: {  	_ =	strace $0x8FFFFFFF  }
0x98: {  	s19 =	sld [smem:$0x3FDB];
	_ =	sdelay $0x1  }
0x99: {  	s4 =	simm.s32 $_scs_section_size  }
0x9a: {  	s5 =	simm.s32 $_size__tile_overlayer_lowered;
	s6 =	simm.s32 $_tile_overlayer_lowered  }
0x9b: {  	s22 =	simm.s32 $0x1BFF;
	s21 =	sshll.u32 s6, $0x1;
	s3 =	sadd.s32 s4, s19  }
0x9c: {  	s7 =	simm.s32 $0x0;
	s20 =	sshll.u32 s5, $0x1;
	s5 =	sadd.s32 s21, s3  }
0x9d: {  	[timem:s7], [sflag:s22] =	dma.local [hbm:s5], s20  }
0x9e: {  	_ =	swait.ge [sflag:s22], s20  }
0x9f: {  	s4 =	ssub.s32 $0x0, s20;
	[sflag:s22] =	ssyncset.done $0x0  }
0xa0: {  	[sflag:s22] =	ssyncadd.s32 s4;
	_ =	sdelay $0x1  }
0xa1: {  	s23 =	simm.s32 $0x1B8B  }
0xa2: {  	_ =	swait.ge [sflag:s23], $0x1  }
0xa3: {  	[sflag:s23] =	ssyncset.done $0x0  }
0xa4: {  	s25 =	simm.s32 $0x1B8E;
	s24 =	sld [smem:$0x3FFE];
	[sflag:s23] =	ssyncadd.s32 $0xFFFFFFFF  }
0xa5: {  	s26 =	simm.s32 $execute0_lowered;
	[smem:$0x3FD2] =	sst s25  }
0xa6: {  	s5 =	sshll.u32 s26, $0x1;
	_ =	strace $0x80000046;
	[dreg:$0x1] =	wrdreg $0xFFFFFFFF  }
0xa7: {  	s28 =	simm.s32 $_size_execute0_lowered;
	s3 =	sadd.s32 s3, s5;
	[dreg:$0x0] =	wrdreg $0x0  }
0xa8: {  	s5 =	sshll.u32 s28, $0x1;
	[dreg:$0x2] =	wrdreg s3  }
0xa9: {  	[dreg:$0x3] =	wrdreg s5  }
0xaa: {  	[dreg:$0x4] =	wrdreg $0xC0  }
0xab: {  	_ =	task [dreg:s7], $0x5FFFF  }
0xac: {  	[dreg:$0x1] =	wrdreg $0xFFFFFFFF  }
0xad: {  	[dreg:$0x0] =	wrdreg $0x60  }
0xae: {  	[dreg:$0x2] =	wrdreg s2  }
0xaf: {  	[dreg:$0x3] =	wrdreg s24  }
0xb0: {  	[dreg:$0x4] =	wrdreg $0x9  }
0xb1: {  	_ =	task.clear_ibuf [dreg:s7], $0x5FFFF;
	_ =	strace $0x90000046  }
0xb2: {  	s29 =	simm.s32 $0x9;
	_ =	strace $0x80000048  }
0xb3: {  	_ =	swait.ge [sflag:s29], $0x1  }
0xb4: {  	[sflag:s29] =	ssyncadd.s32 $0xFFFFFFFF  }
0xb5: {  	_ =	strace $0x90000048  }
0xb6: {  	_ =	sfence  }
0xb7: {  	s30 =	sld [smem:$0x0];
	_ =	sdelay $0x2  }
0xb8: {  	s31 =	sshll.u32 s1, $0xD;
	s1 =	sshrl.u32 s1, $0x2  }
0xb9: {  	s3 =	sand.u32 $0x4000, s31;
	s1 =	sadd.s32 s1, s30  }
0xba: {  	s0 =	sor.u32 s3, s0;
	s1 =	sshll.u32 s1, $0x11  }
0xbb: {  	s0 =	sor.u32 s1, s0  }
0xbc: {  	s0 =	sadd.s32 $0x8F2B, s0  }
0xbd: {  	[sflag:s0] =	ssyncadd.remote.s32 $0x1  }
0xbe: {  	_ =	sfence.sel $0xFFFF  }
0xbf: {  	[dreg:$0x0] =	wrdreg $0xFFFFFFFF;
	(pc) =	sbr.abs _section_cstart, $3  }
0xc0: {  	[dreg:$0x1] =	wrdreg $0xFFFFFFFF  }
0xc1: {  	_ =	task.clear_ibuf [dreg:s7], $0x2FFFF;
	_ =	strace $0x9FFFFFFF  }
0xc2: {  	(tm) =	ssettm $0x7FFFFFFF  }
0xc3: {  	_ =	shalt  }
tec
execute0_lowered:
.L_overlay_start_1:
0x0: {  	(tag) =	ssettag $0x1  }
0x1: {  	v0 =	vimm.s32 $0xFEDCBA98;
	v1 =	vimm.s32 $0x76543210;
	v2 =	vimm.s32 $0xBA98FEDC  }
0x2: {  	v3 =	vimm.s32 $0x32107654;
	v4 =	vimm.s32 $0xDCFE98BA;
	v5 =	vimm.s32 $0x54761032  }
0x3: {  	vm0 =	vcmask $0x2F20;
	vm1 =	vcmask $0xF00;
	vm2 =	vcmask $0x700  }
0x4: {  	vm3 =	vcmask $0x300;
	v0 =	vunpack.c.l.s4.s8 v0;
	v1 =	vunpack.c.l.s4.s8 v1  }
0x5: {  	v2 =	vunpack.c.l.s4.s8 v2;
	vm0 =	vmor vm1, vm0;
	vm1 =	vcmask $0x1710  }
0x6: {  	v3 =	vunpack.c.l.s4.s8 v3;
	vm1 =	vmor vm2, vm1;
	vm2 =	vcmask $0x2720  }
0x7: {  	v0 =	vunpack.c.0.s8.s32 v0;
	v1 =	vunpack.c.0.s8.s32 v1;
	v2 =	vunpack.c.0.s8.s32 v2  }
0x8: {  	v3 =	vunpack.c.0.s8.s32 v3;
	vm1 =	vmor vm1, vm2;
	vm2 =	vcmask $0x3730  }
0x9: {  	vm1 =	vmor vm1, vm2;
	vm2 =	vcmask $0xB08;
	v0 =	vand.u32 $0xF, v0  }
0xa: {  	v0 =	vcombine.low v0, v1;
	v1 =	vunpack.c.l.s4.s8 v4;
	v4 =	vunpack.c.l.s4.s8 v5  }
0xb: {  	v2 =	vcombine.low v3, v2;
	vm2 =	vmor vm3, vm2  }
0xc: {  	s0 =	rddreg [dreg:$0x0];
	vm3 =	vcmask $0x1310;
	v1 =	vunpack.c.0.s8.s32 v1;
	v3 =	vunpack.c.0.s8.s32 v4  }
0xd: {  	s6 =	rddreg [dreg:$0x1];
	vm2 =	vmor vm2, vm3  }
0xe: {  	s1 =	rddreg [dreg:$0x2];
	v4 =	vimm.s32 $0x67452301;
	v3 =	vcombine.low v3, v1;
	v1 =	vimm.s32 $0xEFCDAB89  }
0xf: {  	s2 =	simm.s32 $0x0;
	s4 =	srdreg.scid;
	s11 =	simm.s32 $0x400;
	vm3 =	vcmask $0x1B18;
	v4 =	vunpack.c.l.s4.s8 v4;
	v1 =	vunpack.c.l.s4.s8 v1  }
0x10: {  	vm4 =	vcmask $0x2B28;
	s12 =	simm.s32 $0x2C00;
	s13 =	simm.s32 $0x0;
	[smem:$0x7FF] =	sst s2;
	vm2 =	vmor vm2, vm3;
	vm3 =	vcmask $0x2320  }
0x11: {  	s3 =	sadd.s32 $0x800A00, s6;
	s7 =	sand.u32 $0x1, s4;
	s5 =	sadd.s32 $0xA00, s6;
	vm3 =	vmor vm2, vm3;
	v4 =	vunpack.c.0.s8.s32 v4;
	v6 =	vunpack.c.0.s8.s32 v1  }
0x12: {  	s4 =	stileid.u32;
	s6 =	sadd.s32 $0xC00, s6;
	s8 =	ssub.s32 $0x2, s7;
	v5 =	vimm.f32 $1.000000000e+00;
	vm3 =	vmor vm3, vm4;
	vm4 =	vcmask $0x3330  }
0x13: {  	s10 =	sshll.u32 s4, $0x8;
	s7 =	sshll.u32 s7, $0x7;
	s9 =	sshrl.u32 s8, $0x1;
	vm3 =	vmor vm3, vm4;
	vm4 =	vcmask $0x3B38;
	v4 =	vcombine.low v4, v6  }
0x14: {  	_ =	strace $0x80000047;
	s7 =	sor.u32 s7, s10;
	s8 =	ssub.s32 s8, s9;
	v2 =	vand.u32 $0xF, v2;
	vm2 =	vmmov $0xff;
	vm3 =	vmor vm3, vm4  }
0x15: {  	s10 =	simm.s32 $0x1;
	s9 =	simm.s32 $0x5800;
	s8 =	smax.u32 s8, $0x1;
	v3 =	vand.u32 $0xF, v3;
	v1 =	vand.u32 $0x7FFFFFFF, v5;
	v4 =	vand.u32 $0xF, v4  }
.LBB2_1:
0x16: {  	[tilespmem:s9], [sflag:$0x1] =	stream.linear.gather [hbm4b:s5+s2], $0x180, $0x38;
	[tilespmem:$0x5980] =	vst v63  }
0x17: {  	_ =	swait.ge [sflag:s10], $0x180  }
0x18: {  	[sflag:s10] =	ssyncset.done $0x0  }
0x19: {  	s14 =	simm.s32 $0x0;
	[sflag:s10] =	ssyncadd.s32 $0xFFFFFE80  }
.LBB2_2:
0x1a: {  	s15 =	sadd.s32 s7, s14  }
0x1b: {  	s15 =	smul.u32 $0x2C00, s15;
	_ =	sdelay $0x1  }
0x1c: {  	s15 =	sshrl.u32 s15, $0x3  }
0x1d: {  	s16 =	sadd.s32 s3, s15  }
0x1e: {  	s17 =	sadd.s32 $0x500, s16;
	s16 =	simm.s32 $0x0  }
0x1f: {  	[tilespmem:s16], [sflag:$0x1] =	stream.linear.gather [hbm4b:s17+s16], $0x400, $0x38;
	[tilespmem:$0x5980] =	vst v63  }
0x20: {  	_ =	swait.ge [sflag:s10], $0x400  }
0x21: {  	[sflag:s10] =	ssyncset.done $0x0  }
0x22: {  	s31 =	sadd.s32 s0, s15;
	[sflag:s10] =	ssyncadd.s32 $0xFFFFFC00  }
0x23: {  	[tilespmem:s11], [sflag:$0x1] =	stream.linear.gather [hbm4b:s31+s16], $0x2800, $0x38;
	[tilespmem:$0x5980] =	vst v63  }
0x24: {  	_ =	swait.ge [sflag:s10], $0x2800  }
0x25: {  	[sflag:s10] =	ssyncset.done $0x0  }
0x26: {  	[sflag:s10] =	ssyncadd.s32 $0xFFFFD800  }
0x27: {  	s18 =	simm.s32 $0x0;
	s17 =	simm.s32 $0x10;
	v5 =	vld [tilespmem:s16+$0x0]  }
.LBB2_3:
0x28: {  	p0 =	sne.s32 s17, $0x3F0;
	_ =	sdelay $0x2  }
.Ltmp0:
0x29: {  	(pc) =	sbr.rel @p0 .LBB2_3-.Ltmp0, $4  }
0x2a: {  	v5 =	vmax.f32 v5, $-2.000000000e+01  }
0x2b: {  	s19 =	sand.u32 $0x3F0, s16;
	s16 =	smov.u32 s17;
	v5 =	vmin.f32 v5, $2.000000000e+01  }
0x2c: {  	s18 =	sadd.s32 $0x10, s18;
	[tilespmem:s19+$0x5400] =	vst v5  }
0x2d: {  	s17 =	sadd.s32 $0x10, s17;
	v5 =	vld [tilespmem:s18+$0x0]  }
0x2e: {  	_ =	sdelay $0x3  }
0x2f: {  	v5 =	vmax.f32 v5, $-2.000000000e+01  }
0x30: {  	s16 =	sand.u32 $0x3F0, s16;
	v5 =	vmin.f32 v5, $2.000000000e+01  }
0x31: {  	s30 =	simm.s32 $0x2A00;
	[tilespmem:s16+$0x5400] =	vst v5  }
0x32: {  	s17 =	simm.s32 $0x0;
	v5 =	vld [tilespmem:s30+$0xFFFFFE00]  }
0x33: {  	s17 =	sand.u32 $0x1F0, s17;
	v6 =	vld [tilespmem:s30+$0x0]  }
0x34: {  	v7 =	vld [tilespmem:s17+$0x0]  }
0x35: {  	v8 =	vld [tilespmem:s17+$0x200];
	_ =	sdelay $0x2  }
0x36: {  	v9 =	vand.u32 $0x80000000, v5;
	vm4 =	vlt.f32 v5, $0.0e+00;
	vm5 =	vgt.f32 v5, $0.0e+00  }
0x37: {  	v10 =	vand.u32 $0x7FFFFFFF, v5;
	v11 =	vand.u32 $0x80000000, v7;
	vm6 =	vgt.f32 v7, $0.0e+00  }
0x38: {  	v12 =	vadd.f32 v6, v8;
	vm4 =	vmor vm5, vm4;
	vm5 =	vlt.f32 v7, $0.0e+00  }
0x39: {  	v9 =	vor.u32 v9, v1;
	v6 =	vor.u32 v11, v1;
	vm5 =	vmor vm6, vm5  }
0x3a: {  	v11 =	vand.u32 $0x7FFFFFFF, v7;
	v7 =	vsel vm5, v6, v7;
	v6 =	vsel vm4, v9, v5  }
0x3b: {  	v5 =	vld [tilespmem:$0x5930];
	v9 =	vand.u32 $0x80000000, v12;
	vm4 =	vlt.f32 v12, $0.0e+00;
	vm5 =	vgt.f32 v12, $0.0e+00  }
0x3c: {  	v9 =	vor.u32 v9, v1;
	vm4 =	vmor vm5, vm4;
	v13 =	vmul.f32 v6, v7  }
0x3d: {  	v10 =	vmin.f32 v11, v10;
	v6 =	vld [tilespmem:$0x5890];
	v9 =	vsel vm4, v9, v12  }
0x3e: {  	v12 =	vand.u32 $0x7FFFFFFF, v12;
	v7 =	vmul.f32 v9, v7;
	v9 =	vmul.f32 v13, v10  }
0x3f: {  	v10 =	vmin.f32 v11, v12  }
0x40: {  	v7 =	vmul.f32 v7, v10;
	v9 =	vmul.f32 v9, v5;
	_ =	sdelay $0x1  }
0x41: {  	v7 =	vmul.f32 v7, v6;
	v8 =	vadd.f32 v9, v8;
	_ =	sdelay $0x1  }
0x42: {  	[tilespmem:s17+$0x0] =	vst v7;
	v9 =	vmax.f32 v8, $-2.000000000e+01  }
0x43: {  	s16 =	simm.s32 $0x5200;
	v7 =	vmax.f32 v7, $-2.000000000e+01;
	[tilespmem:s17+$0x200] =	vst v8;
	v8 =	vmin.f32 v9, $2.000000000e+01  }
0x44: {  	v7 =	vmin.f32 v7, $2.000000000e+01;
	[tilespmem:s16+$0x0] =	vst v8  }
0x45: {  	s18 =	simm.s32 $0x2A10;
	[tilespmem:s16+$0xFFFFFE00] =	vst v7  }
0x46: {  	s31 =	simm.s32 $0x10;
	v7 =	vld [tilespmem:s18+$0xFFFFFE00]  }
0x47: {  	s17 =	sand.u32 $0x1F0, s31;
	v9 =	vld [tilespmem:s18+$0x0]  }
0x48: {  	s19 =	simm.s32 $0x20;
	v8 =	vld [tilespmem:s17+$0x0]  }
.LBB2_5:
0x49: {  	p0 =	sne.s32 s19, $0x1F0;
	v10 =	vld [tilespmem:s17+$0x200];
	_ =	sdelay $0x1  }
0x4a: {  	v11 =	vand.u32 $0x80000000, v7;
	vm4 =	vlt.f32 v7, $0.0e+00;
	vm5 =	vgt.f32 v7, $0.0e+00  }
0x4b: {  	v12 =	vand.u32 $0x7FFFFFFF, v7;
	v11 =	vor.u32 v11, v1;
	vm4 =	vmor vm5, vm4  }
0x4c: {  	v13 =	vand.u32 $0x80000000, v8;
	vm5 =	vlt.f32 v8, $0.0e+00;
	vm6 =	vgt.f32 v8, $0.0e+00  }
0x4d: {  	v9 =	vadd.f32 v9, v10;
	v13 =	vor.u32 v13, v1;
	vm5 =	vmor vm6, vm5  }
0x4e: {  	v14 =	vand.u32 $0x7FFFFFFF, v8;
	v7 =	vsel vm4, v11, v7;
	v8 =	vsel vm5, v13, v8  }
0x4f: {  	v11 =	vand.u32 $0x80000000, v9;
	vm4 =	vlt.f32 v9, $0.0e+00;
	vm5 =	vgt.f32 v9, $0.0e+00  }
0x50: {  	v7 =	vmul.f32 v7, v8;
	v11 =	vor.u32 v11, v1;
	vm4 =	vmor vm5, vm4  }
0x51: {  	v12 =	vmin.f32 v14, v12;
	v11 =	vsel vm4, v11, v9  }
0x52: {  	v9 =	vand.u32 $0x7FFFFFFF, v9;
	v7 =	vmul.f32 v7, v12;
	v8 =	vmul.f32 v11, v8  }
0x53: {  	v9 =	vmin.f32 v14, v9  }
0x54: {  	v7 =	vmul.f32 v7, v5;
	v8 =	vmul.f32 v8, v9;
	_ =	sdelay $0x1  }
0x55: {  	v7 =	vadd.f32 v7, v10;
	v8 =	vmul.f32 v8, v6;
	_ =	sdelay $0x1  }
0x56: {  	v9 =	vmax.f32 v7, $-2.000000000e+01;
	[tilespmem:s17+$0x0] =	vst v8;
	v8 =	vmax.f32 v8, $-2.000000000e+01  }
0x57: {  	s16 =	sadd.s32 $0x10, s16;
	[tilespmem:s17+$0x200] =	vst v7;
	v7 =	vmin.f32 v8, $2.000000000e+01;
	v8 =	vmin.f32 v9, $2.000000000e+01  }
.Ltmp1:
0x58: {  	[tilespmem:s16+$0x0] =	vst v8;
	(pc) =	sbr.rel @p0 .LBB2_5-.Ltmp1, $4  }
0x59: {  	s18 =	sadd.s32 $0x10, s18;
	[tilespmem:s16+$0xFFFFFE00] =	vst v7  }
0x5a: {  	v7 =	vld [tilespmem:s18+$0xFFFFFE00]  }
0x5b: {  	s17 =	sand.u32 $0x1F0, s19;
	v9 =	vld [tilespmem:s18+$0x0]  }
0x5c: {  	s19 =	sadd.s32 $0x10, s19;
	v8 =	vld [tilespmem:s17+$0x0]  }
0x5d: {  	v10 =	vld [tilespmem:s17+$0x200];
	_ =	sdelay $0x1  }
0x5e: {  	v11 =	vand.u32 $0x80000000, v7  }
0x5f: {  	vm4 =	vlt.f32 v7, $0.0e+00;
	vm5 =	vgt.f32 v7, $0.0e+00;
	v12 =	vand.u32 $0x7FFFFFFF, v7  }
0x60: {  	v11 =	vor.u32 v11, v1;
	vm4 =	vmor vm5, vm4;
	v13 =	vand.u32 $0x80000000, v8  }
0x61: {  	vm5 =	vlt.f32 v8, $0.0e+00;
	vm6 =	vgt.f32 v8, $0.0e+00;
	v9 =	vadd.f32 v9, v10  }
0x62: {  	v14 =	vand.u32 $0x7FFFFFFF, v8;
	v13 =	vor.u32 v13, v1;
	vm5 =	vmor vm6, vm5  }
0x63: {  	v7 =	vsel vm4, v11, v7;
	v8 =	vsel vm5, v13, v8;
	v11 =	vand.u32 $0x80000000, v9  }
0x64: {  	vm4 =	vlt.f32 v9, $0.0e+00;
	vm5 =	vgt.f32 v9, $0.0e+00;
	v7 =	vmul.f32 v7, v8  }
0x65: {  	v12 =	vmin.f32 v14, v12;
	v11 =	vor.u32 v11, v1;
	vm4 =	vmor vm5, vm4  }
0x66: {  	v11 =	vsel vm4, v11, v9;
	v7 =	vmul.f32 v7, v12  }
0x67: {  	v9 =	vand.u32 $0x7FFFFFFF, v9;
	v8 =	vmul.f32 v11, v8  }
0x68: {  	v9 =	vmin.f32 v14, v9;
	v5 =	vmul.f32 v7, v5  }
0x69: {  	v8 =	vmul.f32 v8, v9  }
0x6a: {  	v5 =	vadd.f32 v5, v10  }
0x6b: {  	v6 =	vmul.f32 v8, v6  }
0x6c: {  	s18 =	simm.s32 $0x0;
	v7 =	vmax.f32 v5, $-2.000000000e+01;
	[tilespmem:s17+$0x200] =	vst v5  }
0x6d: {  	s16 =	sadd.s32 $0x10, s16;
	s30 =	sand.u32 $0x20, s18;
	s18 =	sand.u32 $0xF, s18;
	[tilespmem:s17+$0x0] =	vst v6;
	v6 =	vmax.f32 v6, $-2.000000000e+01;
	v5 =	vmin.f32 v7, $2.000000000e+01  }
0x6e: {  	s17 =	sor.u32 s18, s30;
	v6 =	vmin.f32 v6, $2.000000000e+01;
	[tilespmem:s16+$0x0] =	vst v5  }
0x6f: {  	[tilespmem:s16+$0xFFFFFE00] =	vst v6;
	s16 =	sshll.u32 s17, $0x4  }
0x70: {  	v5 =	vld [tilespmem:s16+$0x2400]  }
0x71: {  	v6 =	vld [tilespmem:s16+$0x2500]  }
0x72: {  	v7 =	vld [tilespmem:s16+$0x100]  }
0x73: {  	v9 =	vld [tilespmem:s16+$0x0];
	_ =	sdelay $0x3  }
0x74: {  	v8 =	vand.u32 $0x80000000, v5;
	vm4 =	vlt.f32 v5, $0.0e+00  }
0x75: {  	vm5 =	vgt.f32 v5, $0.0e+00;
	v11 =	vadd.f32 v6, v7;
	v6 =	vand.u32 $0x80000000, v9  }
0x76: {  	v12 =	vand.u32 $0x7FFFFFFF, v5;
	v8 =	vor.u32 v8, v1;
	vm4 =	vmor vm5, vm4  }
0x77: {  	vm5 =	vgt.f32 v9, $0.0e+00;
	v10 =	vsel vm4, v8, v5;
	vm4 =	vlt.f32 v9, $0.0e+00  }
0x78: {  	v5 =	vor.u32 v6, v1;
	v6 =	vand.u32 $0x80000000, v11;
	vm4 =	vmor vm5, vm4  }
0x79: {  	s31 =	simm.s32 $0x1;
	s18 =	simm.s32 $0x2;
	v8 =	vand.u32 $0x7FFFFFFF, v9;
	v14 =	vor.u32 v6, v1;
	v6 =	vld [tilespmem:$0x5920];
	v9 =	vsel vm4, v5, v9  }
0x7a: {  	s19 =	sand.u32 $0x20, s18;
	s17 =	sand.u32 $0xF, s31;
	vm5 =	vgt.f32 v11, $0.0e+00;
	vm4 =	vlt.f32 v11, $0.0e+00;
	v13 =	vmul.f32 v10, v9  }
0x7b: {  	s17 =	sor.u32 s17, s19;
	v15 =	vmin.f32 v8, v12;
	vm4 =	vmor vm5, vm4  }
0x7c: {  	s19 =	simm.s32 $0x2;
	s17 =	sshll.u32 s17, $0x4;
	v5 =	vld [tilespmem:$0x5880];
	v10 =	vand.u32 $0x7FFFFFFF, v11;
	v12 =	vsel vm4, v14, v11;
	v11 =	vmul.f32 v13, v15  }
.LBB2_7:
0x7d: {  	p0 =	sne.s32 s19, $0x1F;
	v13 =	vld [tilespmem:s17+$0x2500];
	v9 =	vmul.f32 v12, v9;
	s20 =	smov.u32 s19;
	s19 =	sadd.s32 $0x1, s19  }
0x7e: {  	v8 =	vmin.f32 v8, v10;
	v12 =	vld [tilespmem:s17+$0x2400];
	v10 =	vmul.f32 v11, v6  }
0x7f: {  	v8 =	vmul.f32 v9, v8  }
0x80: {  	v7 =	vadd.f32 v10, v7  }
0x81: {  	v8 =	vmul.f32 v8, v5  }
0x82: {  	[tilespmem:s16+$0x100] =	vst v7;
	v9 =	vmax.f32 v7, $-2.000000000e+01  }
0x83: {  	v7 =	vld [tilespmem:s17+$0x100];
	v10 =	vand.u32 $0x80000000, v12;
	vm4 =	vlt.f32 v12, $0.0e+00;
	[tilespmem:s16+$0x0] =	vst v8;
	v8 =	vmax.f32 v8, $-2.000000000e+01  }
0x84: {  	vm5 =	vgt.f32 v12, $0.0e+00;
	v11 =	vld [tilespmem:s17+$0x0];
	v10 =	vor.u32 v10, v1;
	v8 =	vmin.f32 v8, $2.000000000e+01  }
0x85: {  	vm4 =	vmor vm5, vm4;
	[tilespmem:s16+$0x4C00] =	vst v8;
	v8 =	vmin.f32 v9, $2.000000000e+01  }
0x86: {  	v14 =	vsel vm4, v10, v12;
	[tilespmem:s16+$0x4D00] =	vst v8;
	s16 =	smov.u32 s17;
	_ =	sdelay $0x1  }
0x87: {  	v12 =	vand.u32 $0x7FFFFFFF, v12;
	v13 =	vadd.f32 v13, v7  }
0x88: {  	v8 =	vand.u32 $0x80000000, v11;
	vm4 =	vlt.f32 v11, $0.0e+00;
	vm5 =	vgt.f32 v11, $0.0e+00  }
.Ltmp2:
0x89: {  	v9 =	vor.u32 v8, v1;
	vm4 =	vmor vm5, vm4;
	v15 =	vand.u32 $0x80000000, v13;
	(pc) =	sbr.rel @p0 .LBB2_7-.Ltmp2, $4  }
0x8a: {  	s18 =	sadd.s32 $0x2, s18;
	v8 =	vand.u32 $0x7FFFFFFF, v11;
	v9 =	vsel vm4, v9, v11;
	vm4 =	vlt.f32 v13, $0.0e+00  }
0x8b: {  	s20 =	sand.u32 $0xF, s20;
	s17 =	sand.u32 $0x20, s18;
	v10 =	vand.u32 $0x7FFFFFFF, v13;
	vm5 =	vgt.f32 v13, $0.0e+00;
	v11 =	vmul.f32 v14, v9  }
0x8c: {  	s17 =	sor.u32 s20, s17;
	v14 =	vor.u32 v15, v1;
	vm4 =	vmor vm5, vm4;
	v15 =	vmin.f32 v8, v12  }
0x8d: {  	s17 =	sshll.u32 s17, $0x4;
	v12 =	vsel vm4, v14, v13;
	v11 =	vmul.f32 v11, v15  }
0x8e: {  	v9 =	vmul.f32 v12, v9  }
0x8f: {  	v8 =	vmin.f32 v8, v10;
	v10 =	vmul.f32 v11, v6  }
0x90: {  	v8 =	vmul.f32 v9, v8  }
0x91: {  	v7 =	vadd.f32 v10, v7  }
0x92: {  	v10 =	vld [tilespmem:s17+$0x2400];
	v8 =	vmul.f32 v8, v5  }
0x93: {  	v9 =	vld [tilespmem:s17+$0x2500];
	[tilespmem:s16+$0x100] =	vst v7  }
0x94: {  	v11 =	vld [tilespmem:s17+$0x100];
	[tilespmem:s16+$0x0] =	vst v8  }
0x95: {  	v61 =	vld [tilespmem:s17+$0x0];
	_ =	sdelay $0x1  }
0x96: {  	v13 =	vand.u32 $0x80000000, v10;
	vm4 =	vlt.f32 v10, $0.0e+00;
	vm5 =	vgt.f32 v10, $0.0e+00  }
0x97: {  	v13 =	vor.u32 v13, v1;
	vm4 =	vmor vm5, vm4  }
0x98: {  	v13 =	vsel vm4, v13, v10  }
0x99: {  	v10 =	vand.u32 $0x7FFFFFFF, v10;
	v9 =	vadd.f32 v9, v11;
	v14 =	vand.u32 $0x80000000, v61  }
0x9a: {  	vm5 =	vlt.f32 v61, $0.0e+00;
	vm6 =	vgt.f32 v61, $0.0e+00;
	v12 =	vand.u32 $0x7FFFFFFF, v61  }
0x9b: {  	v14 =	vor.u32 v14, v1;
	vm4 =	vmor vm6, vm5;
	vm5 =	vgt.f32 v9, $0.0e+00  }
0x9c: {  	v15 =	vand.u32 $0x80000000, v9;
	v14 =	vsel vm4, v14, v61;
	vm4 =	vlt.f32 v9, $0.0e+00  }
0x9d: {  	v15 =	vor.u32 v15, v1;
	vm4 =	vmor vm5, vm4;
	v13 =	vmul.f32 v13, v14  }
0x9e: {  	v10 =	vmin.f32 v12, v10;
	v15 =	vsel vm4, v15, v9  }
0x9f: {  	v9 =	vand.u32 $0x7FFFFFFF, v9;
	v10 =	vmul.f32 v13, v10;
	v62 =	vmul.f32 v15, v14  }
0xa0: {  	v9 =	vmin.f32 v12, v9  }
0xa1: {  	v7 =	vmax.f32 v7, $-2.000000000e+01;
	v6 =	vmul.f32 v10, v6;
	v9 =	vmul.f32 v62, v9  }
0xa2: {  	v8 =	vmax.f32 v8, $-2.000000000e+01;
	v7 =	vmin.f32 v7, $2.000000000e+01  }
0xa3: {  	v8 =	vmin.f32 v8, $2.000000000e+01;
	[tilespmem:s16+$0x4D00] =	vst v7;
	v6 =	vadd.f32 v6, v11;
	v5 =	vmul.f32 v9, v5  }
0xa4: {  	[tilespmem:s16+$0x4C00] =	vst v8  }
0xa5: {  	s16 =	simm.s32 $0x0;
	[tilespmem:s17+$0x100] =	vst v6;
	v7 =	vmax.f32 v5, $-2.000000000e+01  }
0xa6: {  	s18 =	sand.u32 $0x30, s16;
	s19 =	sand.u32 $0x7, s16;
	v6 =	vmax.f32 v6, $-2.000000000e+01;
	[tilespmem:s17+$0x0] =	vst v5;
	v5 =	vmin.f32 v7, $2.000000000e+01  }
0xa7: {  	s19 =	sor.u32 s19, s18;
	[tilespmem:s17+$0x4C00] =	vst v5;
	v5 =	vmin.f32 v6, $2.000000000e+01  }
0xa8: {  	[tilespmem:s17+$0x4D00] =	vst v5;
	s17 =	sshll.u32 s19, $0x4  }
0xa9: {  	s18 =	sshll.u32 s18, $0x4;
	s19 =	sand.u32 $0x70, s17;
	v5 =	vld [tilespmem:s17+$0x2000]  }
0xaa: {  	s20 =	sand.u32 $0x300, s16;
	v6 =	vld [tilespmem:s17+$0x2080];
	s18 =	sor.u32 s19, s18  }
0xab: {  	s19 =	sor.u32 s19, s20;
	v8 =	vld [tilespmem:s18+$0x0]  }
0xac: {  	v7 =	vld [tilespmem:s19+$0x80];
	_ =	sdelay $0x1  }
0xad: {  	v9 =	vand.u32 $0x80000000, v5;
	vm4 =	vlt.f32 v5, $0.0e+00;
	vm5 =	vgt.f32 v5, $0.0e+00  }
0xae: {  	v10 =	vand.u32 $0x7FFFFFFF, v5;
	v9 =	vor.u32 v9, v1;
	vm4 =	vmor vm5, vm4  }
0xaf: {  	v11 =	vand.u32 $0x80000000, v8;
	vm5 =	vlt.f32 v8, $0.0e+00;
	vm15 =	vgt.f32 v8, $0.0e+00  }
0xb0: {  	v6 =	vadd.f32 v6, v7;
	v11 =	vor.u32 v11, v1;
	vm5 =	vmor vm15, vm5  }
0xb1: {  	v63 =	vand.u32 $0x7FFFFFFF, v8;
	v9 =	vsel vm4, v9, v5;
	v8 =	vsel vm5, v11, v8  }
0xb2: {  	v5 =	vld [tilespmem:$0x5910];
	v11 =	vand.u32 $0x80000000, v6;
	vm4 =	vlt.f32 v6, $0.0e+00;
	vm5 =	vgt.f32 v6, $0.0e+00  }
0xb3: {  	v11 =	vor.u32 v11, v1;
	vm4 =	vmor vm5, vm4;
	v9 =	vmul.f32 v9, v8  }
0xb4: {  	v10 =	vmin.f32 v63, v10;
	v11 =	vsel vm4, v11, v6;
	v6 =	vand.u32 $0x7FFFFFFF, v6  }
0xb5: {  	s21 =	simm.s32 $0x1;
	s20 =	simm.s32 $0x2;
	v8 =	vmul.f32 v11, v8;
	v9 =	vmul.f32 v9, v10;
	v10 =	vmin.f32 v63, v6;
	v6 =	vld [tilespmem:$0x5870]  }
0xb6: {  	s21 =	sand.u32 $0x7, s21;
	s23 =	sand.u32 $0x30, s20  }
0xb7: {  	s24 =	simm.s32 $0x2;
	s22 =	sor.u32 s21, s23;
	v8 =	vmul.f32 v8, v10;
	v9 =	vmul.f32 v9, v5  }
.LBB2_9:
0xb8: {  	s25 =	sshll.u32 s22, $0x4  }
0xb9: {  	v7 =	vadd.f32 v9, v7;
	s16 =	sadd.s32 $0x20, s16;
	s22 =	smov.u32 s24;
	s21 =	sadd.s32 $0x1, s24  }
0xba: {  	s23 =	sshll.u32 s23, $0x4;
	v8 =	vmul.f32 v8, v6;
	s26 =	sand.u32 $0x70, s25;
	s28 =	sand.u32 $0x300, s16  }
0xbb: {  	p0 =	sne.s32 s24, $0x1F;
	s23 =	sor.u32 s26, s23;
	[tilespmem:s19+$0x80] =	vst v7;
	s19 =	sor.u32 s26, s28;
	v7 =	vmax.f32 v7, $-2.000000000e+01  }
0xbc: {  	[tilespmem:s18+$0x0] =	vst v8;
	v8 =	vmax.f32 v8, $-2.000000000e+01;
	v7 =	vmin.f32 v7, $2.000000000e+01;
	s18 =	smov.u32 s23  }
0xbd: {  	v9 =	vld [tilespmem:s25+$0x2000];
	v8 =	vmin.f32 v8, $2.000000000e+01;
	[tilespmem:s17+$0x4880] =	vst v7  }
0xbe: {  	v10 =	vld [tilespmem:s25+$0x2080];
	[tilespmem:s17+$0x4800] =	vst v8;
	s17 =	smov.u32 s25  }
0xbf: {  	v8 =	vld [tilespmem:s18+$0x0]  }
0xc0: {  	v7 =	vld [tilespmem:s19+$0x80];
	_ =	sdelay $0x1  }
0xc1: {  	v11 =	vand.u32 $0x80000000, v9;
	vm4 =	vlt.f32 v9, $0.0e+00;
	vm5 =	vgt.f32 v9, $0.0e+00  }
0xc2: {  	v12 =	vand.u32 $0x7FFFFFFF, v9;
	v11 =	vor.u32 v11, v1;
	vm4 =	vmor vm5, vm4  }
0xc3: {  	v13 =	vand.u32 $0x80000000, v8;
	vm5 =	vlt.f32 v8, $0.0e+00;
	vm6 =	vgt.f32 v8, $0.0e+00  }
0xc4: {  	v10 =	vadd.f32 v10, v7;
	v13 =	vor.u32 v13, v1;
	vm5 =	vmor vm6, vm5  }
0xc5: {  	v14 =	vand.u32 $0x7FFFFFFF, v8;
	v9 =	vsel vm4, v11, v9;
	v8 =	vsel vm5, v13, v8  }
0xc6: {  	v11 =	vand.u32 $0x80000000, v10;
	vm4 =	vlt.f32 v10, $0.0e+00;
	vm5 =	vgt.f32 v10, $0.0e+00  }
0xc7: {  	v9 =	vmul.f32 v9, v8;
	v11 =	vor.u32 v11, v1;
	vm4 =	vmor vm5, vm4  }
.Ltmp3:
0xc8: {  	v13 =	vand.u32 $0x7FFFFFFF, v10;
	v10 =	vsel vm4, v11, v10;
	v11 =	vmin.f32 v14, v12;
	(pc) =	sbr.rel @p0 .LBB2_9-.Ltmp3, $4  }
0xc9: {  	v8 =	vmul.f32 v10, v8;
	v9 =	vmul.f32 v9, v11  }
0xca: {  	s20 =	sadd.s32 $0x2, s20;
	v10 =	vmin.f32 v14, v13  }
0xcb: {  	s22 =	sand.u32 $0x7, s22;
	s23 =	sand.u32 $0x30, s20;
	v8 =	vmul.f32 v8, v10;
	v9 =	vmul.f32 v9, v5  }
0xcc: {  	s24 =	smov.u32 s21;
	s22 =	sor.u32 s22, s23  }
0xcd: {  	v7 =	vadd.f32 v9, v7  }
0xce: {  	v8 =	vmul.f32 v8, v6  }
0xcf: {  	[tilespmem:s19+$0x80] =	vst v7;
	v7 =	vmax.f32 v7, $-2.000000000e+01  }
0xd0: {  	s24 =	sshll.u32 s22, $0x4;
	[tilespmem:s18+$0x0] =	vst v8;
	v8 =	vmax.f32 v8, $-2.000000000e+01;
	v7 =	vmin.f32 v7, $2.000000000e+01  }
0xd1: {  	s16 =	sadd.s32 $0x20, s16;
	s20 =	sshll.u32 s23, $0x4;
	s25 =	sand.u32 $0x70, s24;
	v9 =	vld [tilespmem:s24+$0x2000];
	[tilespmem:s17+$0x4880] =	vst v7;
	v7 =	vmin.f32 v8, $2.000000000e+01  }
0xd2: {  	s16 =	sand.u32 $0x300, s16;
	s20 =	sor.u32 s25, s20;
	v8 =	vld [tilespmem:s24+$0x2080];
	[tilespmem:s17+$0x4800] =	vst v7  }
0xd3: {  	s16 =	sor.u32 s25, s16;
	v7 =	vld [tilespmem:s20+$0x0]  }
0xd4: {  	v10 =	vld [tilespmem:s16+$0x80];
	_ =	sdelay $0x1  }
0xd5: {  	v11 =	vand.u32 $0x80000000, v9  }
0xd6: {  	vm4 =	vlt.f32 v9, $0.0e+00;
	vm5 =	vgt.f32 v9, $0.0e+00;
	v12 =	vand.u32 $0x7FFFFFFF, v9  }
0xd7: {  	v11 =	vor.u32 v11, v1;
	vm4 =	vmor vm5, vm4;
	v13 =	vand.u32 $0x80000000, v7  }
0xd8: {  	vm5 =	vlt.f32 v7, $0.0e+00;
	vm6 =	vgt.f32 v7, $0.0e+00;
	v8 =	vadd.f32 v8, v10  }
0xd9: {  	v9 =	vsel vm4, v11, v9;
	v13 =	vor.u32 v13, v1;
	vm5 =	vmor vm6, vm5  }
0xda: {  	v14 =	vand.u32 $0x7FFFFFFF, v7;
	v7 =	vsel vm5, v13, v7;
	v11 =	vand.u32 $0x80000000, v8  }
0xdb: {  	vm4 =	vlt.f32 v8, $0.0e+00;
	vm5 =	vgt.f32 v8, $0.0e+00;
	v9 =	vmul.f32 v9, v7  }
0xdc: {  	v12 =	vmin.f32 v14, v12;
	v11 =	vor.u32 v11, v1;
	vm4 =	vmor vm5, vm4  }
0xdd: {  	v11 =	vsel vm4, v11, v8;
	v9 =	vmul.f32 v9, v12  }
0xde: {  	v8 =	vand.u32 $0x7FFFFFFF, v8;
	v7 =	vmul.f32 v11, v7  }
0xdf: {  	v8 =	vmin.f32 v14, v8;
	v5 =	vmul.f32 v9, v5  }
0xe0: {  	v7 =	vmul.f32 v7, v8  }
0xe1: {  	v5 =	vadd.f32 v5, v10  }
0xe2: {  	v6 =	vmul.f32 v7, v6  }
0xe3: {  	[tilespmem:s16+$0x80] =	vst v5;
	v5 =	vmax.f32 v5, $-2.000000000e+01;
	s16 =	simm.s32 $0x0  }
0xe4: {  	[tilespmem:s20+$0x0] =	vst v6;
	v6 =	vmax.f32 v6, $-2.000000000e+01;
	v5 =	vmin.f32 v5, $2.000000000e+01;
	s26 =	sand.u32 $0x38, s16;
	s28 =	sand.u32 $0x3, s16  }
0xe5: {  	v6 =	vmin.f32 v6, $2.000000000e+01;
	[tilespmem:s24+$0x4880] =	vst v5;
	s17 =	sor.u32 s28, s26  }
0xe6: {  	[tilespmem:s24+$0x4800] =	vst v6;
	s17 =	sshll.u32 s17, $0x4  }
0xe7: {  	s30 =	sand.u32 $0x380, s16;
	s29 =	sand.u32 $0x30, s17;
	v5 =	vld [tilespmem:s17+$0x1C00]  }
0xe8: {  	v6 =	vld [tilespmem:s17+$0x1C40];
	s18 =	sor.u32 s29, s30  }
0xe9: {  	v7 =	vld [tilespmem:s18+$0x0]  }
0xea: {  	v8 =	vld [tilespmem:s18+$0x40];
	_ =	sdelay $0x1  }
0xeb: {  	v9 =	vand.u32 $0x80000000, v5;
	vm4 =	vlt.f32 v5, $0.0e+00;
	vm5 =	vgt.f32 v5, $0.0e+00  }
0xec: {  	v10 =	vand.u32 $0x7FFFFFFF, v5;
	v9 =	vor.u32 v9, v1;
	vm4 =	vmor vm5, vm4  }
0xed: {  	v11 =	vand.u32 $0x80000000, v7;
	vm5 =	vlt.f32 v7, $0.0e+00;
	vm15 =	vgt.f32 v7, $0.0e+00  }
0xee: {  	v62 =	vadd.f32 v6, v8;
	v6 =	vor.u32 v11, v1;
	vm5 =	vmor vm15, vm5  }
0xef: {  	v11 =	vand.u32 $0x7FFFFFFF, v7;
	v7 =	vsel vm5, v6, v7;
	v6 =	vsel vm4, v9, v5  }
0xf0: {  	v5 =	vld [tilespmem:$0x5900];
	v9 =	vand.u32 $0x80000000, v62;
	vm4 =	vlt.f32 v62, $0.0e+00;
	vm5 =	vgt.f32 v62, $0.0e+00  }
0xf1: {  	v9 =	vor.u32 v9, v1;
	vm4 =	vmor vm5, vm4;
	v63 =	vmul.f32 v6, v7  }
0xf2: {  	v10 =	vmin.f32 v11, v10;
	v6 =	vld [tilespmem:$0x5860];
	v9 =	vsel vm4, v9, v62  }
0xf3: {  	v12 =	vand.u32 $0x7FFFFFFF, v62;
	v7 =	vmul.f32 v9, v7;
	v9 =	vmul.f32 v63, v10  }
0xf4: {  	v10 =	vmin.f32 v11, v12  }
0xf5: {  	s31 =	simm.s32 $0x1;
	s19 =	simm.s32 $0x2;
	v7 =	vmul.f32 v7, v10;
	v9 =	vmul.f32 v9, v5  }
0xf6: {  	s21 =	sand.u32 $0x38, s19;
	s20 =	sand.u32 $0x3, s31  }
0xf7: {  	s22 =	simm.s32 $0x2;
	s21 =	sor.u32 s20, s21;
	v7 =	vmul.f32 v7, v6;
	v8 =	vadd.f32 v9, v8  }
.LBB2_11:
0xf8: {  	s23 =	sshll.u32 s21, $0x4  }
0xf9: {  	[tilespmem:s18+$0x40] =	vst v8;
	v8 =	vmax.f32 v8, $-2.000000000e+01;
	s16 =	sadd.s32 $0x20, s16;
	s21 =	smov.u32 s22;
	s20 =	sadd.s32 $0x1, s22  }
0xfa: {  	p0 =	sne.s32 s22, $0x1F;
	s22 =	sand.u32 $0x30, s23;
	s24 =	sand.u32 $0x380, s16;
	[tilespmem:s18+$0x0] =	vst v7;
	v7 =	vmax.f32 v7, $-2.000000000e+01;
	v8 =	vmin.f32 v8, $2.000000000e+01  }
0xfb: {  	s18 =	sor.u32 s22, s24;
	v9 =	vld [tilespmem:s23+$0x1C00];
	v7 =	vmin.f32 v7, $2.000000000e+01;
	[tilespmem:s17+$0x4440] =	vst v8  }
0xfc: {  	v8 =	vld [tilespmem:s23+$0x1C40];
	[tilespmem:s17+$0x4400] =	vst v7;
	s17 =	smov.u32 s23  }
0xfd: {  	v7 =	vld [tilespmem:s18+$0x0]  }
0xfe: {  	v10 =	vld [tilespmem:s18+$0x40];
	_ =	sdelay $0x1  }
0xff: {  	v11 =	vand.u32 $0x80000000, v9;
	vm4 =	vlt.f32 v9, $0.0e+00;
	vm5 =	vgt.f32 v9, $0.0e+00  }
0x100: {  	v12 =	vand.u32 $0x7FFFFFFF, v9;
	v11 =	vor.u32 v11, v1;
	vm4 =	vmor vm5, vm4  }
0x101: {  	v13 =	vand.u32 $0x80000000, v7;
	vm5 =	vlt.f32 v7, $0.0e+00;
	vm6 =	vgt.f32 v7, $0.0e+00  }
0x102: {  	v8 =	vadd.f32 v8, v10;
	v13 =	vor.u32 v13, v1;
	vm5 =	vmor vm6, vm5  }
0x103: {  	v14 =	vand.u32 $0x7FFFFFFF, v7;
	v9 =	vsel vm4, v11, v9;
	v7 =	vsel vm5, v13, v7  }
0x104: {  	v11 =	vand.u32 $0x80000000, v8;
	vm4 =	vlt.f32 v8, $0.0e+00;
	vm5 =	vgt.f32 v8, $0.0e+00  }
0x105: {  	v9 =	vmul.f32 v9, v7;
	v11 =	vor.u32 v11, v1;
	vm4 =	vmor vm5, vm4  }
0x106: {  	v13 =	vand.u32 $0x7FFFFFFF, v8;
	v8 =	vsel vm4, v11, v8;
	v11 =	vmin.f32 v14, v12  }
0x107: {  	v7 =	vmul.f32 v8, v7;
	v8 =	vmul.f32 v9, v11  }
.Ltmp4:
0x108: {  	v9 =	vmin.f32 v14, v13;
	(pc) =	sbr.rel @p0 .LBB2_11-.Ltmp4, $4  }
0x109: {  	v7 =	vmul.f32 v7, v9;
	v8 =	vmul.f32 v8, v5  }
0x10a: {  	s19 =	sadd.s32 $0x2, s19  }
0x10b: {  	s21 =	sand.u32 $0x3, s21;
	s22 =	sand.u32 $0x38, s19;
	v7 =	vmul.f32 v7, v6;
	v8 =	vadd.f32 v8, v10  }
0x10c: {  	s21 =	sor.u32 s21, s22;
	s22 =	smov.u32 s20  }
0x10d: {  	[tilespmem:s18+$0x40] =	vst v8;
	v8 =	vmax.f32 v8, $-2.000000000e+01  }
0x10e: {  	s19 =	sshll.u32 s21, $0x4;
	[tilespmem:s18+$0x0] =	vst v7;
	s16 =	sadd.s32 $0x20, s16;
	v7 =	vmax.f32 v7, $-2.000000000e+01;
	v8 =	vmin.f32 v8, $2.000000000e+01  }
0x10f: {  	v9 =	vld [tilespmem:s19+$0x1C00];
	s25 =	sand.u32 $0x30, s19;
	s16 =	sand.u32 $0x380, s16;
	v7 =	vmin.f32 v7, $2.000000000e+01;
	[tilespmem:s17+$0x4440] =	vst v8  }
0x110: {  	s18 =	sor.u32 s25, s16;
	v8 =	vld [tilespmem:s19+$0x1C40];
	[tilespmem:s17+$0x4400] =	vst v7  }
0x111: {  	v7 =	vld [tilespmem:s18+$0x0]  }
0x112: {  	v10 =	vld [tilespmem:s18+$0x40];
	_ =	sdelay $0x1  }
0x113: {  	v11 =	vand.u32 $0x80000000, v9  }
0x114: {  	vm4 =	vlt.f32 v9, $0.0e+00;
	vm5 =	vgt.f32 v9, $0.0e+00;
	v12 =	vand.u32 $0x7FFFFFFF, v9  }
0x115: {  	v11 =	vor.u32 v11, v1;
	vm4 =	vmor vm5, vm4;
	v13 =	vand.u32 $0x80000000, v7  }
0x116: {  	vm5 =	vlt.f32 v7, $0.0e+00;
	vm6 =	vgt.f32 v7, $0.0e+00;
	v8 =	vadd.f32 v8, v10  }
0x117: {  	v9 =	vsel vm4, v11, v9;
	v13 =	vor.u32 v13, v1;
	vm5 =	vmor vm6, vm5  }
0x118: {  	v14 =	vand.u32 $0x7FFFFFFF, v7;
	v7 =	vsel vm5, v13, v7;
	v11 =	vand.u32 $0x80000000, v8  }
0x119: {  	vm4 =	vlt.f32 v8, $0.0e+00;
	vm5 =	vgt.f32 v8, $0.0e+00;
	v9 =	vmul.f32 v9, v7  }
0x11a: {  	v12 =	vmin.f32 v14, v12;
	v11 =	vor.u32 v11, v1;
	vm4 =	vmor vm5, vm4  }
0x11b: {  	v11 =	vsel vm4, v11, v8;
	v9 =	vmul.f32 v9, v12  }
0x11c: {  	v8 =	vand.u32 $0x7FFFFFFF, v8;
	v7 =	vmul.f32 v11, v7  }
0x11d: {  	v8 =	vmin.f32 v14, v8;
	v5 =	vmul.f32 v9, v5  }
0x11e: {  	v7 =	vmul.f32 v7, v8  }
0x11f: {  	v5 =	vadd.f32 v5, v10  }
0x120: {  	v6 =	vmul.f32 v7, v6  }
0x121: {  	s16 =	simm.s32 $0x0;
	[tilespmem:s18+$0x40] =	vst v5;
	v5 =	vmax.f32 v5, $-2.000000000e+01  }
0x122: {  	s26 =	sand.u32 $0x3C, s16;
	s28 =	sand.u32 $0x1, s16;
	[tilespmem:s18+$0x0] =	vst v6;
	v6 =	vmax.f32 v6, $-2.000000000e+01;
	v5 =	vmin.f32 v5, $2.000000000e+01  }
0x123: {  	s17 =	sor.u32 s28, s26;
	v6 =	vmin.f32 v6, $2.000000000e+01;
	[tilespmem:s19+$0x4440] =	vst v5  }
0x124: {  	s17 =	sshll.u32 s17, $0x4;
	[tilespmem:s19+$0x4400] =	vst v6  }
0x125: {  	s30 =	sand.u32 $0x380, s16;
	s29 =	sand.u32 $0x50, s17;
	v5 =	vld [tilespmem:s17+$0x1800]  }
0x126: {  	s18 =	sor.u32 s29, s30;
	v6 =	vld [tilespmem:s17+$0x1820]  }
0x127: {  	v7 =	vld [tilespmem:s18+$0x0]  }
0x128: {  	v8 =	vld [tilespmem:s18+$0x20];
	_ =	sdelay $0x2  }
0x129: {  	v9 =	vand.u32 $0x80000000, v5;
	vm4 =	vlt.f32 v5, $0.0e+00;
	vm5 =	vgt.f32 v5, $0.0e+00  }
0x12a: {  	v10 =	vand.u32 $0x7FFFFFFF, v5;
	v11 =	vand.u32 $0x80000000, v7;
	vm15 =	vgt.f32 v7, $0.0e+00  }
0x12b: {  	v62 =	vadd.f32 v6, v8;
	vm4 =	vmor vm5, vm4;
	vm5 =	vlt.f32 v7, $0.0e+00  }
0x12c: {  	v9 =	vor.u32 v9, v1;
	v6 =	vor.u32 v11, v1;
	vm5 =	vmor vm15, vm5  }
0x12d: {  	v11 =	vand.u32 $0x7FFFFFFF, v7;
	v7 =	vsel vm5, v6, v7;
	v6 =	vsel vm4, v9, v5  }
0x12e: {  	v5 =	vld [tilespmem:$0x58F0];
	v9 =	vand.u32 $0x80000000, v62;
	vm4 =	vlt.f32 v62, $0.0e+00;
	vm5 =	vgt.f32 v62, $0.0e+00  }
0x12f: {  	v9 =	vor.u32 v9, v1;
	vm4 =	vmor vm5, vm4;
	v63 =	vmul.f32 v6, v7  }
0x130: {  	v10 =	vmin.f32 v11, v10;
	v6 =	vld [tilespmem:$0x5850];
	v9 =	vsel vm4, v9, v62  }
0x131: {  	v12 =	vand.u32 $0x7FFFFFFF, v62;
	v7 =	vmul.f32 v9, v7;
	v9 =	vmul.f32 v63, v10  }
0x132: {  	v10 =	vmin.f32 v11, v12  }
0x133: {  	s20 =	simm.s32 $0x1;
	s19 =	simm.s32 $0x2;
	v7 =	vmul.f32 v7, v10;
	v9 =	vmul.f32 v9, v5  }
0x134: {  	s20 =	sand.u32 $0x1, s20;
	s31 =	sand.u32 $0x3C, s19  }
0x135: {  	s22 =	simm.s32 $0x2;
	s21 =	sor.u32 s20, s31;
	v7 =	vmul.f32 v7, v6;
	v8 =	vadd.f32 v9, v8  }
.LBB2_13:
0x136: {  	s23 =	sshll.u32 s21, $0x4  }
0x137: {  	[tilespmem:s18+$0x20] =	vst v8;
	v8 =	vmax.f32 v8, $-2.000000000e+01;
	s16 =	sadd.s32 $0x20, s16;
	s21 =	smov.u32 s22;
	s20 =	sadd.s32 $0x1, s22  }
0x138: {  	p0 =	sne.s32 s22, $0x1F;
	s22 =	sand.u32 $0x50, s23;
	s24 =	sand.u32 $0x380, s16;
	[tilespmem:s18+$0x0] =	vst v7;
	v7 =	vmax.f32 v7, $-2.000000000e+01;
	v8 =	vmin.f32 v8, $2.000000000e+01  }
0x139: {  	s18 =	sor.u32 s22, s24;
	v9 =	vld [tilespmem:s23+$0x1800];
	v7 =	vmin.f32 v7, $2.000000000e+01;
	[tilespmem:s17+$0x4020] =	vst v8  }
0x13a: {  	v8 =	vld [tilespmem:s23+$0x1820];
	[tilespmem:s17+$0x4000] =	vst v7;
	s17 =	smov.u32 s23  }
0x13b: {  	v7 =	vld [tilespmem:s18+$0x0]  }
0x13c: {  	v10 =	vld [tilespmem:s18+$0x20];
	_ =	sdelay $0x1  }
0x13d: {  	v11 =	vand.u32 $0x80000000, v9;
	vm4 =	vlt.f32 v9, $0.0e+00;
	vm5 =	vgt.f32 v9, $0.0e+00  }
0x13e: {  	v12 =	vand.u32 $0x7FFFFFFF, v9;
	v11 =	vor.u32 v11, v1;
	vm4 =	vmor vm5, vm4  }
0x13f: {  	v13 =	vand.u32 $0x80000000, v7;
	vm5 =	vlt.f32 v7, $0.0e+00;
	vm6 =	vgt.f32 v7, $0.0e+00  }
0x140: {  	v8 =	vadd.f32 v8, v10;
	v13 =	vor.u32 v13, v1;
	vm5 =	vmor vm6, vm5  }
0x141: {  	v14 =	vand.u32 $0x7FFFFFFF, v7;
	v9 =	vsel vm4, v11, v9;
	v7 =	vsel vm5, v13, v7  }
0x142: {  	v11 =	vand.u32 $0x80000000, v8;
	vm4 =	vlt.f32 v8, $0.0e+00;
	vm5 =	vgt.f32 v8, $0.0e+00  }
0x143: {  	v9 =	vmul.f32 v9, v7;
	v11 =	vor.u32 v11, v1;
	vm4 =	vmor vm5, vm4  }
0x144: {  	v13 =	vand.u32 $0x7FFFFFFF, v8;
	v8 =	vsel vm4, v11, v8;
	v11 =	vmin.f32 v14, v12  }
0x145: {  	v7 =	vmul.f32 v8, v7;
	v8 =	vmul.f32 v9, v11  }
.Ltmp5:
0x146: {  	v9 =	vmin.f32 v14, v13;
	(pc) =	sbr.rel @p0 .LBB2_13-.Ltmp5, $4  }
0x147: {  	v7 =	vmul.f32 v7, v9;
	v8 =	vmul.f32 v8, v5  }
0x148: {  	s19 =	sadd.s32 $0x2, s19  }
0x149: {  	s21 =	sand.u32 $0x1, s21;
	s22 =	sand.u32 $0x3C, s19;
	v7 =	vmul.f32 v7, v6;
	v8 =	vadd.f32 v8, v10  }
0x14a: {  	s21 =	sor.u32 s21, s22;
	s22 =	smov.u32 s20  }
0x14b: {  	[tilespmem:s18+$0x20] =	vst v8;
	v8 =	vmax.f32 v8, $-2.000000000e+01  }
0x14c: {  	s19 =	sshll.u32 s21, $0x4;
	[tilespmem:s18+$0x0] =	vst v7;
	s16 =	sadd.s32 $0x20, s16;
	v7 =	vmax.f32 v7, $-2.000000000e+01;
	v8 =	vmin.f32 v8, $2.000000000e+01  }
0x14d: {  	v9 =	vld [tilespmem:s19+$0x1800];
	s31 =	sand.u32 $0x50, s19;
	s16 =	sand.u32 $0x380, s16;
	v7 =	vmin.f32 v7, $2.000000000e+01;
	[tilespmem:s17+$0x4020] =	vst v8  }
0x14e: {  	s16 =	sor.u32 s31, s16;
	v8 =	vld [tilespmem:s19+$0x1820];
	[tilespmem:s17+$0x4000] =	vst v7  }
0x14f: {  	v7 =	vld [tilespmem:s16+$0x0]  }
0x150: {  	v10 =	vld [tilespmem:s16+$0x20];
	_ =	sdelay $0x1  }
0x151: {  	v11 =	vand.u32 $0x80000000, v9  }
0x152: {  	vm4 =	vlt.f32 v9, $0.0e+00;
	vm5 =	vgt.f32 v9, $0.0e+00;
	v12 =	vand.u32 $0x7FFFFFFF, v9  }
0x153: {  	v11 =	vor.u32 v11, v1;
	vm4 =	vmor vm5, vm4;
	v13 =	vand.u32 $0x80000000, v7  }
0x154: {  	vm5 =	vlt.f32 v7, $0.0e+00;
	vm6 =	vgt.f32 v7, $0.0e+00;
	v8 =	vadd.f32 v8, v10  }
0x155: {  	v9 =	vsel vm4, v11, v9;
	v13 =	vor.u32 v13, v1;
	vm5 =	vmor vm6, vm5  }
0x156: {  	v14 =	vand.u32 $0x7FFFFFFF, v7;
	v7 =	vsel vm5, v13, v7;
	v11 =	vand.u32 $0x80000000, v8  }
0x157: {  	vm4 =	vlt.f32 v8, $0.0e+00;
	vm5 =	vgt.f32 v8, $0.0e+00;
	v9 =	vmul.f32 v9, v7  }
0x158: {  	v12 =	vmin.f32 v14, v12;
	v11 =	vor.u32 v11, v1;
	vm4 =	vmor vm5, vm4  }
0x159: {  	v11 =	vsel vm4, v11, v8;
	v9 =	vmul.f32 v9, v12  }
0x15a: {  	v8 =	vand.u32 $0x7FFFFFFF, v8;
	v7 =	vmul.f32 v11, v7  }
0x15b: {  	v8 =	vmin.f32 v14, v8;
	v5 =	vmul.f32 v9, v5  }
0x15c: {  	v7 =	vmul.f32 v7, v8  }
0x15d: {  	v5 =	vadd.f32 v5, v10  }
0x15e: {  	v6 =	vmul.f32 v7, v6  }
0x15f: {  	[tilespmem:s16+$0x20] =	vst v5;
	v5 =	vmax.f32 v5, $-2.000000000e+01  }
0x160: {  	[tilespmem:s16+$0x0] =	vst v6;
	v6 =	vmax.f32 v6, $-2.000000000e+01;
	v5 =	vmin.f32 v5, $2.000000000e+01  }
0x161: {  	v6 =	vmin.f32 v6, $2.000000000e+01;
	[tilespmem:s19+$0x4020] =	vst v5  }
0x162: {  	s16 =	simm.s32 $0x0;
	[tilespmem:s19+$0x4000] =	vst v6  }
0x163: {  	v5 =	vld [tilespmem:s16+$0x1400]  }
0x164: {  	v6 =	vld [tilespmem:s16+$0x1410]  }
0x165: {  	v7 =	vld [tilespmem:s16+$0x10]  }
0x166: {  	v11 =	vld [tilespmem:s16+$0x0];
	_ =	sdelay $0x1  }
0x167: {  	v8 =	vand.u32 $0x80000000, v5;
	vm4 =	vlt.f32 v5, $0.0e+00;
	vm5 =	vgt.f32 v5, $0.0e+00  }
0x168: {  	v9 =	vor.u32 v8, v1;
	vm4 =	vmor vm5, vm4  }
0x169: {  	v8 =	vand.u32 $0x7FFFFFFF, v5;
	v10 =	vsel vm4, v9, v5;
	v9 =	vadd.f32 v6, v7  }
0x16a: {  	vm5 =	vgt.f32 v11, $0.0e+00;
	v6 =	vand.u32 $0x80000000, v11;
	vm4 =	vlt.f32 v11, $0.0e+00  }
0x16b: {  	v5 =	vld [tilespmem:$0x5840];
	v12 =	vor.u32 v6, v1;
	vm4 =	vmor vm5, vm4;
	v13 =	vand.u32 $0x80000000, v9  }
0x16c: {  	s18 =	simm.s32 $0x100;
	s17 =	simm.s32 $0x20;
	v6 =	vld [tilespmem:$0x58E0];
	v12 =	vsel vm4, v12, v11;
	vm4 =	vlt.f32 v9, $0.0e+00;
	v13 =	vor.u32 v13, v1  }
.LBB2_15:
0x16d: {  	p0 =	sne.s32 s18, $0xF80;
	v14 =	vld [tilespmem:s17+$0x1410];
	v11 =	vand.u32 $0x7FFFFFFF, v11;
	vm5 =	vgt.f32 v9, $0.0e+00;
	v10 =	vmul.f32 v10, v12;
	s19 =	smov.u32 s18;
	s18 =	sadd.s32 $0x80, s18  }
0x16e: {  	v16 =	vand.u32 $0x7FFFFFFF, v9;
	v15 =	vld [tilespmem:s17+$0x1400];
	vm4 =	vmor vm5, vm4;
	v8 =	vmin.f32 v11, v8  }
0x16f: {  	v11 =	vmin.f32 v11, v16;
	v9 =	vsel vm4, v13, v9;
	v8 =	vmul.f32 v10, v8  }
0x170: {  	v9 =	vmul.f32 v9, v12  }
0x171: {  	v8 =	vmul.f32 v8, v6  }
0x172: {  	v9 =	vmul.f32 v9, v11  }
0x173: {  	v10 =	vand.u32 $0x80000000, v15;
	vm4 =	vlt.f32 v15, $0.0e+00;
	v7 =	vadd.f32 v8, v7  }
0x174: {  	vm5 =	vgt.f32 v15, $0.0e+00;
	v10 =	vor.u32 v10, v1;
	v9 =	vmul.f32 v9, v5  }
0x175: {  	v8 =	vand.u32 $0x7FFFFFFF, v15;
	vm4 =	vmor vm5, vm4;
	[tilespmem:s16+$0x10] =	vst v7;
	v11 =	vmax.f32 v7, $-2.000000000e+01  }
0x176: {  	v10 =	vsel vm4, v10, v15;
	v7 =	vld [tilespmem:s17+$0x10];
	[tilespmem:s16+$0x0] =	vst v9;
	v9 =	vmax.f32 v9, $-2.000000000e+01;
	v12 =	vmin.f32 v11, $2.000000000e+01  }
0x177: {  	v11 =	vld [tilespmem:s17+$0x0];
	v9 =	vmin.f32 v9, $2.000000000e+01;
	[tilespmem:s16+$0x3C10] =	vst v12  }
0x178: {  	[tilespmem:s16+$0x3C00] =	vst v9;
	s16 =	smov.u32 s17;
	_ =	sdelay $0x1  }
.Ltmp6:
0x179: {  	(pc) =	sbr.rel @p0 .LBB2_15-.Ltmp6, $4  }
0x17a: {  	v9 =	vadd.f32 v14, v7  }
0x17b: {  	v12 =	vand.u32 $0x80000000, v11;
	vm4 =	vlt.f32 v11, $0.0e+00;
	vm5 =	vgt.f32 v11, $0.0e+00  }
0x17c: {  	v12 =	vor.u32 v12, v1;
	vm4 =	vmor vm5, vm4;
	v13 =	vand.u32 $0x80000000, v9  }
0x17d: {  	s17 =	sshra.s32 s19, $0x2;
	v12 =	vsel vm4, v12, v11;
	v13 =	vor.u32 v13, v1;
	vm4 =	vlt.f32 v9, $0.0e+00  }
0x17e: {  	v11 =	vand.u32 $0x7FFFFFFF, v11;
	v10 =	vmul.f32 v10, v12;
	vm5 =	vgt.f32 v9, $0.0e+00  }
0x17f: {  	v8 =	vmin.f32 v11, v8;
	vm4 =	vmor vm5, vm4  }
0x180: {  	v8 =	vmul.f32 v10, v8;
	v10 =	vsel vm4, v13, v9  }
0x181: {  	v9 =	vand.u32 $0x7FFFFFFF, v9;
	v10 =	vmul.f32 v10, v12  }
0x182: {  	v9 =	vmin.f32 v11, v9;
	v8 =	vmul.f32 v8, v6  }
0x183: {  	v9 =	vmul.f32 v10, v9  }
0x184: {  	v7 =	vadd.f32 v8, v7  }
0x185: {  	v8 =	vld [tilespmem:s17+$0x1400];
	v9 =	vmul.f32 v9, v5  }
0x186: {  	v11 =	vld [tilespmem:s17+$0x1410];
	[tilespmem:s16+$0x10] =	vst v7  }
0x187: {  	v10 =	vld [tilespmem:s17+$0x10];
	[tilespmem:s16+$0x0] =	vst v9  }
0x188: {  	v56 =	vld [tilespmem:s17+$0x0];
	_ =	sdelay $0x1  }
0x189: {  	v57 =	vand.u32 $0x80000000, v8  }
0x18a: {  	vm4 =	vlt.f32 v8, $0.0e+00;
	vm5 =	vgt.f32 v8, $0.0e+00;
	v14 =	vand.u32 $0x7FFFFFFF, v8  }
0x18b: {  	v13 =	vor.u32 v57, v1;
	vm4 =	vmor vm5, vm4;
	v11 =	vadd.f32 v11, v10  }
0x18c: {  	v15 =	vand.u32 $0x80000000, v56;
	vm5 =	vlt.f32 v56, $0.0e+00;
	vm6 =	vgt.f32 v56, $0.0e+00  }
0x18d: {  	v8 =	vsel vm4, v13, v8;
	v58 =	vor.u32 v15, v1;
	vm4 =	vmor vm6, vm5  }
0x18e: {  	v12 =	vand.u32 $0x7FFFFFFF, v56;
	v59 =	vand.u32 $0x80000000, v11;
	v13 =	vsel vm4, v58, v56  }
0x18f: {  	vm5 =	vgt.f32 v11, $0.0e+00;
	vm4 =	vlt.f32 v11, $0.0e+00;
	v8 =	vmul.f32 v8, v13  }
0x190: {  	v14 =	vmin.f32 v12, v14;
	v15 =	vor.u32 v59, v1;
	vm4 =	vmor vm5, vm4  }
0x191: {  	v15 =	vsel vm4, v15, v11;
	v8 =	vmul.f32 v8, v14  }
0x192: {  	v11 =	vand.u32 $0x7FFFFFFF, v11;
	v13 =	vmul.f32 v15, v13  }
0x193: {  	v7 =	vmax.f32 v7, $-2.000000000e+01;
	v11 =	vmin.f32 v12, v11;
	v6 =	vmul.f32 v8, v6  }
0x194: {  	v7 =	vmin.f32 v7, $2.000000000e+01;
	v8 =	vmax.f32 v9, $-2.000000000e+01;
	v9 =	vmul.f32 v13, v11  }
0x195: {  	[tilespmem:s16+$0x3C10] =	vst v7;
	v8 =	vmin.f32 v8, $2.000000000e+01;
	v6 =	vadd.f32 v6, v10  }
0x196: {  	[tilespmem:s16+$0x3C00] =	vst v8;
	v5 =	vmul.f32 v9, v5  }
0x197: {  	[tilespmem:s17+$0x10] =	vst v6;
	v6 =	vmax.f32 v6, $-2.000000000e+01  }
0x198: {  	[tilespmem:s17+$0x0] =	vst v5;
	v5 =	vmax.f32 v5, $-2.000000000e+01;
	v6 =	vmin.f32 v6, $2.000000000e+01  }
0x199: {  	v5 =	vmin.f32 v5, $2.000000000e+01;
	[tilespmem:s17+$0x3C10] =	vst v6  }
0x19a: {  	s16 =	simm.s32 $0x0;
	[tilespmem:s17+$0x3C00] =	vst v5  }
0x19b: {  	v5 =	vld [tilespmem:s16+$0x1000]  }
0x19c: {  	v7 =	vld [tilespmem:s16+$0x0];
	_ =	sdelay $0x3  }
0x19d: {  	v5 =	vperm.xlane v5, v0  }
0x19e: {  	v9 =	vperm.xlane v7, v0  }
0x19f: {  	v10 =	vand.u32 $0x80000000, v7;
	v6 =	vand.u32 $0x80000000, v5;
	vm4 =	vlt.f32 v5, $0.0e+00  }
0x1a0: {  	vm5 =	vgt.f32 v5, $0.0e+00;
	v8 =	vand.u32 $0x7FFFFFFF, v5;
	v60 =	vadd.f32 v5, v9  }
0x1a1: {  	vm14 =	vgt.f32 v9, $0.0e+00;
	v6 =	vor.u32 v6, v1;
	vm4 =	vmor vm5, vm4  }
0x1a2: {  	vm5 =	vgt.f32 v7, $0.0e+00;
	v6 =	vsel vm4, v6, v5;
	vm4 =	vlt.f32 v7, $0.0e+00  }
0x1a3: {  	v5 =	vand.u32 $0x80000000, v9;
	vm4 =	vmor vm5, vm4;
	vm5 =	vlt.f32 v9, $0.0e+00  }
0x1a4: {  	v10 =	vor.u32 v10, v1;
	v63 =	vor.u32 v5, v1;
	vm5 =	vmor vm14, vm5  }
0x1a5: {  	v61 =	vand.u32 $0x7FFFFFFF, v9;
	v62 =	vand.u32 $0x80000000, v60;
	v5 =	vld [tilespmem:$0x58D0];
	v9 =	vsel vm5, v63, v9  }
0x1a6: {  	vm15 =	vlt.f32 v60, $0.0e+00;
	vm7 =	vgt.f32 v60, $0.0e+00;
	v9 =	vmul.f32 v6, v9  }
0x1a7: {  	v8 =	vmin.f32 v61, v8;
	v14 =	vor.u32 v62, v1;
	vm5 =	vmor vm7, vm15  }
0x1a8: {  	v10 =	vsel vm4, v10, v7;
	v6 =	vld [tilespmem:$0x5830];
	v14 =	vsel vm5, v14, v60;
	v8 =	vmul.f32 v9, v8  }
0x1a9: {  	v11 =	vand.u32 $0x7FFFFFFF, v7;
	v12 =	vand.u32 $0x7FFFFFFF, v60;
	v10 =	vmul.f32 v14, v10  }
0x1aa: {  	v9 =	vmin.f32 v11, v12;
	v8 =	vmul.f32 v8, v5  }
0x1ab: {  	s17 =	simm.s32 $0x10;
	v9 =	vmul.f32 v10, v9  }
0x1ac: {  	v7 =	vadd.f32 v8, v7;
	v8 =	vld [tilespmem:s17+$0x1000]  }
0x1ad: {  	v9 =	vmul.f32 v9, v6;
	_ =	sdelay $0x1  }
0x1ae: {  	s18 =	simm.s32 $0x80;
	v7 =	vsel vm2, v9, v7  }
.LBB2_17:
0x1af: {  	p0 =	sne.s32 s18, $0xFC0;
	[tilespmem:s16+$0x0] =	vst v7;
	v7 =	vmax.f32 v7, $-2.000000000e+01  }
0x1b0: {  	v9 =	vld [tilespmem:s17+$0x0];
	v8 =	vperm.xlane v8, v0;
	v7 =	vmin.f32 v7, $2.000000000e+01  }
0x1b1: {  	[tilespmem:s16+$0x3800] =	vst v7;
	s16 =	smov.u32 s17  }
0x1b2: {  	v7 =	vand.u32 $0x80000000, v8;
	vm4 =	vlt.f32 v8, $0.0e+00;
	vm5 =	vgt.f32 v8, $0.0e+00  }
0x1b3: {  	v7 =	vor.u32 v7, v1;
	vm4 =	vmor vm5, vm4  }
0x1b4: {  	v10 =	vand.u32 $0x7FFFFFFF, v8;
	v7 =	vsel vm4, v7, v8  }
0x1b5: {  	v11 =	vperm.xlane v9, v0;
	v12 =	vand.u32 $0x80000000, v9;
	v13 =	vand.u32 $0x7FFFFFFF, v9  }
0x1b6: {  	vm4 =	vlt.f32 v9, $0.0e+00;
	vm5 =	vgt.f32 v9, $0.0e+00;
	v12 =	vor.u32 v12, v1  }
0x1b7: {  	vm4 =	vmor vm5, vm4;
	v8 =	vadd.f32 v8, v11;
	v14 =	vand.u32 $0x7FFFFFFF, v11  }
0x1b8: {  	v15 =	vand.u32 $0x80000000, v11;
	vm5 =	vlt.f32 v11, $0.0e+00;
	vm6 =	vgt.f32 v11, $0.0e+00  }
0x1b9: {  	v15 =	vor.u32 v15, v1;
	vm5 =	vmor vm6, vm5;
	v16 =	vand.u32 $0x80000000, v8  }
0x1ba: {  	vm6 =	vlt.f32 v8, $0.0e+00;
	vm7 =	vgt.f32 v8, $0.0e+00;
	v11 =	vsel vm5, v15, v11  }
0x1bb: {  	v15 =	vor.u32 v16, v1;
	vm5 =	vmor vm7, vm6;
	v7 =	vmul.f32 v7, v11  }
0x1bc: {  	v10 =	vmin.f32 v14, v10;
	v11 =	vsel vm4, v12, v9;
	v12 =	vsel vm5, v15, v8  }
0x1bd: {  	v8 =	vand.u32 $0x7FFFFFFF, v8;
	v11 =	vmul.f32 v12, v11;
	v7 =	vmul.f32 v7, v10  }
0x1be: {  	v8 =	vmin.f32 v13, v8  }
.Ltmp7:
0x1bf: {  	s17 =	sshra.s32 s18, $0x2;
	v10 =	vmul.f32 v11, v8;
	v7 =	vmul.f32 v7, v5;
	(pc) =	sbr.rel @p0 .LBB2_17-.Ltmp7, $3  }
0x1c0: {  	v8 =	vld [tilespmem:s17+$0x1000]  }
0x1c1: {  	v10 =	vmul.f32 v10, v6;
	v7 =	vadd.f32 v7, v9;
	_ =	sdelay $0x1  }
0x1c2: {  	s18 =	sadd.s32 $0x40, s18;
	v7 =	vsel vm2, v10, v7  }
0x1c3: {  	[tilespmem:s16+$0x0] =	vst v7  }
0x1c4: {  	v9 =	vld [tilespmem:s17+$0x0];
	v8 =	vperm.xlane v8, v0;
	_ =	sdelay $0x1  }
0x1c5: {  	v10 =	vand.u32 $0x80000000, v8;
	vm4 =	vlt.f32 v8, $0.0e+00;
	vm5 =	vgt.f32 v8, $0.0e+00  }
0x1c6: {  	v10 =	vor.u32 v10, v1;
	vm4 =	vmor vm5, vm4  }
0x1c7: {  	v11 =	vand.u32 $0x7FFFFFFF, v8;
	v10 =	vsel vm4, v10, v8  }
0x1c8: {  	v12 =	vperm.xlane v9, v0;
	v13 =	vand.u32 $0x80000000, v9;
	v14 =	vand.u32 $0x7FFFFFFF, v9  }
0x1c9: {  	vm4 =	vlt.f32 v9, $0.0e+00;
	vm5 =	vgt.f32 v9, $0.0e+00;
	v13 =	vor.u32 v13, v1  }
0x1ca: {  	v15 =	vand.u32 $0x80000000, v12;
	vm6 =	vlt.f32 v12, $0.0e+00;
	vm7 =	vgt.f32 v12, $0.0e+00  }
0x1cb: {  	v8 =	vadd.f32 v8, v12;
	v15 =	vor.u32 v15, v1;
	vm6 =	vmor vm7, vm6  }
0x1cc: {  	vm4 =	vmor vm5, vm4;
	v16 =	vand.u32 $0x7FFFFFFF, v12;
	v12 =	vsel vm6, v15, v12  }
0x1cd: {  	v57 =	vand.u32 $0x80000000, v8;
	vm5 =	vlt.f32 v8, $0.0e+00;
	vm12 =	vgt.f32 v8, $0.0e+00  }
0x1ce: {  	v15 =	vor.u32 v57, v1;
	vm5 =	vmor vm12, vm5;
	v10 =	vmul.f32 v10, v12  }
0x1cf: {  	v58 =	vsel vm4, v13, v9;
	v11 =	vmin.f32 v16, v11;
	v59 =	vsel vm5, v15, v8  }
0x1d0: {  	v8 =	vand.u32 $0x7FFFFFFF, v8;
	v12 =	vmul.f32 v59, v58;
	v10 =	vmul.f32 v10, v11  }
0x1d1: {  	v8 =	vmin.f32 v14, v8  }
0x1d2: {  	v8 =	vmul.f32 v12, v8;
	v5 =	vmul.f32 v10, v5;
	_ =	sdelay $0x1  }
0x1d3: {  	v6 =	vmul.f32 v8, v6;
	v5 =	vadd.f32 v5, v9  }
0x1d4: {  	v7 =	vmax.f32 v7, $-2.000000000e+01  }
0x1d5: {  	v7 =	vmin.f32 v7, $2.000000000e+01;
	v5 =	vsel vm2, v6, v5  }
0x1d6: {  	[tilespmem:s16+$0x3800] =	vst v7;
	v6 =	vmax.f32 v5, $-2.000000000e+01  }
0x1d7: {  	[tilespmem:s17+$0x0] =	vst v5;
	v5 =	vmin.f32 v6, $2.000000000e+01  }
0x1d8: {  	s16 =	simm.s32 $0x0;
	[tilespmem:s17+$0x3800] =	vst v5  }
0x1d9: {  	v5 =	vld [tilespmem:s16+$0xC00]  }
0x1da: {  	v7 =	vld [tilespmem:s16+$0x0];
	_ =	sdelay $0x3  }
0x1db: {  	v5 =	vperm.xlane v5, v2  }
0x1dc: {  	v9 =	vperm.xlane v7, v2  }
0x1dd: {  	v10 =	vand.u32 $0x80000000, v7;
	v6 =	vand.u32 $0x80000000, v5;
	vm4 =	vlt.f32 v5, $0.0e+00  }
0x1de: {  	vm5 =	vgt.f32 v5, $0.0e+00;
	v8 =	vand.u32 $0x7FFFFFFF, v5;
	v60 =	vadd.f32 v5, v9  }
0x1df: {  	vm13 =	vgt.f32 v9, $0.0e+00;
	v6 =	vor.u32 v6, v1;
	vm4 =	vmor vm5, vm4  }
0x1e0: {  	vm5 =	vgt.f32 v7, $0.0e+00;
	v6 =	vsel vm4, v6, v5;
	vm4 =	vlt.f32 v7, $0.0e+00  }
0x1e1: {  	v5 =	vand.u32 $0x80000000, v9;
	vm4 =	vmor vm5, vm4;
	vm5 =	vlt.f32 v9, $0.0e+00  }
0x1e2: {  	v10 =	vor.u32 v10, v1;
	v63 =	vor.u32 v5, v1;
	vm5 =	vmor vm13, vm5  }
0x1e3: {  	v61 =	vand.u32 $0x7FFFFFFF, v9;
	v62 =	vand.u32 $0x80000000, v60;
	v5 =	vld [tilespmem:$0x58C0];
	v9 =	vsel vm5, v63, v9  }
0x1e4: {  	vm14 =	vlt.f32 v60, $0.0e+00;
	vm15 =	vgt.f32 v60, $0.0e+00;
	v9 =	vmul.f32 v6, v9  }
0x1e5: {  	v8 =	vmin.f32 v61, v8;
	v14 =	vor.u32 v62, v1;
	vm5 =	vmor vm15, vm14  }
0x1e6: {  	v10 =	vsel vm4, v10, v7;
	v6 =	vld [tilespmem:$0x5820];
	v14 =	vsel vm5, v14, v60;
	v8 =	vmul.f32 v9, v8  }
0x1e7: {  	v11 =	vand.u32 $0x7FFFFFFF, v7;
	v12 =	vand.u32 $0x7FFFFFFF, v60;
	v10 =	vmul.f32 v14, v10  }
0x1e8: {  	v9 =	vmin.f32 v11, v12;
	v8 =	vmul.f32 v8, v5  }
0x1e9: {  	s17 =	simm.s32 $0x10;
	v9 =	vmul.f32 v10, v9  }
0x1ea: {  	v7 =	vadd.f32 v8, v7;
	v8 =	vld [tilespmem:s17+$0xC00]  }
0x1eb: {  	v9 =	vmul.f32 v9, v6;
	_ =	sdelay $0x1  }
0x1ec: {  	s18 =	simm.s32 $0x80;
	v7 =	vsel vm0, v9, v7  }
.LBB2_19:
0x1ed: {  	p0 =	sne.s32 s18, $0xFC0;
	[tilespmem:s16+$0x0] =	vst v7;
	v7 =	vmax.f32 v7, $-2.000000000e+01  }
0x1ee: {  	v9 =	vld [tilespmem:s17+$0x0];
	v8 =	vperm.xlane v8, v2;
	v7 =	vmin.f32 v7, $2.000000000e+01  }
0x1ef: {  	[tilespmem:s16+$0x3400] =	vst v7;
	s16 =	smov.u32 s17  }
0x1f0: {  	v7 =	vand.u32 $0x80000000, v8;
	vm4 =	vlt.f32 v8, $0.0e+00;
	vm5 =	vgt.f32 v8, $0.0e+00  }
0x1f1: {  	v7 =	vor.u32 v7, v1;
	vm4 =	vmor vm5, vm4  }
0x1f2: {  	v10 =	vand.u32 $0x7FFFFFFF, v8;
	v7 =	vsel vm4, v7, v8  }
0x1f3: {  	v11 =	vperm.xlane v9, v2;
	v12 =	vand.u32 $0x80000000, v9;
	v13 =	vand.u32 $0x7FFFFFFF, v9  }
0x1f4: {  	vm4 =	vlt.f32 v9, $0.0e+00;
	vm5 =	vgt.f32 v9, $0.0e+00;
	v12 =	vor.u32 v12, v1  }
0x1f5: {  	vm4 =	vmor vm5, vm4;
	v8 =	vadd.f32 v8, v11;
	v14 =	vand.u32 $0x7FFFFFFF, v11  }
0x1f6: {  	v15 =	vand.u32 $0x80000000, v11;
	vm5 =	vlt.f32 v11, $0.0e+00;
	vm6 =	vgt.f32 v11, $0.0e+00  }
0x1f7: {  	v15 =	vor.u32 v15, v1;
	vm5 =	vmor vm6, vm5;
	v16 =	vand.u32 $0x80000000, v8  }
0x1f8: {  	vm6 =	vlt.f32 v8, $0.0e+00;
	vm7 =	vgt.f32 v8, $0.0e+00;
	v11 =	vsel vm5, v15, v11  }
0x1f9: {  	v15 =	vor.u32 v16, v1;
	vm5 =	vmor vm7, vm6;
	v7 =	vmul.f32 v7, v11  }
0x1fa: {  	v10 =	vmin.f32 v14, v10;
	v11 =	vsel vm4, v12, v9;
	v12 =	vsel vm5, v15, v8  }
0x1fb: {  	v8 =	vand.u32 $0x7FFFFFFF, v8;
	v11 =	vmul.f32 v12, v11;
	v7 =	vmul.f32 v7, v10  }
0x1fc: {  	v8 =	vmin.f32 v13, v8  }
.Ltmp8:
0x1fd: {  	s17 =	sshra.s32 s18, $0x2;
	v10 =	vmul.f32 v11, v8;
	v7 =	vmul.f32 v7, v5;
	(pc) =	sbr.rel @p0 .LBB2_19-.Ltmp8, $3  }
0x1fe: {  	v8 =	vld [tilespmem:s17+$0xC00]  }
0x1ff: {  	v10 =	vmul.f32 v10, v6;
	v7 =	vadd.f32 v7, v9;
	_ =	sdelay $0x1  }
0x200: {  	s18 =	sadd.s32 $0x40, s18;
	v7 =	vsel vm0, v10, v7  }
0x201: {  	[tilespmem:s16+$0x0] =	vst v7  }
0x202: {  	v9 =	vld [tilespmem:s17+$0x0];
	v8 =	vperm.xlane v8, v2;
	_ =	sdelay $0x1  }
0x203: {  	v10 =	vand.u32 $0x80000000, v8;
	vm4 =	vlt.f32 v8, $0.0e+00;
	vm5 =	vgt.f32 v8, $0.0e+00  }
0x204: {  	v10 =	vor.u32 v10, v1;
	vm4 =	vmor vm5, vm4  }
0x205: {  	v11 =	vand.u32 $0x7FFFFFFF, v8;
	v10 =	vsel vm4, v10, v8  }
0x206: {  	v12 =	vperm.xlane v9, v2;
	v13 =	vand.u32 $0x80000000, v9;
	v14 =	vand.u32 $0x7FFFFFFF, v9  }
0x207: {  	vm4 =	vlt.f32 v9, $0.0e+00;
	vm5 =	vgt.f32 v9, $0.0e+00;
	v13 =	vor.u32 v13, v1  }
0x208: {  	v15 =	vand.u32 $0x80000000, v12;
	vm6 =	vlt.f32 v12, $0.0e+00;
	vm7 =	vgt.f32 v12, $0.0e+00  }
0x209: {  	v8 =	vadd.f32 v8, v12;
	v15 =	vor.u32 v15, v1;
	vm6 =	vmor vm7, vm6  }
0x20a: {  	vm4 =	vmor vm5, vm4;
	v16 =	vand.u32 $0x7FFFFFFF, v12;
	v12 =	vsel vm6, v15, v12  }
0x20b: {  	v57 =	vand.u32 $0x80000000, v8;
	vm5 =	vlt.f32 v8, $0.0e+00;
	vm12 =	vgt.f32 v8, $0.0e+00  }
0x20c: {  	v15 =	vor.u32 v57, v1;
	vm5 =	vmor vm12, vm5;
	v10 =	vmul.f32 v10, v12  }
0x20d: {  	v58 =	vsel vm4, v13, v9;
	v11 =	vmin.f32 v16, v11;
	v59 =	vsel vm5, v15, v8  }
0x20e: {  	v8 =	vand.u32 $0x7FFFFFFF, v8;
	v12 =	vmul.f32 v59, v58;
	v10 =	vmul.f32 v10, v11  }
0x20f: {  	v8 =	vmin.f32 v14, v8  }
0x210: {  	v8 =	vmul.f32 v12, v8;
	v5 =	vmul.f32 v10, v5;
	_ =	sdelay $0x1  }
0x211: {  	v6 =	vmul.f32 v8, v6;
	v5 =	vadd.f32 v5, v9  }
0x212: {  	v7 =	vmax.f32 v7, $-2.000000000e+01  }
0x213: {  	v7 =	vmin.f32 v7, $2.000000000e+01;
	v5 =	vsel vm0, v6, v5  }
0x214: {  	[tilespmem:s16+$0x3400] =	vst v7;
	v6 =	vmax.f32 v5, $-2.000000000e+01  }
0x215: {  	[tilespmem:s17+$0x0] =	vst v5;
	v5 =	vmin.f32 v6, $2.000000000e+01  }
0x216: {  	s16 =	simm.s32 $0x0;
	[tilespmem:s17+$0x3400] =	vst v5  }
0x217: {  	v5 =	vld [tilespmem:s16+$0x800]  }
0x218: {  	v7 =	vld [tilespmem:s16+$0x0];
	_ =	sdelay $0x3  }
0x219: {  	v5 =	vperm.xlane v5, v3  }
0x21a: {  	v9 =	vperm.xlane v7, v3  }
0x21b: {  	v10 =	vand.u32 $0x80000000, v7;
	v6 =	vand.u32 $0x80000000, v5;
	vm4 =	vlt.f32 v5, $0.0e+00  }
0x21c: {  	vm5 =	vgt.f32 v5, $0.0e+00;
	v8 =	vand.u32 $0x7FFFFFFF, v5;
	v60 =	vadd.f32 v5, v9  }
0x21d: {  	vm13 =	vgt.f32 v9, $0.0e+00;
	v6 =	vor.u32 v6, v1;
	vm4 =	vmor vm5, vm4  }
0x21e: {  	vm5 =	vgt.f32 v7, $0.0e+00;
	v6 =	vsel vm4, v6, v5;
	vm4 =	vlt.f32 v7, $0.0e+00  }
0x21f: {  	v5 =	vand.u32 $0x80000000, v9;
	vm4 =	vmor vm5, vm4;
	vm5 =	vlt.f32 v9, $0.0e+00  }
0x220: {  	v10 =	vor.u32 v10, v1;
	v63 =	vor.u32 v5, v1;
	vm5 =	vmor vm13, vm5  }
0x221: {  	v61 =	vand.u32 $0x7FFFFFFF, v9;
	v62 =	vand.u32 $0x80000000, v60;
	v5 =	vld [tilespmem:$0x58B0];
	v9 =	vsel vm5, v63, v9  }
0x222: {  	vm14 =	vlt.f32 v60, $0.0e+00;
	vm15 =	vgt.f32 v60, $0.0e+00;
	v9 =	vmul.f32 v6, v9  }
0x223: {  	v8 =	vmin.f32 v61, v8;
	v14 =	vor.u32 v62, v1;
	vm5 =	vmor vm15, vm14  }
0x224: {  	v10 =	vsel vm4, v10, v7;
	v6 =	vld [tilespmem:$0x5810];
	v14 =	vsel vm5, v14, v60;
	v8 =	vmul.f32 v9, v8  }
0x225: {  	v11 =	vand.u32 $0x7FFFFFFF, v7;
	v12 =	vand.u32 $0x7FFFFFFF, v60;
	v10 =	vmul.f32 v14, v10  }
0x226: {  	v9 =	vmin.f32 v11, v12;
	v8 =	vmul.f32 v8, v5  }
0x227: {  	s17 =	simm.s32 $0x10;
	v9 =	vmul.f32 v10, v9  }
0x228: {  	v7 =	vadd.f32 v8, v7;
	v8 =	vld [tilespmem:s17+$0x800]  }
0x229: {  	v9 =	vmul.f32 v9, v6;
	_ =	sdelay $0x1  }
0x22a: {  	s18 =	simm.s32 $0x80;
	v7 =	vsel vm1, v9, v7  }
.LBB2_21:
0x22b: {  	p0 =	sne.s32 s18, $0xFC0;
	[tilespmem:s16+$0x0] =	vst v7;
	v7 =	vmax.f32 v7, $-2.000000000e+01  }
0x22c: {  	v9 =	vld [tilespmem:s17+$0x0];
	v8 =	vperm.xlane v8, v3;
	v7 =	vmin.f32 v7, $2.000000000e+01  }
0x22d: {  	[tilespmem:s16+$0x3000] =	vst v7;
	s16 =	smov.u32 s17  }
0x22e: {  	v7 =	vand.u32 $0x80000000, v8;
	vm4 =	vlt.f32 v8, $0.0e+00;
	vm5 =	vgt.f32 v8, $0.0e+00  }
0x22f: {  	v7 =	vor.u32 v7, v1;
	vm4 =	vmor vm5, vm4  }
0x230: {  	v10 =	vand.u32 $0x7FFFFFFF, v8;
	v7 =	vsel vm4, v7, v8  }
0x231: {  	v11 =	vperm.xlane v9, v3;
	v12 =	vand.u32 $0x80000000, v9;
	v13 =	vand.u32 $0x7FFFFFFF, v9  }
0x232: {  	vm4 =	vlt.f32 v9, $0.0e+00;
	vm5 =	vgt.f32 v9, $0.0e+00;
	v12 =	vor.u32 v12, v1  }
0x233: {  	vm4 =	vmor vm5, vm4;
	v8 =	vadd.f32 v8, v11;
	v14 =	vand.u32 $0x7FFFFFFF, v11  }
0x234: {  	v15 =	vand.u32 $0x80000000, v11;
	vm5 =	vlt.f32 v11, $0.0e+00;
	vm6 =	vgt.f32 v11, $0.0e+00  }
0x235: {  	v15 =	vor.u32 v15, v1;
	vm5 =	vmor vm6, vm5;
	v16 =	vand.u32 $0x80000000, v8  }
0x236: {  	vm6 =	vlt.f32 v8, $0.0e+00;
	vm7 =	vgt.f32 v8, $0.0e+00;
	v11 =	vsel vm5, v15, v11  }
0x237: {  	v15 =	vor.u32 v16, v1;
	vm5 =	vmor vm7, vm6;
	v7 =	vmul.f32 v7, v11  }
0x238: {  	v10 =	vmin.f32 v14, v10;
	v11 =	vsel vm4, v12, v9;
	v12 =	vsel vm5, v15, v8  }
0x239: {  	v8 =	vand.u32 $0x7FFFFFFF, v8;
	v11 =	vmul.f32 v12, v11;
	v7 =	vmul.f32 v7, v10  }
0x23a: {  	v8 =	vmin.f32 v13, v8  }
.Ltmp9:
0x23b: {  	s17 =	sshra.s32 s18, $0x2;
	v10 =	vmul.f32 v11, v8;
	v7 =	vmul.f32 v7, v5;
	(pc) =	sbr.rel @p0 .LBB2_21-.Ltmp9, $3  }
0x23c: {  	v8 =	vld [tilespmem:s17+$0x800]  }
0x23d: {  	v10 =	vmul.f32 v10, v6;
	v7 =	vadd.f32 v7, v9;
	_ =	sdelay $0x1  }
0x23e: {  	s18 =	sadd.s32 $0x40, s18;
	v7 =	vsel vm1, v10, v7  }
0x23f: {  	[tilespmem:s16+$0x0] =	vst v7  }
0x240: {  	v9 =	vld [tilespmem:s17+$0x0];
	v8 =	vperm.xlane v8, v3;
	_ =	sdelay $0x1  }
0x241: {  	v10 =	vand.u32 $0x80000000, v8;
	vm4 =	vlt.f32 v8, $0.0e+00;
	vm5 =	vgt.f32 v8, $0.0e+00  }
0x242: {  	v10 =	vor.u32 v10, v1;
	vm4 =	vmor vm5, vm4  }
0x243: {  	v11 =	vand.u32 $0x7FFFFFFF, v8;
	v10 =	vsel vm4, v10, v8  }
0x244: {  	v12 =	vperm.xlane v9, v3;
	v13 =	vand.u32 $0x80000000, v9;
	v14 =	vand.u32 $0x7FFFFFFF, v9  }
0x245: {  	vm4 =	vlt.f32 v9, $0.0e+00;
	vm5 =	vgt.f32 v9, $0.0e+00;
	v13 =	vor.u32 v13, v1  }
0x246: {  	v15 =	vand.u32 $0x80000000, v12;
	vm6 =	vlt.f32 v12, $0.0e+00;
	vm7 =	vgt.f32 v12, $0.0e+00  }
0x247: {  	v8 =	vadd.f32 v8, v12;
	v15 =	vor.u32 v15, v1;
	vm6 =	vmor vm7, vm6  }
0x248: {  	vm4 =	vmor vm5, vm4;
	v16 =	vand.u32 $0x7FFFFFFF, v12;
	v12 =	vsel vm6, v15, v12  }
0x249: {  	v57 =	vand.u32 $0x80000000, v8;
	vm5 =	vlt.f32 v8, $0.0e+00;
	vm12 =	vgt.f32 v8, $0.0e+00  }
0x24a: {  	v15 =	vor.u32 v57, v1;
	vm5 =	vmor vm12, vm5;
	v10 =	vmul.f32 v10, v12  }
0x24b: {  	v58 =	vsel vm4, v13, v9;
	v11 =	vmin.f32 v16, v11;
	v59 =	vsel vm5, v15, v8  }
0x24c: {  	v8 =	vand.u32 $0x7FFFFFFF, v8;
	v12 =	vmul.f32 v59, v58;
	v10 =	vmul.f32 v10, v11  }
0x24d: {  	v8 =	vmin.f32 v14, v8  }
0x24e: {  	v8 =	vmul.f32 v12, v8;
	v5 =	vmul.f32 v10, v5;
	_ =	sdelay $0x1  }
0x24f: {  	v6 =	vmul.f32 v8, v6;
	v5 =	vadd.f32 v5, v9  }
0x250: {  	v7 =	vmax.f32 v7, $-2.000000000e+01  }
0x251: {  	v7 =	vmin.f32 v7, $2.000000000e+01;
	v5 =	vsel vm1, v6, v5  }
0x252: {  	[tilespmem:s16+$0x3000] =	vst v7;
	v6 =	vmax.f32 v5, $-2.000000000e+01  }
0x253: {  	[tilespmem:s17+$0x0] =	vst v5;
	v5 =	vmin.f32 v6, $2.000000000e+01  }
0x254: {  	s16 =	simm.s32 $0x0;
	[tilespmem:s17+$0x3000] =	vst v5  }
0x255: {  	v5 =	vld [tilespmem:s16+$0x400]  }
0x256: {  	v7 =	vld [tilespmem:s16+$0x0];
	_ =	sdelay $0x3  }
0x257: {  	v5 =	vperm.xlane v5, v4  }
0x258: {  	v9 =	vperm.xlane v7, v4  }
0x259: {  	v10 =	vand.u32 $0x80000000, v7;
	v6 =	vand.u32 $0x80000000, v5;
	vm4 =	vlt.f32 v5, $0.0e+00  }
0x25a: {  	vm5 =	vgt.f32 v5, $0.0e+00;
	v8 =	vand.u32 $0x7FFFFFFF, v5;
	v60 =	vadd.f32 v5, v9  }
0x25b: {  	vm13 =	vgt.f32 v9, $0.0e+00;
	v6 =	vor.u32 v6, v1;
	vm4 =	vmor vm5, vm4  }
0x25c: {  	vm5 =	vgt.f32 v7, $0.0e+00;
	v6 =	vsel vm4, v6, v5;
	vm4 =	vlt.f32 v7, $0.0e+00  }
0x25d: {  	v5 =	vand.u32 $0x80000000, v9;
	vm4 =	vmor vm5, vm4;
	vm5 =	vlt.f32 v9, $0.0e+00  }
0x25e: {  	v10 =	vor.u32 v10, v1;
	v63 =	vor.u32 v5, v1;
	vm5 =	vmor vm13, vm5  }
0x25f: {  	v61 =	vand.u32 $0x7FFFFFFF, v9;
	v62 =	vand.u32 $0x80000000, v60;
	v5 =	vld [tilespmem:$0x58A0];
	v9 =	vsel vm5, v63, v9  }
0x260: {  	vm14 =	vlt.f32 v60, $0.0e+00;
	vm15 =	vgt.f32 v60, $0.0e+00;
	v9 =	vmul.f32 v6, v9  }
0x261: {  	v8 =	vmin.f32 v61, v8;
	v14 =	vor.u32 v62, v1;
	vm5 =	vmor vm15, vm14  }
0x262: {  	v10 =	vsel vm4, v10, v7;
	v6 =	vld [tilespmem:$0x5800];
	v14 =	vsel vm5, v14, v60;
	v8 =	vmul.f32 v9, v8  }
0x263: {  	v11 =	vand.u32 $0x7FFFFFFF, v7;
	v12 =	vand.u32 $0x7FFFFFFF, v60;
	v10 =	vmul.f32 v14, v10  }
0x264: {  	v9 =	vmin.f32 v11, v12;
	v8 =	vmul.f32 v8, v5  }
0x265: {  	s17 =	simm.s32 $0x10;
	v9 =	vmul.f32 v10, v9  }
0x266: {  	v7 =	vadd.f32 v8, v7;
	v8 =	vld [tilespmem:s17+$0x400]  }
0x267: {  	v9 =	vmul.f32 v9, v6;
	_ =	sdelay $0x1  }
0x268: {  	s18 =	simm.s32 $0x80;
	v7 =	vsel vm3, v9, v7  }
.LBB2_23:
0x269: {  	p0 =	sne.s32 s18, $0xFC0;
	[tilespmem:s16+$0x0] =	vst v7;
	v7 =	vmax.f32 v7, $-2.000000000e+01  }
0x26a: {  	v9 =	vld [tilespmem:s17+$0x0];
	v8 =	vperm.xlane v8, v4;
	v7 =	vmin.f32 v7, $2.000000000e+01  }
0x26b: {  	[tilespmem:s16+$0x2C00] =	vst v7;
	s16 =	smov.u32 s17  }
0x26c: {  	v7 =	vand.u32 $0x80000000, v8;
	vm4 =	vlt.f32 v8, $0.0e+00;
	vm5 =	vgt.f32 v8, $0.0e+00  }
0x26d: {  	v7 =	vor.u32 v7, v1;
	vm4 =	vmor vm5, vm4  }
0x26e: {  	v10 =	vand.u32 $0x7FFFFFFF, v8;
	v7 =	vsel vm4, v7, v8  }
0x26f: {  	v11 =	vperm.xlane v9, v4;
	v12 =	vand.u32 $0x80000000, v9;
	v13 =	vand.u32 $0x7FFFFFFF, v9  }
0x270: {  	vm4 =	vlt.f32 v9, $0.0e+00;
	vm5 =	vgt.f32 v9, $0.0e+00;
	v12 =	vor.u32 v12, v1  }
0x271: {  	vm4 =	vmor vm5, vm4;
	v8 =	vadd.f32 v8, v11;
	v14 =	vand.u32 $0x7FFFFFFF, v11  }
0x272: {  	v15 =	vand.u32 $0x80000000, v11;
	vm5 =	vlt.f32 v11, $0.0e+00;
	vm6 =	vgt.f32 v11, $0.0e+00  }
0x273: {  	v15 =	vor.u32 v15, v1;
	vm5 =	vmor vm6, vm5;
	v16 =	vand.u32 $0x80000000, v8  }
0x274: {  	vm6 =	vlt.f32 v8, $0.0e+00;
	vm7 =	vgt.f32 v8, $0.0e+00;
	v11 =	vsel vm5, v15, v11  }
0x275: {  	v15 =	vor.u32 v16, v1;
	vm5 =	vmor vm7, vm6;
	v7 =	vmul.f32 v7, v11  }
0x276: {  	v10 =	vmin.f32 v14, v10;
	v11 =	vsel vm4, v12, v9;
	v12 =	vsel vm5, v15, v8  }
0x277: {  	v8 =	vand.u32 $0x7FFFFFFF, v8;
	v11 =	vmul.f32 v12, v11;
	v7 =	vmul.f32 v7, v10  }
0x278: {  	v8 =	vmin.f32 v13, v8  }
.Ltmp10:
0x279: {  	s17 =	sshra.s32 s18, $0x2;
	v10 =	vmul.f32 v11, v8;
	v7 =	vmul.f32 v7, v5;
	(pc) =	sbr.rel @p0 .LBB2_23-.Ltmp10, $3  }
0x27a: {  	v8 =	vld [tilespmem:s17+$0x400]  }
0x27b: {  	v10 =	vmul.f32 v10, v6;
	v7 =	vadd.f32 v7, v9;
	_ =	sdelay $0x1  }
0x27c: {  	s18 =	sadd.s32 $0x40, s18;
	v7 =	vsel vm3, v10, v7  }
0x27d: {  	[tilespmem:s16+$0x0] =	vst v7  }
0x27e: {  	v9 =	vld [tilespmem:s17+$0x0];
	v8 =	vperm.xlane v8, v4;
	_ =	sdelay $0x1  }
0x27f: {  	v10 =	vand.u32 $0x80000000, v8;
	vm4 =	vlt.f32 v8, $0.0e+00;
	vm5 =	vgt.f32 v8, $0.0e+00  }
0x280: {  	v10 =	vor.u32 v10, v1;
	vm4 =	vmor vm5, vm4  }
0x281: {  	v11 =	vand.u32 $0x7FFFFFFF, v8;
	v10 =	vsel vm4, v10, v8  }
0x282: {  	v12 =	vperm.xlane v9, v4;
	v13 =	vand.u32 $0x80000000, v9;
	v14 =	vand.u32 $0x7FFFFFFF, v9  }
0x283: {  	vm4 =	vlt.f32 v9, $0.0e+00;
	vm5 =	vgt.f32 v9, $0.0e+00;
	v13 =	vor.u32 v13, v1  }
0x284: {  	v15 =	vand.u32 $0x80000000, v12;
	vm6 =	vlt.f32 v12, $0.0e+00;
	vm7 =	vgt.f32 v12, $0.0e+00  }
0x285: {  	v8 =	vadd.f32 v8, v12;
	v15 =	vor.u32 v15, v1;
	vm6 =	vmor vm7, vm6  }
0x286: {  	vm4 =	vmor vm5, vm4;
	v16 =	vand.u32 $0x7FFFFFFF, v12;
	v12 =	vsel vm6, v15, v12  }
0x287: {  	v61 =	vand.u32 $0x80000000, v8;
	vm5 =	vlt.f32 v8, $0.0e+00;
	vm15 =	vgt.f32 v8, $0.0e+00  }
0x288: {  	v15 =	vor.u32 v61, v1;
	vm5 =	vmor vm15, vm5;
	v10 =	vmul.f32 v10, v12  }
0x289: {  	v62 =	vsel vm4, v13, v9;
	v11 =	vmin.f32 v16, v11;
	v63 =	vsel vm5, v15, v8  }
0x28a: {  	v8 =	vand.u32 $0x7FFFFFFF, v8;
	v12 =	vmul.f32 v63, v62;
	v10 =	vmul.f32 v10, v11  }
0x28b: {  	v8 =	vmin.f32 v14, v8  }
0x28c: {  	v8 =	vmul.f32 v12, v8;
	v5 =	vmul.f32 v10, v5;
	_ =	sdelay $0x1  }
0x28d: {  	v6 =	vmul.f32 v8, v6;
	v5 =	vadd.f32 v5, v9  }
0x28e: {  	v7 =	vmax.f32 v7, $-2.000000000e+01  }
0x28f: {  	v7 =	vmin.f32 v7, $2.000000000e+01;
	v5 =	vsel vm3, v6, v5  }
0x290: {  	s14 =	sadd.s32 $0x1, s14;
	[tilespmem:s16+$0x2C00] =	vst v7;
	v6 =	vmax.f32 v5, $-2.000000000e+01  }
0x291: {  	p0 =	sne.s32 s14, $0x80;
	[tilespmem:s17+$0x0] =	vst v5;
	v5 =	vmin.f32 v6, $2.000000000e+01  }
.Ltmp11:
0x292: {  	s15 =	sadd.s32 s6, s15;
	[tilespmem:s17+$0x2C00] =	vst v5;
	(pc) =	sbr.rel @p0 .LBB2_2-.Ltmp11, $4  }
0x293: {  	[hbm4b:s15+s2] =	stream.linear.scatter [tilespmem:s12], [sflag:$0x1], $0x2C00, $0x38;
	[tilespmem:$0x5980] =	vst v63  }
0x294: {  	_ =	swait.ge [sflag:s10], $0x2C00  }
0x295: {  	[sflag:s10] =	ssyncset.done $0x0  }
0x296: {  	[sflag:s10] =	ssyncadd.s32 $0xFFFFD400  }
0x297: {  	s13 =	sadd.s32 $0x1, s13  }
0x298: {  	p0 =	sne.s32 s13, s8  }
.Ltmp12:
0x299: {  	_ = 	snop;
	(pc) =	sbr.rel @p0 .LBB2_1-.Ltmp12, $1  }
0x29a: {  	_ =	sdelay $0x3  }
0x29b: {  	_ =	sfence.sel $0x180000  }
0x29c: {  	[bflag:$0x0] =	sbarrier.arrive $0xFFFF  }
0x29d: {  	p0 =	sne.s32 s4, $0x0;
	_ =	strace $0x90000047  }
0x29e: {  	s0 =	sadd.s32 @!p0 $0x100000, s1;
	[bflag:$0x2] =	sbarrier.arrive $0xFFFF  }
0x29f: {  	[sflag:s0] =	ssyncadd.tile.s32 @!p0 $0x1;
	_ =	shalt  }
.Lfunc_end2:
_tile_overlayer_lowered:
.L_overlay_start_2:
0x2a0: {  	(tag) =	ssettag $0x2  }
0x2a1: {  	s0 =	rddreg [dreg:$0x0];
	s2 =	stileid.u32  }
0x2a2: {  	s1 =	rddreg [dreg:$0x1];
	p0 =	sne.s32 s2, $0x0  }
0x2a3: {  	s3 =	rddreg [dreg:$0x2];
	[bflag:$0x3] =	sbarrier.arrive $0xFFFF;
	s2 =	simm.s32 @!p0 $0x1C01  }
0x2a4: {  	[timem:s3], [sflag:s2] =	dma.local @!p0 [hbm:s0], s1  }
0x2a5: {  	s0 =	simm.s32 @!p0 $0x1  }
0x2a6: {  	_ =	swait.ge @!p0 [sflag:s0], s1  }
0x2a7: {  	s1 =	ssub.s32 @!p0 $0x0, s1;
	[sflag:s0] =	ssyncset.done @!p0 $0x0  }
0x2a8: {  	[sflag:s0] =	ssyncadd.s32 @!p0 s1  }
0x2a9: {  	[bflag:$0x3] =	sbarrier.arrive $0xFFFF  }
0x2aa: {  	_ =	shalt  }

// kernel: sparse-core-data-format-call.cloned.1.call-start
scs
called_computation_lowered:
.L_overlay_start_0:
0x0: {  	s2 =	sld [smem:$0x3FD9]  }
0x1: {  	s3 =	sld [smem:$0x3FFE];
	_ =	sdelay $0x1  }
0x2: {  	s1 =	srdreg.scid  }
0x3: {  	s0 =	sand.u32 $0x1, s1  }
0x4: {  	s18 =	sshll.u32 s0, $0xA;
	s2 =	sadd.s32 s3, s2  }
0x5: {  	s2 =	sadd.s32 s2, s18  }
0x6: {  	[smem:$0x3FC4] =	sst s2  }
0x7: {  	_ = 	snop  }
0x8: {  	s2 =	sld [smem:$0x3FD0];
	(tm) =	ssettm $0x1  }
0x9: {  	s19 =	sld [smem:$0x3FFB];
	_ =	sdelay $0x3  }
0xa: {  	_ =	strace s19  }
0xb: {  	s3 =	sld [smem:$0x3FFC];
	_ =	sdelay $0x3  }
0xc: {  	_ =	strace s3  }
0xd: {  	s3 =	sld [smem:$0x3FFD];
	_ =	sdelay $0x3  }
0xe: {  	_ =	strace s3  }
0xf: {  	_ =	strace $0x8FFFFFFF  }
0x10: {  	s20 =	sld [smem:$0x3FDB];
	_ =	sdelay $0x1  }
0x11: {  	s4 =	simm.s32 $_scs_section_size  }
0x12: {  	s5 =	simm.s32 $_size__tile_overlayer_lowered;
	s6 =	simm.s32 $_tile_overlayer_lowered  }
0x13: {  	s23 =	simm.s32 $0x1BFF;
	s22 =	sshll.u32 s6, $0x1;
	s3 =	sadd.s32 s4, s20  }
0x14: {  	s7 =	simm.s32 $0x0;
	s21 =	sshll.u32 s5, $0x1;
	s5 =	sadd.s32 s22, s3  }
0x15: {  	[timem:s7], [sflag:s23] =	dma.local [hbm:s5], s21  }
0x16: {  	_ =	swait.ge [sflag:s23], s21  }
0x17: {  	s4 =	ssub.s32 $0x0, s21;
	[sflag:s23] =	ssyncset.done $0x0  }
0x18: {  	[sflag:s23] =	ssyncadd.s32 s4;
	_ =	sdelay $0x1  }
0x19: {  	s24 =	simm.s32 $0x1B8B  }
0x1a: {  	_ =	swait.ge [sflag:s24], $0x1  }
0x1b: {  	[sflag:s24] =	ssyncset.done $0x0  }
0x1c: {  	s26 =	simm.s32 $0x1B8E;
	s25 =	sld [smem:$0x3FFE];
	[sflag:s24] =	ssyncadd.s32 $0xFFFFFFFF  }
0x1d: {  	s27 =	simm.s32 $execute0_lowered;
	[smem:$0x3FD2] =	sst s26  }
0x1e: {  	s5 =	sshll.u32 s27, $0x1;
	_ =	strace $0x80000049;
	[dreg:$0x1] =	wrdreg $0xFFFFFFFF  }
0x1f: {  	s28 =	simm.s32 $_size_execute0_lowered;
	s3 =	sadd.s32 s3, s5;
	[dreg:$0x0] =	wrdreg $0x0  }
0x20: {  	s5 =	sshll.u32 s28, $0x1;
	[dreg:$0x2] =	wrdreg s3  }
0x21: {  	[dreg:$0x3] =	wrdreg s5  }
0x22: {  	[dreg:$0x4] =	wrdreg $0xC0  }
0x23: {  	_ =	task [dreg:s7], $0x5FFFF  }
0x24: {  	[dreg:$0x1] =	wrdreg $0xFFFFFFFF  }
0x25: {  	[dreg:$0x0] =	wrdreg $0x60  }
0x26: {  	[dreg:$0x2] =	wrdreg s25  }
0x27: {  	[dreg:$0x3] =	wrdreg s2  }
0x28: {  	[dreg:$0x4] =	wrdreg $0x9  }
0x29: {  	_ =	task.clear_ibuf [dreg:s7], $0x5FFFF;
	_ =	strace $0x90000049  }
0x2a: {  	s29 =	simm.s32 $0x9;
	_ =	strace $0x8000004B  }
0x2b: {  	_ =	swait.ge [sflag:s29], $0x1  }
0x2c: {  	[sflag:s29] =	ssyncadd.s32 $0xFFFFFFFF  }
0x2d: {  	_ =	strace $0x9000004B  }
0x2e: {  	_ =	sfence  }
0x2f: {  	s30 =	sld [smem:$0x0];
	_ =	sdelay $0x2  }
0x30: {  	s31 =	sshll.u32 s1, $0xD;
	s1 =	sshrl.u32 s1, $0x2  }
0x31: {  	s3 =	sand.u32 $0x4000, s31;
	s1 =	sadd.s32 s1, s30  }
0x32: {  	s0 =	sor.u32 s3, s0;
	s1 =	sshll.u32 s1, $0x11  }
0x33: {  	s0 =	sor.u32 s1, s0  }
0x34: {  	s0 =	sadd.s32 $0x8F2B, s0  }
0x35: {  	[sflag:s0] =	ssyncadd.remote.s32 $0x1  }
0x36: {  	_ =	sfence.sel $0xFFFF  }
0x37: {  	[dreg:$0x0] =	wrdreg $0xFFFFFFFF;
	(pc) =	sbr.abs _section_cstart, $3  }
0x38: {  	[dreg:$0x1] =	wrdreg $0xFFFFFFFF  }
0x39: {  	_ =	task.clear_ibuf [dreg:s7], $0x2FFFF;
	_ =	strace $0x9FFFFFFF  }
0x3a: {  	(tm) =	ssettm $0x7FFFFFFF  }
0x3b: {  	_ =	shalt  }
tec
execute0_lowered:
.L_overlay_start_1:
0x0: {  	(tag) =	ssettag $0x1  }
0x1: {  	s0 =	srdreg.scid  }
0x2: {  	s1 =	sshll.u32 s0, $0x4  }
0x3: {  	s6 =	rddreg [dreg:$0x0];
	s0 =	stileid.u32;
	s1 =	sand.u32 $0x10, s1  }
0x4: {  	s3 =	rddreg [dreg:$0x1];
	s1 =	sor.u32 s0, s1  }
0x5: {  	s5 =	simm.s32 $0x1;
	s31 =	simm.s32 $0x2;
	s2 =	sshll.u32 s1, $0x7  }
0x6: {  	s14 =	simm.s32 $0x0;
	s8 =	simm.s32 $0x2000;
	s4 =	ssub.s32 $0x1000, s2  }
0x7: {  	s9 =	simm.s32 $0x0;
	s15 =	simm.s32 $0x0;
	s30 =	sand.u32 $0xF80, s4  }
0x8: {  	s16 =	simm.s32 $0x0;
	s10 =	simm.s32 $0x0;
	p0 =	sne.s32 s30, $0x0  }
.Ltmp0:
0x9: {  	s7 =	sshrl.u32 s4, $0xC;
	s5 =	simm.s32 @!p0 $0x0;
	(pc) =	sbr.rel .LBB1_1-.Ltmp0, $4  }
0xa: {  	s11 =	simm.s32 $0x0;
	s1 =	rddreg [dreg:$0x2];
	s5 =	sadd.s32 s5, s7  }
0xb: {  	_ =	strace $0x8000004A;
	s4 =	simm.s32 $0x1;
	s5 =	smul.u32 $0x58, s5  }
0xc: {  	s13 =	simm.s32 $0x0;
	s6 =	sadd.s32 $0x580C00, s6;
	[sflag:s4] =	ssyncpa.u1 $0x0  }
0xd: {  	s12 =	smov.u32 s2;
	[sflag:s31] =	ssyncpa.u1 $0x0;
	s7 =	sor.u32 $0x1, s5  }
.LBB1_4:
0xe: {  	_ =	sdelay $0x3  }
0xf: {  	[tilespmem:v0+s19+$0xFFFFFFD0 ss:$0x1] =	vst.idx.msk $0xffff, v6  }
0x10: {  	v56 =	vld.idx.msk [tilespmem:v1+s18+$0x0 ss:$0x1], $0xffff;
	[tilespmem:v0+s19+$0xFFFFFFE0 ss:$0x1] =	vst.idx.msk $0xffff, v4  }
0x11: {  	v57 =	vld.idx.msk [tilespmem:v1+s18+$0xFFFFFF90 ss:$0x1], $0xffff;
	[tilespmem:v0+s19+$0xFFFFFFF0 ss:$0x1] =	vst.idx.msk $0xffff, v2  }
0x12: {  	v58 =	vld.idx.msk [tilespmem:v1+s18+$0xFFFFFFA0 ss:$0x1], $0xffff;
	[tilespmem:v0+s19+$0x0 ss:$0x1] =	vst.idx.msk $0xffff, v3  }
0x13: {  	v59 =	vld.idx.msk [tilespmem:v1+s18+$0xFFFFFFB0 ss:$0x1], $0xffff;
	[tilespmem:v0+s19+$0x10 ss:$0x1] =	vst.idx.msk $0xffff, v5  }
0x14: {  	v60 =	vld.idx.msk [tilespmem:v1+s18+$0xFFFFFFC0 ss:$0x1], $0xffff;
	[tilespmem:v0+s19+$0x20 ss:$0x1] =	vst.idx.msk $0xffff, v7  }
0x15: {  	v61 =	vld.idx.msk [tilespmem:v1+s18+$0xFFFFFFD0 ss:$0x1], $0xffff;
	[tilespmem:v0+s18+$0x30 ss:$0x1] =	vst.idx.msk $0xffff, v56  }
0x16: {  	v62 =	vld.idx.msk [tilespmem:v1+s18+$0xFFFFFFE0 ss:$0x1], $0xffff;
	[tilespmem:v0+s18+$0xFFFFFFC0 ss:$0x1] =	vst.idx.msk $0xffff, v57  }
0x17: {  	v63 =	vld.idx.msk [tilespmem:v1+s18+$0xFFFFFFF0 ss:$0x1], $0xffff;
	s16 =	sshll.u32 s16, $0x7;
	[tilespmem:v0+s18+$0xFFFFFFD0 ss:$0x1] =	vst.idx.msk $0xffff, v58  }
0x18: {  	s30 =	sand.u32 $0x78, s14;
	s15 =	sshll.u32 s15, $0x13;
	s20 =	sand.u32 $0x380, s16;
	[tilespmem:v0+s18+$0xFFFFFFE0 ss:$0x1] =	vst.idx.msk $0xffff, v59  }
0x19: {  	s31 =	sand.u32 $0x7, s14;
	s16 =	sand.u32 $0x7FC00, s16;
	s19 =	sor.u32 s20, s30;
	[tilespmem:v0+s18+$0xFFFFFFF0 ss:$0x1] =	vst.idx.msk $0xffff, v60  }
0x1a: {  	s15 =	sadd.s32 s3, s15;
	s16 =	sadd.s32 s14, s16;
	s19 =	sshrl.u32 s19, $0x3;
	[tilespmem:v0+s18+$0x0 ss:$0x1] =	vst.idx.msk $0xffff, v61  }
0x1b: {  	s14 =	sshll.u32 s31, $0x12;
	s16 =	sand.u32 $0x7FF80, s16;
	s15 =	sadd.s32 s19, s15;
	[tilespmem:v0+s18+$0x10 ss:$0x1] =	vst.idx.msk $0xffff, v62  }
0x1c: {  	s14 =	sor.u32 $0x400, s14;
	[tilespmem:v0+s18+$0x20 ss:$0x1] =	vst.idx.msk $0xffff, v63;
	s15 =	sadd.s32 s16, s15  }
0x1d: {  	[hbm4b:s15+s14] =	stream.strided.scatter [tilespmem:s17], [sflag:$0x2], $0x4000, s8, s14, $0x38;
	[tilespmem:$0x10000] =	vst v63  }
.LBB1_5:
0x1e: {  	s17 =	sadd.s32 $0x80, s10  }
0x1f: {  	s14 =	simm.s32 $0x1;
	p1 =	sgt.s32 s17, $0x3FF  }
0x20: {  	s14 =	simm.s32 @!p1 $0x0  }
0x21: {  	s18 =	sadd.s32 s14, s11  }
0x22: {  	s20 =	smov.u32 s12;
	s14 =	sadd.s32 $0x1000, s12;
	p2 =	sgt.s32 s18, $0xA  }
0x23: {  	s20 =	smov.u32 @p2 s14  }
0x24: {  	p0 =	slt.u32 s13, $0x2;
	s17 =	simm.s32 @p1 $0x0;
	p1 =	sgt.s32 s20, $0xFFF  }
0x25: {  	s19 =	simm.s32 @!p0 $0x2;
	s20 =	smov.u32 @p1 s2;
	p1 =	sne.s32 s13, s7  }
.Ltmp1:
0x26: {  	_ =	swait.ge @!p0 [sflag:s19], $0x4000;
	(pc) =	sbr.rel @!p1 .LBB1_6-.Ltmp1, $4  }
0x27: {  	s15 =	smov.u32 s11;
	[sflag:s19] =	ssyncset.done @!p0 $0x0  }
0x28: {  	s16 =	smov.u32 s12;
	s9 =	sadd.s32 $0x4000, s9;
	[sflag:s19] =	ssyncadd.s32 @!p0 $0xFFFFC000  }
0x29: {  	s18 =	simm.s32 @p2 $0x0;
	s14 =	smov.u32 s10;
	s10 =	smov.u32 s17  }
0x2a: {  	s11 =	smov.u32 s18;
	s13 =	sadd.s32 $0x1, s13;
	s12 =	smov.u32 s20  }
.LBB1_1:
0x2b: {  	p0 =	sge.u32 s13, s5  }
0x2c: {  	s31 =	sadd.s32 $0xFFFFFFFF, s13;
	s17 =	sshll.u32 @!p0 s11, $0x7  }
0x2d: {  	s18 =	sxor.u32 @!p0 $0xFFFFFFFF, s13;
	s19 =	sand.u32 @!p0 $0x78, s10;
	s20 =	sand.u32 @!p0 $0x380, s17  }
0x2e: {  	s18 =	sshll.u32 @!p0 s18, $0xE;
	s19 =	sor.u32 @!p0 s19, s20;
	s20 =	sshll.u32 @!p0 s12, $0xB  }
0x2f: {  	s17 =	sand.u32 @!p0 $0x400, s17;
	s19 =	sshrl.u32 @!p0 s19, $0x3;
	s20 =	sadd.s32 @!p0 s6, s20  }
0x30: {  	s17 =	sadd.s32 @!p0 s10, s17;
	s19 =	sadd.s32 @!p0 s19, s20;
	s20 =	sand.u32 @!p0 $0x7, s10  }
0x31: {  	s18 =	sand.u32 @!p0 $0x4000, s18;
	s17 =	sand.u32 @!p0 $0x780, s17;
	s20 =	sshll.u32 @!p0 s20, $0x12  }
0x32: {  	s17 =	sadd.s32 @!p0 s17, s19;
	s19 =	sor.u32 @!p0 $0x80, s20;
	s20 =	simm.s32 @!p0 $0x4000  }
0x33: {  	[tilespmem:s18], [sflag:$0x1] =	stream.strided.gather @!p0 [hbm4b:s17+s19], $0x4000, s20, s19, $0x38;
	[tilespmem:$0x10000] =	vst v63  }
0x34: {  	p0 =	sge.u32 s31, s5  }
.Ltmp2:
0x35: {  	_ = 	snop;
	(pc) =	sbr.rel @p0 .LBB1_5-.Ltmp2, $1  }
0x36: {  	_ =	sdelay $0x3  }
0x37: {  	s17 =	sand.u32 $0x4000, s9  }
0x38: {  	s18 =	sor.u32 $0x70, s17  }
0x39: {  	v1 =	vmov s18;
	_ =	sdelay $0x1  }
0x3a: {  	_ =	swait.ge [sflag:s4], $0x4000  }
0x3b: {  	[sflag:s4] =	ssyncset.done $0x0  }
0x3c: {  	s19 =	simm.s32 $0x0;
	[sflag:s4] =	ssyncadd.s32 $0xFFFFC000  }
0x3d: {  	s17 =	sor.u32 $0x8040, s17;
	v7 =	vld.idx.msk [tilespmem:v1+s19+$0x0 ss:$0x1], $0xffff  }
0x3e: {  	v0 =	vmov s17;
	v8 =	vld.idx.msk [tilespmem:v1+s19+$0xFFFFFF90 ss:$0x1], $0xffff  }
0x3f: {  	v6 =	vld.idx.msk [tilespmem:v1+s19+$0xFFFFFFA0 ss:$0x1], $0xffff  }
0x40: {  	v4 =	vld.idx.msk [tilespmem:v1+s19+$0xFFFFFFB0 ss:$0x1], $0xffff  }
0x41: {  	v2 =	vld.idx.msk [tilespmem:v1+s19+$0xFFFFFFC0 ss:$0x1], $0xffff  }
0x42: {  	s31 =	sshll.u32 s13, $0xE;
	v3 =	vld.idx.msk [tilespmem:v1+s19+$0xFFFFFFD0 ss:$0x1], $0xffff  }
0x43: {  	s17 =	sand.u32 $0x4000, s31;
	v5 =	vld.idx.msk [tilespmem:v1+s19+$0xFFFFFFE0 ss:$0x1], $0xffff;
	[tilespmem:v0+s19+$0x30 ss:$0x1] =	vst.idx.msk $0xffff, v7  }
0x44: {  	s20 =	simm.s32 $0x400;
	s18 =	simm.s32 $0x80;
	s17 =	sor.u32 $0x8000, s17;
	[tilespmem:v0+s19+$0xFFFFFFC0 ss:$0x1] =	vst.idx.msk $0xffff, v8;
	v7 =	vld.idx.msk [tilespmem:v1+s19+$0xFFFFFFF0 ss:$0x1], $0xffff  }
.LBB1_3:
0x45: {  	p0 =	sne.s32 s20, $0xFE00;
	v8 =	vld.idx.msk [tilespmem:v1+s18+$0x0 ss:$0x1], $0xffff;
	[tilespmem:v0+s19+$0xFFFFFFD0 ss:$0x1] =	vst.idx.msk $0xffff, v6  }
0x46: {  	v9 =	vld.idx.msk [tilespmem:v1+s18+$0xFFFFFF90 ss:$0x1], $0xffff;
	[tilespmem:v0+s19+$0xFFFFFFE0 ss:$0x1] =	vst.idx.msk $0xffff, v4  }
0x47: {  	v6 =	vld.idx.msk [tilespmem:v1+s18+$0xFFFFFFA0 ss:$0x1], $0xffff;
	[tilespmem:v0+s19+$0xFFFFFFF0 ss:$0x1] =	vst.idx.msk $0xffff, v2  }
.Ltmp3:
0x48: {  	v4 =	vld.idx.msk [tilespmem:v1+s18+$0xFFFFFFB0 ss:$0x1], $0xffff;
	[tilespmem:v0+s19+$0x0 ss:$0x1] =	vst.idx.msk $0xffff, v3;
	(pc) =	sbr.rel @p0 .LBB1_3-.Ltmp3, $4  }
0x49: {  	v2 =	vld.idx.msk [tilespmem:v1+s18+$0xFFFFFFC0 ss:$0x1], $0xffff;
	[tilespmem:v0+s19+$0x10 ss:$0x1] =	vst.idx.msk $0xffff, v5  }
0x4a: {  	v3 =	vld.idx.msk [tilespmem:v1+s18+$0xFFFFFFD0 ss:$0x1], $0xffff;
	[tilespmem:v0+s19+$0x20 ss:$0x1] =	vst.idx.msk $0xffff, v7;
	s19 =	smov.u32 s18  }
0x4b: {  	v5 =	vld.idx.msk [tilespmem:v1+s19+$0xFFFFFFE0 ss:$0x1], $0xffff;
	[tilespmem:v0+s19+$0x30 ss:$0x1] =	vst.idx.msk $0xffff, v8  }
0x4c: {  	s18 =	sshra.s32 s20, $0x2;
	s20 =	sadd.s32 $0x200, s20;
	[tilespmem:v0+s19+$0xFFFFFFC0 ss:$0x1] =	vst.idx.msk $0xffff, v9;
	v7 =	vld.idx.msk [tilespmem:v1+s19+$0xFFFFFFF0 ss:$0x1], $0xffff  }
.Ltmp4:
0x4d: {  	_ = 	snop;
	(pc) =	sbr.rel .LBB1_4-.Ltmp4, $1  }
0x4e: {  	_ =	sdelay $0x3  }
.LBB1_6:
0x4f: {  	_ =	sfence.sel $0x180000  }
0x50: {  	s2 =	simm.s32 $0x1;
	[bflag:$0x0] =	sbarrier.arrive $0xFFFF  }
0x51: {  	s31 =	simm.s32 $0x2;
	[sflag:s2] =	ssyncpa.u1 $0x1  }
0x52: {  	[sflag:s31] =	ssyncpa.u1 $0x1  }
0x53: {  	p0 =	sne.s32 s0, $0x0;
	_ =	strace $0x9000004A  }
0x54: {  	s0 =	sadd.s32 @!p0 $0x100000, s1;
	[bflag:$0x2] =	sbarrier.arrive $0xFFFF  }
0x55: {  	[sflag:s0] =	ssyncadd.tile.s32 @!p0 $0x1;
	_ =	shalt  }
.Lfunc_end1:
_tile_overlayer_lowered:
.L_overlay_start_2:
0x56: {  	(tag) =	ssettag $0x2  }
0x57: {  	s0 =	rddreg [dreg:$0x0];
	s2 =	stileid.u32  }
0x58: {  	s1 =	rddreg [dreg:$0x1];
	p0 =	sne.s32 s2, $0x0  }
0x59: {  	s3 =	rddreg [dreg:$0x2];
	[bflag:$0x3] =	sbarrier.arrive $0xFFFF;
	s2 =	simm.s32 @!p0 $0x1C01  }
0x5a: {  	[timem:s3], [sflag:s2] =	dma.local @!p0 [hbm:s0], s1  }
0x5b: {  	s0 =	simm.s32 @!p0 $0x1  }
0x5c: {  	_ =	swait.ge @!p0 [sflag:s0], s1  }
0x5d: {  	s1 =	ssub.s32 @!p0 $0x0, s1;
	[sflag:s0] =	ssyncset.done @!p0 $0x0  }
0x5e: {  	[sflag:s0] =	ssyncadd.s32 @!p0 s1  }
0x5f: {  	[bflag:$0x3] =	sbarrier.arrive $0xFFFF  }
0x60: {  	_ =	shalt  }

</sc_bundles>
